<compile_context>
chip_gen: v7x
topology: tpu7x:2x2x1
jax: 0.10.2.dev20260603
libtpu: 0.0.44.dev20260713+nightly
codegen_flags: <defaults>
</compile_context>

<pallas_src>
import functools

import jax
import jax.numpy as jnp
from jax import lax
from jax.experimental import pallas as pl
from jax.experimental.pallas import tpu as pltpu
from jax.experimental.pallas import tpu_sc as plsc

_CHUNK = 128
_F32 = jnp.float32
_TILES = 16
_BM = 640
_NBUF = 2


def _make_deg(n, e):
    tiles = _TILES
    rpt = n // tiles
    ept = e // (2 * tiles)
    chunks = -(-ept // _CHUNK)
    cpad = -(-chunks // 8) * 8
    mesh = plsc.VectorSubcoreMesh(core_axis_name="c", subcore_axis_name="s")

    @functools.partial(
        pl.kernel,
        mesh=mesh,
        out_type=jax.ShapeDtypeStruct((2 * n, 128), _F32),
        scratch_types=[
            pltpu.VMEM((80, _CHUNK), jnp.int32),
            pltpu.VMEM((_CHUNK, 128), _F32),
            pltpu.VMEM_SHARED((n + 8, 128), _F32),
            pltpu.SemaphoreType.DMA,
            pltpu.SemaphoreType.DMA,
        ],
    )
    def deg(dstp, ones, deg_cat, didx_all, ones_v, acc, s0, s1):
        cid = lax.axis_index("c")
        sid = lax.axis_index("s")
        sems = (s0, s1)
        r0 = sid * rpt
        pltpu.sync_copy(ones, ones_v)
        for r in range(rpt // _CHUNK):
            pltpu.sync_copy(ones_v, acc.at[pl.ds(r0 + r * _CHUNK, _CHUNK), :])
        base = pl.multiple_of((cid * tiles + sid) * cpad, 8)
        pltpu.sync_copy(dstp.at[pl.ds(base, 80), :], didx_all)
        plsc.subcore_barrier()

        def s_start(b, c):
            pltpu.async_copy(ones_v, acc.at[didx_all.at[c]], sems[b], add=True)

        def s_wait(b, c):
            pltpu.make_async_copy(ones_v, acc.at[didx_all.at[c]], sems[b]).wait()

        m = chunks // 2

        def body(j, carry):
            for b in range(2):
                s_start(b, 2 * j + b)
            for b in range(2):
                s_wait(b, 2 * j + b)
            return carry

        lax.fori_loop(0, m, body, None)
        for c in range(2 * m, chunks):
            s_start(0, c)
            s_wait(0, c)
        plsc.subcore_barrier()
        ob = pl.multiple_of(cid * n + r0, 8)
        pltpu.sync_copy(acc.at[pl.ds(r0, rpt), :], deg_cat.at[pl.ds(ob, rpt), :])

    return deg


def _agg_body(hs, acc, srcp, dstp, sidx_st, didx_st, rbufs, sems,
              sbase, dbase, chunks):
    g = len(rbufs)
    gsems, ssems = sems[:g], sems[g:]
    _H = 40

    def g_start(b, cl):
        pltpu.async_copy(hs.at[sidx_st.at[cl]], rbufs[b], gsems[b])

    def g_wait(b, cl):
        pltpu.make_async_copy(hs.at[sidx_st.at[cl]], rbufs[b], gsems[b]).wait()

    def s_start(b, cl):
        pltpu.async_copy(rbufs[b], acc.at[didx_st.at[cl]], ssems[b], add=True)

    def s_wait(b, cl):
        pltpu.make_async_copy(rbufs[b], acc.at[didx_st.at[cl]], ssems[b]).wait()

    for h in range(-(-chunks // _H)):
        nloc = min(_H, chunks - h * _H)
        pltpu.sync_copy(srcp.at[pl.ds(pl.multiple_of(sbase + h * _H, 8), _H), :],
                        sidx_st)
        pltpu.sync_copy(dstp.at[pl.ds(pl.multiple_of(dbase + h * _H, 8), _H), :],
                        didx_st)
        m = nloc // g

        def body(j, carry):
            for b in range(g):
                g_start(b, g * j + b)
            for b in range(g):
                cl = g * j + b
                g_wait(b, cl)
                s_start(b, cl)
            for b in range(g):
                s_wait(b, g * j + b)
            return carry

        lax.fori_loop(0, m, body, None)
        for cl in range(g * m, nloc):
            g_start(0, cl)
            g_wait(0, cl)
            s_start(0, cl)
            s_wait(0, cl)


def _agg_scratch(n, dh):
    return [
        pltpu.VMEM((40, _CHUNK), jnp.int32),
        pltpu.VMEM((40, _CHUNK), jnp.int32),
    ] + [pltpu.VMEM((_CHUNK, dh), _F32)] * _NBUF + [
        pltpu.VMEM_SHARED((n + 8, dh), _F32),
    ] + [pltpu.SemaphoreType.DMA] * (2 * _NBUF)


def _make_agg_cols(n, e, dh):
    tiles = _TILES
    rpt = n // tiles
    ept = e // tiles
    chunks = -(-ept // _CHUNK)
    cpad = -(-chunks // 8) * 8
    mesh = plsc.VectorSubcoreMesh(core_axis_name="c", subcore_axis_name="s")

    @functools.partial(
        pl.kernel,
        mesh=mesh,
        out_type=jax.ShapeDtypeStruct((2 * n, dh), _F32),
        scratch_types=_agg_scratch(n, dh),
    )
    def agg(hs_cat, srcp, dstp, out_cat, sidx_st, didx_st, *rest):
        rbufs, (acc,), sems = rest[:_NBUF], rest[_NBUF:_NBUF + 1], rest[_NBUF + 1:]
        cid = lax.axis_index("c")
        sid = lax.axis_index("s")
        r0 = sid * rpt
        tb = pl.multiple_of(cid * n + r0, 8)
        pltpu.sync_copy(hs_cat.at[pl.ds(tb, rpt), :], acc.at[pl.ds(r0, rpt), :])
        plsc.subcore_barrier()
        sbase = pl.multiple_of(cid * tiles * cpad + sid * cpad, 8)
        dbase = pl.multiple_of(sid * cpad, 8)
        _agg_body(hs_cat, acc, srcp, dstp, sidx_st, didx_st, rbufs, sems,
                  sbase, dbase, chunks)
        plsc.subcore_barrier()
        pltpu.sync_copy(acc.at[pl.ds(r0, rpt), :], out_cat.at[pl.ds(tb, rpt), :])

    return agg


def _make_agg_edges(n, e, dh):
    tiles = _TILES
    rpt = n // tiles
    ept = e // (2 * tiles)
    chunks = -(-ept // _CHUNK)
    cpad = -(-chunks // 8) * 8
    mesh = plsc.VectorSubcoreMesh(core_axis_name="c", subcore_axis_name="s")

    @functools.partial(
        pl.kernel,
        mesh=mesh,
        out_type=jax.ShapeDtypeStruct((2 * n, dh), _F32),
        scratch_types=_agg_scratch(n, dh),
    )
    def agg(hs, srcp, dstp, out_cat, sidx_st, didx_st, *rest):
        rbufs, (acc,), sems = rest[:_NBUF], rest[_NBUF:_NBUF + 1], rest[_NBUF + 1:]
        cid = lax.axis_index("c")
        sid = lax.axis_index("s")
        r0 = sid * rpt
        tb = pl.multiple_of(cid * n + r0, 8)
        pltpu.sync_copy(hs.at[pl.ds(tb, rpt), :], acc.at[pl.ds(r0, rpt), :])
        plsc.subcore_barrier()
        base = pl.multiple_of((cid * tiles + sid) * cpad, 8)
        _agg_body(hs, acc, srcp, dstp, sidx_st, didx_st, rbufs, sems,
                  base, base, chunks)
        plsc.subcore_barrier()
        ob = pl.multiple_of(cid * n + r0, 8)
        pltpu.sync_copy(acc.at[pl.ds(r0, rpt), :], out_cat.at[pl.ds(ob, rpt), :])

    return agg


def _dinv_of(d0, d1):
    return lax.rsqrt(d0[:, 0:1] + d1[:, 0:1] - 1.0)


def _tc1(x, w1, deg0, deg1):
    n, din = x.shape
    dh2 = w1.shape[1]
    half = dh2 // 2
    npb = n // _BM

    def body(x_ref, w_ref, d0_ref, d1_ref, o_ref, dv_ref):
        dinv = _dinv_of(d0_ref[...], d1_ref[...])
        o_ref[...] = jnp.dot(x_ref[...], w_ref[...], preferred_element_type=_F32) * dinv
        dv_ref[...] = jnp.broadcast_to(dinv, (dinv.shape[0], 16))

    return pl.pallas_call(
        body,
        grid=(2, npb),
        in_specs=[
            pl.BlockSpec((_BM, din), lambda c, i: (i, 0)),
            pl.BlockSpec((din, half), lambda c, i: (0, c)),
            pl.BlockSpec((_BM, 128), lambda c, i: (i, 0)),
            pl.BlockSpec((_BM, 128), lambda c, i: (i, 0)),
        ],
        out_specs=[
            pl.BlockSpec((_BM, half), lambda c, i: (c * npb + i, 0)),
            pl.BlockSpec((_BM, 16), lambda c, i: (i, 0)),
        ],
        out_shape=[
            jax.ShapeDtypeStruct((2 * n, half), _F32),
            jax.ShapeDtypeStruct((n, 16), _F32),
        ],
    )(x, w1, deg0, deg1)


def _tc2(acc0, acc1, dinv16, b1, w2):
    n, half1 = acc0.shape
    dh = 2 * half1
    dout = w2.shape[1]

    npb = n // _BM

    def body(a0_ref, a1_ref, dv_ref, b_ref, w_ref, o_ref):
        dinv = dv_ref[:, 0:1]
        a = jnp.concatenate([a0_ref[...], a1_ref[...]], axis=1)
        h1 = jnp.maximum(a * dinv + b_ref[...], 0.0)
        o_ref[...] = jnp.dot(h1, w_ref[...], preferred_element_type=_F32) * dinv

    return pl.pallas_call(
        body,
        grid=(2, npb),
        in_specs=[
            pl.BlockSpec((_BM, half1), lambda c, i: (i, 0)),
            pl.BlockSpec((_BM, half1), lambda c, i: (i, 0)),
            pl.BlockSpec((_BM, 16), lambda c, i: (i, 0)),
            pl.BlockSpec((1, dh), lambda c, i: (0, 0)),
            pl.BlockSpec((dh, dout), lambda c, i: (0, 0)),
        ],
        out_specs=pl.BlockSpec((_BM, dout), lambda c, i: (c * npb + i, 0)),
        out_shape=jax.ShapeDtypeStruct((2 * n, dout), _F32),
    )(acc0, acc1, dinv16, b1, w2)


def _tc3(p0, p1, hs2, dinv16, b2):
    n, dout = p0.shape

    def body(a0_ref, a1_ref, h_ref, dv_ref, b_ref, o_ref):
        dinv = dv_ref[:, 0:1]
        a = a0_ref[...] + a1_ref[...] - h_ref[...]
        o_ref[...] = a * dinv + b_ref[...]

    return pl.pallas_call(
        body,
        grid=(n // _BM,),
        in_specs=[
            pl.BlockSpec((_BM, dout), lambda i: (i, 0)),
            pl.BlockSpec((_BM, dout), lambda i: (i, 0)),
            pl.BlockSpec((_BM, dout), lambda i: (i, 0)),
            pl.BlockSpec((_BM, 16), lambda i: (i, 0)),
            pl.BlockSpec((1, dout), lambda i: (0, 0)),
        ],
        out_specs=pl.BlockSpec((_BM, dout), lambda i: (i, 0)),
        out_shape=jax.ShapeDtypeStruct((n, dout), _F32),
    )(p0, p1, hs2, dinv16, b2)


def _tile_pad_idx(a, tiles, ch, fill):
    ept = a.shape[0] // tiles
    chunks = -(-ept // ch)
    cpad = -(-chunks // 8) * 8
    a2 = a.reshape(tiles, ept)
    a2 = jnp.pad(a2, ((0, 0), (0, chunks * ch - ept)), constant_values=fill)
    a3 = a2.reshape(tiles, chunks, ch)
    a3 = jnp.pad(a3, ((0, 0), (0, cpad - chunks), (0, 0)), constant_values=fill)
    return a3.reshape(tiles * cpad, ch)


def kernel(x, edge_index, W1, b1, W2, b2):
    n = x.shape[0]
    e = edge_index.shape[1]
    src = edge_index[0]
    dst = edge_index[1]

    step = _TILES * _BM
    np_ = ((n + step - 1) // step) * step
    x_p = jnp.pad(x, ((0, np_ - n), (0, 0)))

    spe = _tile_pad_idx(src, 2 * _TILES, _CHUNK, 0)
    dpe = _tile_pad_idx(dst, 2 * _TILES, _CHUNK, np_)
    ones = jnp.ones((_CHUNK, 128), _F32)
    deg_cat = _make_deg(np_, e)(dpe, ones)
    deg0, deg1 = deg_cat[:np_], deg_cat[np_:]

    hs_cat, dinv16 = _tc1(x_p, W1, deg0, deg1)
    sp16 = _tile_pad_idx(src, _TILES, _CHUNK, 0)
    srcp = jnp.concatenate([sp16, sp16 + np_])
    dstp = _tile_pad_idx(dst, _TILES, _CHUNK, np_)
    acc_cat = _make_agg_cols(np_, e, W1.shape[1] // 2)(hs_cat, srcp, dstp)
    acc0, acc1 = acc_cat[:np_], acc_cat[np_:]

    hs2_cat = _tc2(acc0, acc1, dinv16, b1.reshape(1, -1), W2)
    half_rows = spe.shape[0] // 2
    spe2 = jnp.concatenate([spe[:half_rows], spe[half_rows:] + np_])
    p_cat = _make_agg_edges(np_, e, W2.shape[1])(hs2_cat, spe2, dpe)
    p0, p1 = p_cat[:np_], p_cat[np_:]
    return _tc3(p0, p1, hs2_cat[:np_], dinv16, b2.reshape(1, -1))[:n]

# --- scband reference (transcript-rebuilt; emitter-appended) ---
"""Pipeline reference for scband-gcn-encoder-51453708206754 (READ-ONLY COPY).

The authoritative reference and input builder live on the scoring server;
editing this copy changes nothing except your own understanding.
"""

import jax, jax.numpy as jnp
import numpy as np

N = 10000
E = 320000
D_IN = 128
D_HID = 256
D_OUT = 128


def glorot(key, shape):
    fan_in, fan_out = shape[0], shape[1]
    limit = np.sqrt(6.0 / (fan_in + fan_out))
    return jax.random.uniform(key, shape, dtype=jnp.float32, minval=-limit, maxval=limit)


def setup_inputs(seed: int = 0) -> dict:
    key = jax.random.key(seed)
    k1, k2, k3, k4 = jax.random.split(key, 4)
    x = jax.random.normal(k1, (N, D_IN), dtype=jnp.float32)
    edge_index = jax.random.randint(k2, (2, E), 0, N, dtype=jnp.int32)
    W1 = glorot(k3, (D_IN, D_HID))
    b1 = jnp.zeros((D_HID,), dtype=jnp.float32)
    W2 = glorot(k4, (D_HID, D_OUT))
    b2 = jnp.zeros((D_OUT,), dtype=jnp.float32)
    return {"x": x, "edge_index": edge_index, "W1": W1, "b1": b1, "W2": W2, "b2": b2}


def gcn_conv(x, edge_index, W, b):
    # PyG GCNConv: add self-loops, linear transform, symmetric normalization, scatter-add aggregate
    n = x.shape[0]
    src = edge_index[0]
    dst = edge_index[1]
    loop = jnp.arange(n, dtype=src.dtype)
    src = jnp.concatenate([src, loop])
    dst = jnp.concatenate([dst, loop])
    h = x @ W
    ones = jnp.ones(src.shape[0], dtype=h.dtype)
    deg = jnp.zeros(n, dtype=h.dtype).at[dst].add(ones)
    dinv = jnp.where(deg > 0, 1.0 / jnp.sqrt(deg), 0.0)
    norm = dinv[src] * dinv[dst]
    msg = h[src] * norm[:, None]
    out = jax.ops.segment_sum(msg, dst, num_segments=n)
    return out + b


def reference(x, edge_index, W1, b1, W2, b2):
    h = jax.nn.relu(gcn_conv(x, edge_index, W1, b1))
    return gcn_conv(h, edge_index, W2, b2)

if __name__ == "__main__":
    import jax
    _d = setup_inputs()
    print(jax.jit(kernel)(*tuple(_d.values())))

</pallas_src>

<mosaic_0001>
#map = affine_map<(d0, d1) -> (0, 0)>
module attributes {stable_mosaic.version = 14 : i64} {
  func.func @deg(%arg0: i32, %arg1: i32, %arg2: memref<2560x128xi32, #tpu.memory_space<hbm>>, %arg3: memref<128x128xf32, #tpu.memory_space<hbm>>, %arg4: memref<20480x128xf32, #tpu.memory_space<hbm>>, %arg5: memref<80x128xi32, #tpu.memory_space<vmem>>, %arg6: memref<128x128xf32, #tpu.memory_space<vmem>>, %arg7: memref<10248x128xf32, #tpu.memory_space<vmem_shared>>, %arg8: memref<!tpu.dma_semaphore, #tpu.memory_space<semaphore_mem>>, %arg9: memref<!tpu.dma_semaphore, #tpu.memory_space<semaphore_mem>>) attributes {dimension_semantics = [#tpu.dimension_semantics<core_parallel>, #tpu.dimension_semantics<subcore_parallel>], iteration_bounds = array<i64: 2, 16>, scalar_prefetch = 0 : i64, scratch_operands = 5 : i64, tpu.core_type = #tpu.core_type<sc_vector_subcore>, window_params = [{transform_indices = #map}, {transform_indices = #map}, {transform_indices = #map}]} {
    %mul3A = arith.constant 640 : i32
    %mul3A_0 = arith.muli %arg1, %mul3A : i32
    "tpu.region"() ({
      %run_scoped3A = tpu.sem_alloc : memref<!tpu.dma_semaphore, #tpu.memory_space<semaphore_mem>>
      tpu.enqueue_dma source(%arg3 : memref<128x128xf32, #tpu.memory_space<hbm>>) target(%arg6 : memref<128x128xf32, #tpu.memory_space<vmem>>) target_semaphore(%run_scoped3A : memref<!tpu.dma_semaphore, #tpu.memory_space<semaphore_mem>>)
      tpu.wait_dma2 semaphore(%run_scoped3A : memref<!tpu.dma_semaphore, #tpu.memory_space<semaphore_mem>>) src(%arg3 : memref<128x128xf32, #tpu.memory_space<hbm>>) dst(%arg6 : memref<128x128xf32, #tpu.memory_space<vmem>>)
      tpu.yield
    }) : () -> ()
    %add3A = arith.constant 0 : i32
    %add3A_1 = arith.addi %mul3A_0, %add3A : i32
    "tpu.region"() ({
      %run_scoped3A = tpu.sem_alloc : memref<!tpu.dma_semaphore, #tpu.memory_space<semaphore_mem>>
      %dma_start3A_36 = arith.constant 0 : i32
      %dma_start3A_37 = tpu.memref_slice %arg7[%add3A_1, %dma_start3A_36] : memref<10248x128xf32, #tpu.memory_space<vmem_shared>> -> memref<128x128xf32, #tpu.memory_space<vmem_shared>>
      %dma_start3A_38 = arith.constant 0 : i32
      %dma_start3A_39 = tpu.memref_slice %arg7[%add3A_1, %dma_start3A_38] : memref<10248x128xf32, #tpu.memory_space<vmem_shared>> -> memref<128x128xf32, #tpu.memory_space<vmem_shared>>
      tpu.enqueue_dma source(%arg6 : memref<128x128xf32, #tpu.memory_space<vmem>>) target(%dma_start3A_39 : memref<128x128xf32, #tpu.memory_space<vmem_shared>>) target_semaphore(%run_scoped3A : memref<!tpu.dma_semaphore, #tpu.memory_space<semaphore_mem>>)
      %dma_wait3A_40 = arith.constant 0 : i32
      %dma_wait3A_41 = tpu.memref_slice %arg7[%add3A_1, %dma_wait3A_40] : memref<10248x128xf32, #tpu.memory_space<vmem_shared>> -> memref<128x128xf32, #tpu.memory_space<vmem_shared>>
      %dma_wait3A_42 = arith.constant 0 : i32
      %dma_wait3A_43 = tpu.memref_slice %arg7[%add3A_1, %dma_wait3A_42] : memref<10248x128xf32, #tpu.memory_space<vmem_shared>> -> memref<128x128xf32, #tpu.memory_space<vmem_shared>>
      tpu.wait_dma2 semaphore(%run_scoped3A : memref<!tpu.dma_semaphore, #tpu.memory_space<semaphore_mem>>) src(%arg6 : memref<128x128xf32, #tpu.memory_space<vmem>>) dst(%dma_wait3A_43 : memref<128x128xf32, #tpu.memory_space<vmem_shared>>)
      tpu.yield
    }) : () -> ()
    %add3A_2 = arith.constant 128 : i32
    %add3A_3 = arith.addi %mul3A_0, %add3A_2 : i32
    "tpu.region"() ({
      %run_scoped3A = tpu.sem_alloc : memref<!tpu.dma_semaphore, #tpu.memory_space<semaphore_mem>>
      %dma_start3A_36 = arith.constant 0 : i32
      %dma_start3A_37 = tpu.memref_slice %arg7[%add3A_3, %dma_start3A_36] : memref<10248x128xf32, #tpu.memory_space<vmem_shared>> -> memref<128x128xf32, #tpu.memory_space<vmem_shared>>
      %dma_start3A_38 = arith.constant 0 : i32
      %dma_start3A_39 = tpu.memref_slice %arg7[%add3A_3, %dma_start3A_38] : memref<10248x128xf32, #tpu.memory_space<vmem_shared>> -> memref<128x128xf32, #tpu.memory_space<vmem_shared>>
      tpu.enqueue_dma source(%arg6 : memref<128x128xf32, #tpu.memory_space<vmem>>) target(%dma_start3A_39 : memref<128x128xf32, #tpu.memory_space<vmem_shared>>) target_semaphore(%run_scoped3A : memref<!tpu.dma_semaphore, #tpu.memory_space<semaphore_mem>>)
      %dma_wait3A_40 = arith.constant 0 : i32
      %dma_wait3A_41 = tpu.memref_slice %arg7[%add3A_3, %dma_wait3A_40] : memref<10248x128xf32, #tpu.memory_space<vmem_shared>> -> memref<128x128xf32, #tpu.memory_space<vmem_shared>>
      %dma_wait3A_42 = arith.constant 0 : i32
      %dma_wait3A_43 = tpu.memref_slice %arg7[%add3A_3, %dma_wait3A_42] : memref<10248x128xf32, #tpu.memory_space<vmem_shared>> -> memref<128x128xf32, #tpu.memory_space<vmem_shared>>
      tpu.wait_dma2 semaphore(%run_scoped3A : memref<!tpu.dma_semaphore, #tpu.memory_space<semaphore_mem>>) src(%arg6 : memref<128x128xf32, #tpu.memory_space<vmem>>) dst(%dma_wait3A_43 : memref<128x128xf32, #tpu.memory_space<vmem_shared>>)
      tpu.yield
    }) : () -> ()
    %add3A_4 = arith.constant 256 : i32
    %add3A_5 = arith.addi %mul3A_0, %add3A_4 : i32
    "tpu.region"() ({
      %run_scoped3A = tpu.sem_alloc : memref<!tpu.dma_semaphore, #tpu.memory_space<semaphore_mem>>
      %dma_start3A_36 = arith.constant 0 : i32
      %dma_start3A_37 = tpu.memref_slice %arg7[%add3A_5, %dma_start3A_36] : memref<10248x128xf32, #tpu.memory_space<vmem_shared>> -> memref<128x128xf32, #tpu.memory_space<vmem_shared>>
      %dma_start3A_38 = arith.constant 0 : i32
      %dma_start3A_39 = tpu.memref_slice %arg7[%add3A_5, %dma_start3A_38] : memref<10248x128xf32, #tpu.memory_space<vmem_shared>> -> memref<128x128xf32, #tpu.memory_space<vmem_shared>>
      tpu.enqueue_dma source(%arg6 : memref<128x128xf32, #tpu.memory_space<vmem>>) target(%dma_start3A_39 : memref<128x128xf32, #tpu.memory_space<vmem_shared>>) target_semaphore(%run_scoped3A : memref<!tpu.dma_semaphore, #tpu.memory_space<semaphore_mem>>)
      %dma_wait3A_40 = arith.constant 0 : i32
      %dma_wait3A_41 = tpu.memref_slice %arg7[%add3A_5, %dma_wait3A_40] : memref<10248x128xf32, #tpu.memory_space<vmem_shared>> -> memref<128x128xf32, #tpu.memory_space<vmem_shared>>
      %dma_wait3A_42 = arith.constant 0 : i32
      %dma_wait3A_43 = tpu.memref_slice %arg7[%add3A_5, %dma_wait3A_42] : memref<10248x128xf32, #tpu.memory_space<vmem_shared>> -> memref<128x128xf32, #tpu.memory_space<vmem_shared>>
      tpu.wait_dma2 semaphore(%run_scoped3A : memref<!tpu.dma_semaphore, #tpu.memory_space<semaphore_mem>>) src(%arg6 : memref<128x128xf32, #tpu.memory_space<vmem>>) dst(%dma_wait3A_43 : memref<128x128xf32, #tpu.memory_space<vmem_shared>>)
      tpu.yield
    }) : () -> ()
    %add3A_6 = arith.constant 384 : i32
    %add3A_7 = arith.addi %mul3A_0, %add3A_6 : i32
    "tpu.region"() ({
      %run_scoped3A = tpu.sem_alloc : memref<!tpu.dma_semaphore, #tpu.memory_space<semaphore_mem>>
      %dma_start3A_36 = arith.constant 0 : i32
      %dma_start3A_37 = tpu.memref_slice %arg7[%add3A_7, %dma_start3A_36] : memref<10248x128xf32, #tpu.memory_space<vmem_shared>> -> memref<128x128xf32, #tpu.memory_space<vmem_shared>>
      %dma_start3A_38 = arith.constant 0 : i32
      %dma_start3A_39 = tpu.memref_slice %arg7[%add3A_7, %dma_start3A_38] : memref<10248x128xf32, #tpu.memory_space<vmem_shared>> -> memref<128x128xf32, #tpu.memory_space<vmem_shared>>
      tpu.enqueue_dma source(%arg6 : memref<128x128xf32, #tpu.memory_space<vmem>>) target(%dma_start3A_39 : memref<128x128xf32, #tpu.memory_space<vmem_shared>>) target_semaphore(%run_scoped3A : memref<!tpu.dma_semaphore, #tpu.memory_space<semaphore_mem>>)
      %dma_wait3A_40 = arith.constant 0 : i32
      %dma_wait3A_41 = tpu.memref_slice %arg7[%add3A_7, %dma_wait3A_40] : memref<10248x128xf32, #tpu.memory_space<vmem_shared>> -> memref<128x128xf32, #tpu.memory_space<vmem_shared>>
      %dma_wait3A_42 = arith.constant 0 : i32
      %dma_wait3A_43 = tpu.memref_slice %arg7[%add3A_7, %dma_wait3A_42] : memref<10248x128xf32, #tpu.memory_space<vmem_shared>> -> memref<128x128xf32, #tpu.memory_space<vmem_shared>>
      tpu.wait_dma2 semaphore(%run_scoped3A : memref<!tpu.dma_semaphore, #tpu.memory_space<semaphore_mem>>) src(%arg6 : memref<128x128xf32, #tpu.memory_space<vmem>>) dst(%dma_wait3A_43 : memref<128x128xf32, #tpu.memory_space<vmem_shared>>)
      tpu.yield
    }) : () -> ()
    %add3A_8 = arith.constant 512 : i32
    %add3A_9 = arith.addi %mul3A_0, %add3A_8 : i32
    "tpu.region"() ({
      %run_scoped3A = tpu.sem_alloc : memref<!tpu.dma_semaphore, #tpu.memory_space<semaphore_mem>>
      %dma_start3A_36 = arith.constant 0 : i32
      %dma_start3A_37 = tpu.memref_slice %arg7[%add3A_9, %dma_start3A_36] : memref<10248x128xf32, #tpu.memory_space<vmem_shared>> -> memref<128x128xf32, #tpu.memory_space<vmem_shared>>
      %dma_start3A_38 = arith.constant 0 : i32
      %dma_start3A_39 = tpu.memref_slice %arg7[%add3A_9, %dma_start3A_38] : memref<10248x128xf32, #tpu.memory_space<vmem_shared>> -> memref<128x128xf32, #tpu.memory_space<vmem_shared>>
      tpu.enqueue_dma source(%arg6 : memref<128x128xf32, #tpu.memory_space<vmem>>) target(%dma_start3A_39 : memref<128x128xf32, #tpu.memory_space<vmem_shared>>) target_semaphore(%run_scoped3A : memref<!tpu.dma_semaphore, #tpu.memory_space<semaphore_mem>>)
      %dma_wait3A_40 = arith.constant 0 : i32
      %dma_wait3A_41 = tpu.memref_slice %arg7[%add3A_9, %dma_wait3A_40] : memref<10248x128xf32, #tpu.memory_space<vmem_shared>> -> memref<128x128xf32, #tpu.memory_space<vmem_shared>>
      %dma_wait3A_42 = arith.constant 0 : i32
      %dma_wait3A_43 = tpu.memref_slice %arg7[%add3A_9, %dma_wait3A_42] : memref<10248x128xf32, #tpu.memory_space<vmem_shared>> -> memref<128x128xf32, #tpu.memory_space<vmem_shared>>
      tpu.wait_dma2 semaphore(%run_scoped3A : memref<!tpu.dma_semaphore, #tpu.memory_space<semaphore_mem>>) src(%arg6 : memref<128x128xf32, #tpu.memory_space<vmem>>) dst(%dma_wait3A_43 : memref<128x128xf32, #tpu.memory_space<vmem_shared>>)
      tpu.yield
    }) : () -> ()
    %mul3A_10 = arith.constant 16 : i32
    %mul3A_11 = arith.muli %arg0, %mul3A_10 : i32
    %add3A_12 = arith.addi %mul3A_11, %arg1 : i32
    %mul3A_13 = arith.constant 80 : i32
    %mul3A_14 = arith.muli %add3A_12, %mul3A_13 : i32
    %multiple_of3A = tpu.assume_multiple %mul3A_14, 8 : i32
    "tpu.region"() ({
      %run_scoped3A = tpu.sem_alloc : memref<!tpu.dma_semaphore, #tpu.memory_space<semaphore_mem>>
      %dma_start3A_36 = arith.constant 0 : i32
      %dma_start3A_37 = tpu.memref_slice %arg2[%multiple_of3A, %dma_start3A_36] : memref<2560x128xi32, #tpu.memory_space<hbm>> -> memref<80x128xi32, #tpu.memory_space<hbm>>
      %dma_start3A_38 = arith.constant 0 : i32
      %dma_start3A_39 = tpu.memref_slice %arg2[%multiple_of3A, %dma_start3A_38] : memref<2560x128xi32, #tpu.memory_space<hbm>> -> memref<80x128xi32, #tpu.memory_space<hbm>>
      tpu.enqueue_dma source(%dma_start3A_39 : memref<80x128xi32, #tpu.memory_space<hbm>>) target(%arg5 : memref<80x128xi32, #tpu.memory_space<vmem>>) target_semaphore(%run_scoped3A : memref<!tpu.dma_semaphore, #tpu.memory_space<semaphore_mem>>)
      %dma_wait3A_40 = arith.constant 0 : i32
      %dma_wait3A_41 = tpu.memref_slice %arg2[%multiple_of3A, %dma_wait3A_40] : memref<2560x128xi32, #tpu.memory_space<hbm>> -> memref<80x128xi32, #tpu.memory_space<hbm>>
      %dma_wait3A_42 = arith.constant 0 : i32
      %dma_wait3A_43 = tpu.memref_slice %arg2[%multiple_of3A, %dma_wait3A_42] : memref<2560x128xi32, #tpu.memory_space<hbm>> -> memref<80x128xi32, #tpu.memory_space<hbm>>
      tpu.wait_dma2 semaphore(%run_scoped3A : memref<!tpu.dma_semaphore, #tpu.memory_space<semaphore_mem>>) src(%dma_wait3A_43 : memref<80x128xi32, #tpu.memory_space<hbm>>) dst(%arg5 : memref<80x128xi32, #tpu.memory_space<vmem>>)
      tpu.yield
    }) : () -> ()
    %barrier3A = arith.constant 0 : index
    tpu.barrier barrier_id(%barrier3A)
    %scan3A = arith.constant 0 : i32
    %scan3A_15 = arith.constant 39 : i32
    %scan3A_16 = arith.addi %scan3A, %scan3A_15 : i32
    %scan3A_17 = arith.constant 1 : i32
    scf.for %scan3A_36 = %scan3A to %scan3A_16 step %scan3A_17  : i32 {
      %mul3A_37 = arith.constant 2 : i32
      %mul3A_38 = arith.muli %mul3A_37, %scan3A_36 : i32
      %add3A_39 = arith.constant 0 : i32
      %add3A_40 = arith.addi %mul3A_38, %add3A_39 : i32
      %dma_start3A_41 = arith.constant 0 : i32
      %dma_start3A_42 = tpu.memref_slice %arg5[%add3A_40, %dma_start3A_41] : memref<80x128xi32, #tpu.memory_space<vmem>> -> memref<1x128xi32, #tpu.memory_space<vmem>>
      %dma_start3A_43 = tpu.memref_squeeze %dma_start3A_42 : memref<1x128xi32, #tpu.memory_space<vmem>> -> memref<128xi32, #tpu.memory_space<vmem>>
      %dma_start3A_44 = arith.constant 0 : i32
      %dma_start3A_45 = arith.constant 0 : i32
      %dma_start3A_46 = tpu.memref_slice %arg7[%dma_start3A_44, %dma_start3A_45] : memref<10248x128xf32, #tpu.memory_space<vmem_shared>> -> memref<10248x128xf32, #tpu.memory_space<vmem_shared>>
      tpu.enqueue_indirect_dma source(%arg6 : memref<128x128xf32, #tpu.memory_space<vmem>>) target(%dma_start3A_46 : memref<10248x128xf32, #tpu.memory_space<vmem_shared>>) offsets(%dma_start3A_43 : memref<128xi32, #tpu.memory_space<vmem>>) semaphore(%arg8 : memref<!tpu.dma_semaphore, #tpu.memory_space<semaphore_mem>>) {add = true}
      %mul3A_47 = arith.constant 2 : i32
      %mul3A_48 = arith.muli %mul3A_47, %scan3A_36 : i32
      %add3A_49 = arith.constant 1 : i32
      %add3A_50 = arith.addi %mul3A_48, %add3A_49 : i32
      %dma_start3A_51 = arith.constant 0 : i32
      %dma_start3A_52 = tpu.memref_slice %arg5[%add3A_50, %dma_start3A_51] : memref<80x128xi32, #tpu.memory_space<vmem>> -> memref<1x128xi32, #tpu.memory_space<vmem>>
      %dma_start3A_53 = tpu.memref_squeeze %dma_start3A_52 : memref<1x128xi32, #tpu.memory_space<vmem>> -> memref<128xi32, #tpu.memory_space<vmem>>
      %dma_start3A_54 = arith.constant 0 : i32
      %dma_start3A_55 = arith.constant 0 : i32
      %dma_start3A_56 = tpu.memref_slice %arg7[%dma_start3A_54, %dma_start3A_55] : memref<10248x128xf32, #tpu.memory_space<vmem_shared>> -> memref<10248x128xf32, #tpu.memory_space<vmem_shared>>
      tpu.enqueue_indirect_dma source(%arg6 : memref<128x128xf32, #tpu.memory_space<vmem>>) target(%dma_start3A_56 : memref<10248x128xf32, #tpu.memory_space<vmem_shared>>) offsets(%dma_start3A_53 : memref<128xi32, #tpu.memory_space<vmem>>) semaphore(%arg9 : memref<!tpu.dma_semaphore, #tpu.memory_space<semaphore_mem>>) {add = true}
      %mul3A_57 = arith.constant 2 : i32
      %mul3A_58 = arith.muli %mul3A_57, %scan3A_36 : i32
      %add3A_59 = arith.constant 0 : i32
      %add3A_60 = arith.addi %mul3A_58, %add3A_59 : i32
      %dma_wait3A_61 = arith.constant 0 : i32
      %dma_wait3A_62 = tpu.memref_slice %arg5[%add3A_60, %dma_wait3A_61] : memref<80x128xi32, #tpu.memory_space<vmem>> -> memref<1x128xi32, #tpu.memory_space<vmem>>
      %dma_wait3A_63 = tpu.memref_squeeze %dma_wait3A_62 : memref<1x128xi32, #tpu.memory_space<vmem>> -> memref<128xi32, #tpu.memory_space<vmem>>
      %dma_wait3A_64 = arith.constant 0 : i32
      %dma_wait3A_65 = arith.constant 0 : i32
      %dma_wait3A_66 = tpu.memref_slice %arg7[%dma_wait3A_64, %dma_wait3A_65] : memref<10248x128xf32, #tpu.memory_space<vmem_shared>> -> memref<10248x128xf32, #tpu.memory_space<vmem_shared>>
      tpu.wait_indirect_dma semaphore(%arg8 : memref<!tpu.dma_semaphore, #tpu.memory_space<semaphore_mem>>) src(%arg6 : memref<128x128xf32, #tpu.memory_space<vmem>>) dst(%dma_wait3A_66 : memref<10248x128xf32, #tpu.memory_space<vmem_shared>>)
      %mul3A_67 = arith.constant 2 : i32
      %mul3A_68 = arith.muli %mul3A_67, %scan3A_36 : i32
      %add3A_69 = arith.constant 1 : i32
      %add3A_70 = arith.addi %mul3A_68, %add3A_69 : i32
      %dma_wait3A_71 = arith.constant 0 : i32
      %dma_wait3A_72 = tpu.memref_slice %arg5[%add3A_70, %dma_wait3A_71] : memref<80x128xi32, #tpu.memory_space<vmem>> -> memref<1x128xi32, #tpu.memory_space<vmem>>
      %dma_wait3A_73 = tpu.memref_squeeze %dma_wait3A_72 : memref<1x128xi32, #tpu.memory_space<vmem>> -> memref<128xi32, #tpu.memory_space<vmem>>
      %dma_wait3A_74 = arith.constant 0 : i32
      %dma_wait3A_75 = arith.constant 0 : i32
      %dma_wait3A_76 = tpu.memref_slice %arg7[%dma_wait3A_74, %dma_wait3A_75] : memref<10248x128xf32, #tpu.memory_space<vmem_shared>> -> memref<10248x128xf32, #tpu.memory_space<vmem_shared>>
      tpu.wait_indirect_dma semaphore(%arg9 : memref<!tpu.dma_semaphore, #tpu.memory_space<semaphore_mem>>) src(%arg6 : memref<128x128xf32, #tpu.memory_space<vmem>>) dst(%dma_wait3A_76 : memref<10248x128xf32, #tpu.memory_space<vmem_shared>>)
    }
    %scan3A_18 = arith.constant 39 : i32
    %dma_start3A = arith.constant 78 : i32
    %dma_start3A_19 = arith.constant 0 : i32
    %dma_start3A_20 = tpu.memref_slice %arg5[%dma_start3A, %dma_start3A_19] : memref<80x128xi32, #tpu.memory_space<vmem>> -> memref<1x128xi32, #tpu.memory_space<vmem>>
    %dma_start3A_21 = tpu.memref_squeeze %dma_start3A_20 : memref<1x128xi32, #tpu.memory_space<vmem>> -> memref<128xi32, #tpu.memory_space<vmem>>
    %dma_start3A_22 = arith.constant 0 : i32
    %dma_start3A_23 = arith.constant 0 : i32
    %dma_start3A_24 = tpu.memref_slice %arg7[%dma_start3A_22, %dma_start3A_23] : memref<10248x128xf32, #tpu.memory_space<vmem_shared>> -> memref<10248x128xf32, #tpu.memory_space<vmem_shared>>
    tpu.enqueue_indirect_dma source(%arg6 : memref<128x128xf32, #tpu.memory_space<vmem>>) target(%dma_start3A_24 : memref<10248x128xf32, #tpu.memory_space<vmem_shared>>) offsets(%dma_start3A_21 : memref<128xi32, #tpu.memory_space<vmem>>) semaphore(%arg8 : memref<!tpu.dma_semaphore, #tpu.memory_space<semaphore_mem>>) {add = true}
    %dma_wait3A = arith.constant 78 : i32
    %dma_wait3A_25 = arith.constant 0 : i32
    %dma_wait3A_26 = tpu.memref_slice %arg5[%dma_wait3A, %dma_wait3A_25] : memref<80x128xi32, #tpu.memory_space<vmem>> -> memref<1x128xi32, #tpu.memory_space<vmem>>
    %dma_wait3A_27 = tpu.memref_squeeze %dma_wait3A_26 : memref<1x128xi32, #tpu.memory_space<vmem>> -> memref<128xi32, #tpu.memory_space<vmem>>
    %dma_wait3A_28 = arith.constant 0 : i32
    %dma_wait3A_29 = arith.constant 0 : i32
    %dma_wait3A_30 = tpu.memref_slice %arg7[%dma_wait3A_28, %dma_wait3A_29] : memref<10248x128xf32, #tpu.memory_space<vmem_shared>> -> memref<10248x128xf32, #tpu.memory_space<vmem_shared>>
    tpu.wait_indirect_dma semaphore(%arg8 : memref<!tpu.dma_semaphore, #tpu.memory_space<semaphore_mem>>) src(%arg6 : memref<128x128xf32, #tpu.memory_space<vmem>>) dst(%dma_wait3A_30 : memref<10248x128xf32, #tpu.memory_space<vmem_shared>>)
    %barrier3A_31 = arith.constant 0 : index
    tpu.barrier barrier_id(%barrier3A_31)
    %mul3A_32 = arith.constant 10240 : i32
    %mul3A_33 = arith.muli %arg0, %mul3A_32 : i32
    %add3A_34 = arith.addi %mul3A_33, %mul3A_0 : i32
    %multiple_of3A_35 = tpu.assume_multiple %add3A_34, 8 : i32
    "tpu.region"() ({
      %run_scoped3A = tpu.sem_alloc : memref<!tpu.dma_semaphore, #tpu.memory_space<semaphore_mem>>
      %dma_start3A_36 = arith.constant 0 : i32
      %dma_start3A_37 = tpu.memref_slice %arg4[%multiple_of3A_35, %dma_start3A_36] : memref<20480x128xf32, #tpu.memory_space<hbm>> -> memref<640x128xf32, #tpu.memory_space<hbm>>
      %dma_start3A_38 = arith.constant 0 : i32
      %dma_start3A_39 = tpu.memref_slice %arg7[%mul3A_0, %dma_start3A_38] : memref<10248x128xf32, #tpu.memory_space<vmem_shared>> -> memref<640x128xf32, #tpu.memory_space<vmem_shared>>
      tpu.enqueue_dma source(%dma_start3A_39 : memref<640x128xf32, #tpu.memory_space<vmem_shared>>) target(%dma_start3A_37 : memref<640x128xf32, #tpu.memory_space<hbm>>) target_semaphore(%run_scoped3A : memref<!tpu.dma_semaphore, #tpu.memory_space<semaphore_mem>>)
      %dma_wait3A_40 = arith.constant 0 : i32
      %dma_wait3A_41 = tpu.memref_slice %arg4[%multiple_of3A_35, %dma_wait3A_40] : memref<20480x128xf32, #tpu.memory_space<hbm>> -> memref<640x128xf32, #tpu.memory_space<hbm>>
      %dma_wait3A_42 = arith.constant 0 : i32
      %dma_wait3A_43 = tpu.memref_slice %arg7[%mul3A_0, %dma_wait3A_42] : memref<10248x128xf32, #tpu.memory_space<vmem_shared>> -> memref<640x128xf32, #tpu.memory_space<vmem_shared>>
      tpu.wait_dma2 semaphore(%run_scoped3A : memref<!tpu.dma_semaphore, #tpu.memory_space<semaphore_mem>>) src(%dma_wait3A_43 : memref<640x128xf32, #tpu.memory_space<vmem_shared>>) dst(%dma_wait3A_41 : memref<640x128xf32, #tpu.memory_space<hbm>>)
      tpu.yield
    }) : () -> ()
    return
  }
}

#map = affine_map<(d0, d1) -> (0, 0)>
module attributes {stable_mosaic.version = 14 : i64} {
  func.func @agg(%arg0: i32, %arg1: i32, %arg2: memref<20480x128xf32, #tpu.memory_space<hbm>>, %arg3: memref<5120x128xi32, #tpu.memory_space<hbm>>, %arg4: memref<2560x128xi32, #tpu.memory_space<hbm>>, %arg5: memref<20480x128xf32, #tpu.memory_space<hbm>>, %arg6: memref<40x128xi32, #tpu.memory_space<vmem>>, %arg7: memref<40x128xi32, #tpu.memory_space<vmem>>, %arg8: memref<128x128xf32, #tpu.memory_space<vmem>>, %arg9: memref<128x128xf32, #tpu.memory_space<vmem>>, %arg10: memref<10248x128xf32, #tpu.memory_space<vmem_shared>>, %arg11: memref<!tpu.dma_semaphore, #tpu.memory_space<semaphore_mem>>, %arg12: memref<!tpu.dma_semaphore, #tpu.memory_space<semaphore_mem>>, %arg13: memref<!tpu.dma_semaphore, #tpu.memory_space<semaphore_mem>>, %arg14: memref<!tpu.dma_semaphore, #tpu.memory_space<semaphore_mem>>) attributes {dimension_semantics = [#tpu.dimension_semantics<core_parallel>, #tpu.dimension_semantics<subcore_parallel>], iteration_bounds = array<i64: 2, 16>, scalar_prefetch = 0 : i64, scratch_operands = 9 : i64, tpu.core_type = #tpu.core_type<sc_vector_subcore>, window_params = [{transform_indices = #map}, {transform_indices = #map}, {transform_indices = #map}, {transform_indices = #map}]} {
    %mul3A = arith.constant 640 : i32
    %mul3A_0 = arith.muli %arg1, %mul3A : i32
    %mul3A_1 = arith.constant 10240 : i32
    %mul3A_2 = arith.muli %arg0, %mul3A_1 : i32
    %add3A = arith.addi %mul3A_2, %mul3A_0 : i32
    %multiple_of3A = tpu.assume_multiple %add3A, 8 : i32
    "tpu.region"() ({
      %run_scoped3A = tpu.sem_alloc : memref<!tpu.dma_semaphore, #tpu.memory_space<semaphore_mem>>
      %dma_start3A_84 = arith.constant 0 : i32
      %dma_start3A_85 = tpu.memref_slice %arg10[%mul3A_0, %dma_start3A_84] : memref<10248x128xf32, #tpu.memory_space<vmem_shared>> -> memref<640x128xf32, #tpu.memory_space<vmem_shared>>
      %dma_start3A_86 = arith.constant 0 : i32
      %dma_start3A_87 = tpu.memref_slice %arg2[%multiple_of3A, %dma_start3A_86] : memref<20480x128xf32, #tpu.memory_space<hbm>> -> memref<640x128xf32, #tpu.memory_space<hbm>>
      tpu.enqueue_dma source(%dma_start3A_87 : memref<640x128xf32, #tpu.memory_space<hbm>>) target(%dma_start3A_85 : memref<640x128xf32, #tpu.memory_space<vmem_shared>>) target_semaphore(%run_scoped3A : memref<!tpu.dma_semaphore, #tpu.memory_space<semaphore_mem>>)
      %dma_wait3A_88 = arith.constant 0 : i32
      %dma_wait3A_89 = tpu.memref_slice %arg10[%mul3A_0, %dma_wait3A_88] : memref<10248x128xf32, #tpu.memory_space<vmem_shared>> -> memref<640x128xf32, #tpu.memory_space<vmem_shared>>
      %dma_wait3A_90 = arith.constant 0 : i32
      %dma_wait3A_91 = tpu.memref_slice %arg2[%multiple_of3A, %dma_wait3A_90] : memref<20480x128xf32, #tpu.memory_space<hbm>> -> memref<640x128xf32, #tpu.memory_space<hbm>>
      tpu.wait_dma2 semaphore(%run_scoped3A : memref<!tpu.dma_semaphore, #tpu.memory_space<semaphore_mem>>) src(%dma_wait3A_91 : memref<640x128xf32, #tpu.memory_space<hbm>>) dst(%dma_wait3A_89 : memref<640x128xf32, #tpu.memory_space<vmem_shared>>)
      tpu.yield
    }) : () -> ()
    %barrier3A = arith.constant 0 : index
    tpu.barrier barrier_id(%barrier3A)
    %mul3A_3 = arith.constant 16 : i32
    %mul3A_4 = arith.muli %arg0, %mul3A_3 : i32
    %mul3A_5 = arith.constant 160 : i32
    %mul3A_6 = arith.muli %mul3A_4, %mul3A_5 : i32
    %mul3A_7 = arith.constant 160 : i32
    %mul3A_8 = arith.muli %arg1, %mul3A_7 : i32
    %add3A_9 = arith.addi %mul3A_6, %mul3A_8 : i32
    %multiple_of3A_10 = tpu.assume_multiple %add3A_9, 8 : i32
    %mul3A_11 = arith.constant 160 : i32
    %mul3A_12 = arith.muli %arg1, %mul3A_11 : i32
    %multiple_of3A_13 = tpu.assume_multiple %mul3A_12, 8 : i32
    %add3A_14 = arith.constant 0 : i32
    %add3A_15 = arith.addi %multiple_of3A_10, %add3A_14 : i32
    %multiple_of3A_16 = tpu.assume_multiple %add3A_15, 8 : i32
    "tpu.region"() ({
      %run_scoped3A = tpu.sem_alloc : memref<!tpu.dma_semaphore, #tpu.memory_space<semaphore_mem>>
      %dma_start3A_84 = arith.constant 0 : i32
      %dma_start3A_85 = tpu.memref_slice %arg3[%multiple_of3A_16, %dma_start3A_84] : memref<5120x128xi32, #tpu.memory_space<hbm>> -> memref<40x128xi32, #tpu.memory_space<hbm>>
      %dma_start3A_86 = arith.constant 0 : i32
      %dma_start3A_87 = tpu.memref_slice %arg3[%multiple_of3A_16, %dma_start3A_86] : memref<5120x128xi32, #tpu.memory_space<hbm>> -> memref<40x128xi32, #tpu.memory_space<hbm>>
      tpu.enqueue_dma source(%dma_start3A_87 : memref<40x128xi32, #tpu.memory_space<hbm>>) target(%arg6 : memref<40x128xi32, #tpu.memory_space<vmem>>) target_semaphore(%run_scoped3A : memref<!tpu.dma_semaphore, #tpu.memory_space<semaphore_mem>>)
      %dma_wait3A_88 = arith.constant 0 : i32
      %dma_wait3A_89 = tpu.memref_slice %arg3[%multiple_of3A_16, %dma_wait3A_88] : memref<5120x128xi32, #tpu.memory_space<hbm>> -> memref<40x128xi32, #tpu.memory_space<hbm>>
      %dma_wait3A_90 = arith.constant 0 : i32
      %dma_wait3A_91 = tpu.memref_slice %arg3[%multiple_of3A_16, %dma_wait3A_90] : memref<5120x128xi32, #tpu.memory_space<hbm>> -> memref<40x128xi32, #tpu.memory_space<hbm>>
      tpu.wait_dma2 semaphore(%run_scoped3A : memref<!tpu.dma_semaphore, #tpu.memory_space<semaphore_mem>>) src(%dma_wait3A_91 : memref<40x128xi32, #tpu.memory_space<hbm>>) dst(%arg6 : memref<40x128xi32, #tpu.memory_space<vmem>>)
      tpu.yield
    }) : () -> ()
    %add3A_17 = arith.constant 0 : i32
    %add3A_18 = arith.addi %multiple_of3A_13, %add3A_17 : i32
    %multiple_of3A_19 = tpu.assume_multiple %add3A_18, 8 : i32
    "tpu.region"() ({
      %run_scoped3A = tpu.sem_alloc : memref<!tpu.dma_semaphore, #tpu.memory_space<semaphore_mem>>
      %dma_start3A_84 = arith.constant 0 : i32
      %dma_start3A_85 = tpu.memref_slice %arg4[%multiple_of3A_19, %dma_start3A_84] : memref<2560x128xi32, #tpu.memory_space<hbm>> -> memref<40x128xi32, #tpu.memory_space<hbm>>
      %dma_start3A_86 = arith.constant 0 : i32
      %dma_start3A_87 = tpu.memref_slice %arg4[%multiple_of3A_19, %dma_start3A_86] : memref<2560x128xi32, #tpu.memory_space<hbm>> -> memref<40x128xi32, #tpu.memory_space<hbm>>
      tpu.enqueue_dma source(%dma_start3A_87 : memref<40x128xi32, #tpu.memory_space<hbm>>) target(%arg7 : memref<40x128xi32, #tpu.memory_space<vmem>>) target_semaphore(%run_scoped3A : memref<!tpu.dma_semaphore, #tpu.memory_space<semaphore_mem>>)
      %dma_wait3A_88 = arith.constant 0 : i32
      %dma_wait3A_89 = tpu.memref_slice %arg4[%multiple_of3A_19, %dma_wait3A_88] : memref<2560x128xi32, #tpu.memory_space<hbm>> -> memref<40x128xi32, #tpu.memory_space<hbm>>
      %dma_wait3A_90 = arith.constant 0 : i32
      %dma_wait3A_91 = tpu.memref_slice %arg4[%multiple_of3A_19, %dma_wait3A_90] : memref<2560x128xi32, #tpu.memory_space<hbm>> -> memref<40x128xi32, #tpu.memory_space<hbm>>
      tpu.wait_dma2 semaphore(%run_scoped3A : memref<!tpu.dma_semaphore, #tpu.memory_space<semaphore_mem>>) src(%dma_wait3A_91 : memref<40x128xi32, #tpu.memory_space<hbm>>) dst(%arg7 : memref<40x128xi32, #tpu.memory_space<vmem>>)
      tpu.yield
    }) : () -> ()
    %scan3A = arith.constant 0 : i32
    %scan3A_20 = arith.constant 20 : i32
    %scan3A_21 = arith.addi %scan3A, %scan3A_20 : i32
    %scan3A_22 = arith.constant 1 : i32
    scf.for %scan3A_84 = %scan3A to %scan3A_21 step %scan3A_22  : i32 {
      %mul3A_85 = arith.constant 2 : i32
      %mul3A_86 = arith.muli %mul3A_85, %scan3A_84 : i32
      %add3A_87 = arith.constant 0 : i32
      %add3A_88 = arith.addi %mul3A_86, %add3A_87 : i32
      %dma_start3A_89 = arith.constant 0 : i32
      %dma_start3A_90 = tpu.memref_slice %arg6[%add3A_88, %dma_start3A_89] : memref<40x128xi32, #tpu.memory_space<vmem>> -> memref<1x128xi32, #tpu.memory_space<vmem>>
      %dma_start3A_91 = tpu.memref_squeeze %dma_start3A_90 : memref<1x128xi32, #tpu.memory_space<vmem>> -> memref<128xi32, #tpu.memory_space<vmem>>
      %dma_start3A_92 = arith.constant 0 : i32
      %dma_start3A_93 = arith.constant 0 : i32
      %dma_start3A_94 = tpu.memref_slice %arg2[%dma_start3A_92, %dma_start3A_93] : memref<20480x128xf32, #tpu.memory_space<hbm>> -> memref<20480x128xf32, #tpu.memory_space<hbm>>
      tpu.enqueue_indirect_dma source(%dma_start3A_94 : memref<20480x128xf32, #tpu.memory_space<hbm>>) target(%arg8 : memref<128x128xf32, #tpu.memory_space<vmem>>) offsets(%dma_start3A_91 : memref<128xi32, #tpu.memory_space<vmem>>) semaphore(%arg11 : memref<!tpu.dma_semaphore, #tpu.memory_space<semaphore_mem>>)
      %mul3A_95 = arith.constant 2 : i32
      %mul3A_96 = arith.muli %mul3A_95, %scan3A_84 : i32
      %add3A_97 = arith.constant 1 : i32
      %add3A_98 = arith.addi %mul3A_96, %add3A_97 : i32
      %dma_start3A_99 = arith.constant 0 : i32
      %dma_start3A_100 = tpu.memref_slice %arg6[%add3A_98, %dma_start3A_99] : memref<40x128xi32, #tpu.memory_space<vmem>> -> memref<1x128xi32, #tpu.memory_space<vmem>>
      %dma_start3A_101 = tpu.memref_squeeze %dma_start3A_100 : memref<1x128xi32, #tpu.memory_space<vmem>> -> memref<128xi32, #tpu.memory_space<vmem>>
      %dma_start3A_102 = arith.constant 0 : i32
      %dma_start3A_103 = arith.constant 0 : i32
      %dma_start3A_104 = tpu.memref_slice %arg2[%dma_start3A_102, %dma_start3A_103] : memref<20480x128xf32, #tpu.memory_space<hbm>> -> memref<20480x128xf32, #tpu.memory_space<hbm>>
      tpu.enqueue_indirect_dma source(%dma_start3A_104 : memref<20480x128xf32, #tpu.memory_space<hbm>>) target(%arg9 : memref<128x128xf32, #tpu.memory_space<vmem>>) offsets(%dma_start3A_101 : memref<128xi32, #tpu.memory_space<vmem>>) semaphore(%arg12 : memref<!tpu.dma_semaphore, #tpu.memory_space<semaphore_mem>>)
      %mul3A_105 = arith.constant 2 : i32
      %mul3A_106 = arith.muli %mul3A_105, %scan3A_84 : i32
      %add3A_107 = arith.constant 0 : i32
      %add3A_108 = arith.addi %mul3A_106, %add3A_107 : i32
      %dma_wait3A_109 = arith.constant 0 : i32
      %dma_wait3A_110 = tpu.memref_slice %arg6[%add3A_108, %dma_wait3A_109] : memref<40x128xi32, #tpu.memory_space<vmem>> -> memref<1x128xi32, #tpu.memory_space<vmem>>
      %dma_wait3A_111 = tpu.memref_squeeze %dma_wait3A_110 : memref<1x128xi32, #tpu.memory_space<vmem>> -> memref<128xi32, #tpu.memory_space<vmem>>
      %dma_wait3A_112 = arith.constant 0 : i32
      %dma_wait3A_113 = arith.constant 0 : i32
      %dma_wait3A_114 = tpu.memref_slice %arg2[%dma_wait3A_112, %dma_wait3A_113] : memref<20480x128xf32, #tpu.memory_space<hbm>> -> memref<20480x128xf32, #tpu.memory_space<hbm>>
      tpu.wait_indirect_dma semaphore(%arg11 : memref<!tpu.dma_semaphore, #tpu.memory_space<semaphore_mem>>) src(%dma_wait3A_114 : memref<20480x128xf32, #tpu.memory_space<hbm>>) dst(%arg8 : memref<128x128xf32, #tpu.memory_space<vmem>>)
      %dma_start3A_115 = arith.constant 0 : i32
      %dma_start3A_116 = tpu.memref_slice %arg7[%add3A_108, %dma_start3A_115] : memref<40x128xi32, #tpu.memory_space<vmem>> -> memref<1x128xi32, #tpu.memory_space<vmem>>
      %dma_start3A_117 = tpu.memref_squeeze %dma_start3A_116 : memref<1x128xi32, #tpu.memory_space<vmem>> -> memref<128xi32, #tpu.memory_space<vmem>>
      %dma_start3A_118 = arith.constant 0 : i32
      %dma_start3A_119 = arith.constant 0 : i32
      %dma_start3A_120 = tpu.memref_slice %arg10[%dma_start3A_118, %dma_start3A_119] : memref<10248x128xf32, #tpu.memory_space<vmem_shared>> -> memref<10248x128xf32, #tpu.memory_space<vmem_shared>>
      tpu.enqueue_indirect_dma source(%arg8 : memref<128x128xf32, #tpu.memory_space<vmem>>) target(%dma_start3A_120 : memref<10248x128xf32, #tpu.memory_space<vmem_shared>>) offsets(%dma_start3A_117 : memref<128xi32, #tpu.memory_space<vmem>>) semaphore(%arg13 : memref<!tpu.dma_semaphore, #tpu.memory_space<semaphore_mem>>) {add = true}
      %mul3A_121 = arith.constant 2 : i32
      %mul3A_122 = arith.muli %mul3A_121, %scan3A_84 : i32
      %add3A_123 = arith.constant 1 : i32
      %add3A_124 = arith.addi %mul3A_122, %add3A_123 : i32
      %dma_wait3A_125 = arith.constant 0 : i32
      %dma_wait3A_126 = tpu.memref_slice %arg6[%add3A_124, %dma_wait3A_125] : memref<40x128xi32, #tpu.memory_space<vmem>> -> memref<1x128xi32, #tpu.memory_space<vmem>>
      %dma_wait3A_127 = tpu.memref_squeeze %dma_wait3A_126 : memref<1x128xi32, #tpu.memory_space<vmem>> -> memref<128xi32, #tpu.memory_space<vmem>>
      %dma_wait3A_128 = arith.constant 0 : i32
      %dma_wait3A_129 = arith.constant 0 : i32
      %dma_wait3A_130 = tpu.memref_slice %arg2[%dma_wait3A_128, %dma_wait3A_129] : memref<20480x128xf32, #tpu.memory_space<hbm>> -> memref<20480x128xf32, #tpu.memory_space<hbm>>
      tpu.wait_indirect_dma semaphore(%arg12 : memref<!tpu.dma_semaphore, #tpu.memory_space<semaphore_mem>>) src(%dma_wait3A_130 : memref<20480x128xf32, #tpu.memory_space<hbm>>) dst(%arg9 : memref<128x128xf32, #tpu.memory_space<vmem>>)
      %dma_start3A_131 = arith.constant 0 : i32
      %dma_start3A_132 = tpu.memref_slice %arg7[%add3A_124, %dma_start3A_131] : memref<40x128xi32, #tpu.memory_space<vmem>> -> memref<1x128xi32, #tpu.memory_space<vmem>>
      %dma_start3A_133 = tpu.memref_squeeze %dma_start3A_132 : memref<1x128xi32, #tpu.memory_space<vmem>> -> memref<128xi32, #tpu.memory_space<vmem>>
      %dma_start3A_134 = arith.constant 0 : i32
      %dma_start3A_135 = arith.constant 0 : i32
      %dma_start3A_136 = tpu.memref_slice %arg10[%dma_start3A_134, %dma_start3A_135] : memref<10248x128xf32, #tpu.memory_space<vmem_shared>> -> memref<10248x128xf32, #tpu.memory_space<vmem_shared>>
      tpu.enqueue_indirect_dma source(%arg9 : memref<128x128xf32, #tpu.memory_space<vmem>>) target(%dma_start3A_136 : memref<10248x128xf32, #tpu.memory_space<vmem_shared>>) offsets(%dma_start3A_133 : memref<128xi32, #tpu.memory_space<vmem>>) semaphore(%arg14 : memref<!tpu.dma_semaphore, #tpu.memory_space<semaphore_mem>>) {add = true}
      %mul3A_137 = arith.constant 2 : i32
      %mul3A_138 = arith.muli %mul3A_137, %scan3A_84 : i32
      %add3A_139 = arith.constant 0 : i32
      %add3A_140 = arith.addi %mul3A_138, %add3A_139 : i32
      %dma_wait3A_141 = arith.constant 0 : i32
      %dma_wait3A_142 = tpu.memref_slice %arg7[%add3A_140, %dma_wait3A_141] : memref<40x128xi32, #tpu.memory_space<vmem>> -> memref<1x128xi32, #tpu.memory_space<vmem>>
      %dma_wait3A_143 = tpu.memref_squeeze %dma_wait3A_142 : memref<1x128xi32, #tpu.memory_space<vmem>> -> memref<128xi32, #tpu.memory_space<vmem>>
      %dma_wait3A_144 = arith.constant 0 : i32
      %dma_wait3A_145 = arith.constant 0 : i32
      %dma_wait3A_146 = tpu.memref_slice %arg10[%dma_wait3A_144, %dma_wait3A_145] : memref<10248x128xf32, #tpu.memory_space<vmem_shared>> -> memref<10248x128xf32, #tpu.memory_space<vmem_shared>>
      tpu.wait_indirect_dma semaphore(%arg13 : memref<!tpu.dma_semaphore, #tpu.memory_space<semaphore_mem>>) src(%arg8 : memref<128x128xf32, #tpu.memory_space<vmem>>) dst(%dma_wait3A_146 : memref<10248x128xf32, #tpu.memory_space<vmem_shared>>)
      %mul3A_147 = arith.constant 2 : i32
      %mul3A_148 = arith.muli %mul3A_147, %scan3A_84 : i32
      %add3A_149 = arith.constant 1 : i32
      %add3A_150 = arith.addi %mul3A_148, %add3A_149 : i32
      %dma_wait3A_151 = arith.constant 0 : i32
      %dma_wait3A_152 = tpu.memref_slice %arg7[%add3A_150, %dma_wait3A_151] : memref<40x128xi32, #tpu.memory_space<vmem>> -> memref<1x128xi32, #tpu.memory_space<vmem>>
      %dma_wait3A_153 = tpu.memref_squeeze %dma_wait3A_152 : memref<1x128xi32, #tpu.memory_space<vmem>> -> memref<128xi32, #tpu.memory_space<vmem>>
      %dma_wait3A_154 = arith.constant 0 : i32
      %dma_wait3A_155 = arith.constant 0 : i32
      %dma_wait3A_156 = tpu.memref_slice %arg10[%dma_wait3A_154, %dma_wait3A_155] : memref<10248x128xf32, #tpu.memory_space<vmem_shared>> -> memref<10248x128xf32, #tpu.memory_space<vmem_shared>>
      tpu.wait_indirect_dma semaphore(%arg14 : memref<!tpu.dma_semaphore, #tpu.memory_space<semaphore_mem>>) src(%arg9 : memref<128x128xf32, #tpu.memory_space<vmem>>) dst(%dma_wait3A_156 : memref<10248x128xf32, #tpu.memory_space<vmem_shared>>)
    }
    %scan3A_23 = arith.constant 20 : i32
    %add3A_24 = arith.constant 40 : i32
    %add3A_25 = arith.addi %multiple_of3A_10, %add3A_24 : i32
    %multiple_of3A_26 = tpu.assume_multiple %add3A_25, 8 : i32
    "tpu.region"() ({
      %run_scoped3A = tpu.sem_alloc : memref<!tpu.dma_semaphore, #tpu.memory_space<semaphore_mem>>
      %dma_start3A_84 = arith.constant 0 : i32
      %dma_start3A_85 = tpu.memref_slice %arg3[%multiple_of3A_26, %dma_start3A_84] : memref<5120x128xi32, #tpu.memory_space<hbm>> -> memref<40x128xi32, #tpu.memory_space<hbm>>
      %dma_start3A_86 = arith.constant 0 : i32
      %dma_start3A_87 = tpu.memref_slice %arg3[%multiple_of3A_26, %dma_start3A_86] : memref<5120x128xi32, #tpu.memory_space<hbm>> -> memref<40x128xi32, #tpu.memory_space<hbm>>
      tpu.enqueue_dma source(%dma_start3A_87 : memref<40x128xi32, #tpu.memory_space<hbm>>) target(%arg6 : memref<40x128xi32, #tpu.memory_space<vmem>>) target_semaphore(%run_scoped3A : memref<!tpu.dma_semaphore, #tpu.memory_space<semaphore_mem>>)
      %dma_wait3A_88 = arith.constant 0 : i32
      %dma_wait3A_89 = tpu.memref_slice %arg3[%multiple_of3A_26, %dma_wait3A_88] : memref<5120x128xi32, #tpu.memory_space<hbm>> -> memref<40x128xi32, #tpu.memory_space<hbm>>
      %dma_wait3A_90 = arith.constant 0 : i32
      %dma_wait3A_91 = tpu.memref_slice %arg3[%multiple_of3A_26, %dma_wait3A_90] : memref<5120x128xi32, #tpu.memory_space<hbm>> -> memref<40x128xi32, #tpu.memory_space<hbm>>
      tpu.wait_dma2 semaphore(%run_scoped3A : memref<!tpu.dma_semaphore, #tpu.memory_space<semaphore_mem>>) src(%dma_wait3A_91 : memref<40x128xi32, #tpu.memory_space<hbm>>) dst(%arg6 : memref<40x128xi32, #tpu.memory_space<vmem>>)
      tpu.yield
    }) : () -> ()
    %add3A_27 = arith.constant 40 : i32
    %add3A_28 = arith.addi %multiple_of3A_13, %add3A_27 : i32
    %multiple_of3A_29 = tpu.assume_multiple %add3A_28, 8 : i32
    "tpu.region"() ({
      %run_scoped3A = tpu.sem_alloc : memref<!tpu.dma_semaphore, #tpu.memory_space<semaphore_mem>>
      %dma_start3A_84 = arith.constant 0 : i32
      %dma_start3A_85 = tpu.memref_slice %arg4[%multiple_of3A_29, %dma_start3A_84] : memref<2560x128xi32, #tpu.memory_space<hbm>> -> memref<40x128xi32, #tpu.memory_space<hbm>>
      %dma_start3A_86 = arith.constant 0 : i32
      %dma_start3A_87 = tpu.memref_slice %arg4[%multiple_of3A_29, %dma_start3A_86] : memref<2560x128xi32, #tpu.memory_space<hbm>> -> memref<40x128xi32, #tpu.memory_space<hbm>>
      tpu.enqueue_dma source(%dma_start3A_87 : memref<40x128xi32, #tpu.memory_space<hbm>>) target(%arg7 : memref<40x128xi32, #tpu.memory_space<vmem>>) target_semaphore(%run_scoped3A : memref<!tpu.dma_semaphore, #tpu.memory_space<semaphore_mem>>)
      %dma_wait3A_88 = arith.constant 0 : i32
      %dma_wait3A_89 = tpu.memref_slice %arg4[%multiple_of3A_29, %dma_wait3A_88] : memref<2560x128xi32, #tpu.memory_space<hbm>> -> memref<40x128xi32, #tpu.memory_space<hbm>>
      %dma_wait3A_90 = arith.constant 0 : i32
      %dma_wait3A_91 = tpu.memref_slice %arg4[%multiple_of3A_29, %dma_wait3A_90] : memref<2560x128xi32, #tpu.memory_space<hbm>> -> memref<40x128xi32, #tpu.memory_space<hbm>>
      tpu.wait_dma2 semaphore(%run_scoped3A : memref<!tpu.dma_semaphore, #tpu.memory_space<semaphore_mem>>) src(%dma_wait3A_91 : memref<40x128xi32, #tpu.memory_space<hbm>>) dst(%arg7 : memref<40x128xi32, #tpu.memory_space<vmem>>)
      tpu.yield
    }) : () -> ()
    %scan3A_30 = arith.constant 0 : i32
    %scan3A_31 = arith.constant 20 : i32
    %scan3A_32 = arith.addi %scan3A_30, %scan3A_31 : i32
    %scan3A_33 = arith.constant 1 : i32
    scf.for %scan3A_84 = %scan3A_30 to %scan3A_32 step %scan3A_33  : i32 {
      %mul3A_85 = arith.constant 2 : i32
      %mul3A_86 = arith.muli %mul3A_85, %scan3A_84 : i32
      %add3A_87 = arith.constant 0 : i32
      %add3A_88 = arith.addi %mul3A_86, %add3A_87 : i32
      %dma_start3A_89 = arith.constant 0 : i32
      %dma_start3A_90 = tpu.memref_slice %arg6[%add3A_88, %dma_start3A_89] : memref<40x128xi32, #tpu.memory_space<vmem>> -> memref<1x128xi32, #tpu.memory_space<vmem>>
      %dma_start3A_91 = tpu.memref_squeeze %dma_start3A_90 : memref<1x128xi32, #tpu.memory_space<vmem>> -> memref<128xi32, #tpu.memory_space<vmem>>
      %dma_start3A_92 = arith.constant 0 : i32
      %dma_start3A_93 = arith.constant 0 : i32
      %dma_start3A_94 = tpu.memref_slice %arg2[%dma_start3A_92, %dma_start3A_93] : memref<20480x128xf32, #tpu.memory_space<hbm>> -> memref<20480x128xf32, #tpu.memory_space<hbm>>
      tpu.enqueue_indirect_dma source(%dma_start3A_94 : memref<20480x128xf32, #tpu.memory_space<hbm>>) target(%arg8 : memref<128x128xf32, #tpu.memory_space<vmem>>) offsets(%dma_start3A_91 : memref<128xi32, #tpu.memory_space<vmem>>) semaphore(%arg11 : memref<!tpu.dma_semaphore, #tpu.memory_space<semaphore_mem>>)
      %mul3A_95 = arith.constant 2 : i32
      %mul3A_96 = arith.muli %mul3A_95, %scan3A_84 : i32
      %add3A_97 = arith.constant 1 : i32
      %add3A_98 = arith.addi %mul3A_96, %add3A_97 : i32
      %dma_start3A_99 = arith.constant 0 : i32
      %dma_start3A_100 = tpu.memref_slice %arg6[%add3A_98, %dma_start3A_99] : memref<40x128xi32, #tpu.memory_space<vmem>> -> memref<1x128xi32, #tpu.memory_space<vmem>>
      %dma_start3A_101 = tpu.memref_squeeze %dma_start3A_100 : memref<1x128xi32, #tpu.memory_space<vmem>> -> memref<128xi32, #tpu.memory_space<vmem>>
      %dma_start3A_102 = arith.constant 0 : i32
      %dma_start3A_103 = arith.constant 0 : i32
      %dma_start3A_104 = tpu.memref_slice %arg2[%dma_start3A_102, %dma_start3A_103] : memref<20480x128xf32, #tpu.memory_space<hbm>> -> memref<20480x128xf32, #tpu.memory_space<hbm>>
      tpu.enqueue_indirect_dma source(%dma_start3A_104 : memref<20480x128xf32, #tpu.memory_space<hbm>>) target(%arg9 : memref<128x128xf32, #tpu.memory_space<vmem>>) offsets(%dma_start3A_101 : memref<128xi32, #tpu.memory_space<vmem>>) semaphore(%arg12 : memref<!tpu.dma_semaphore, #tpu.memory_space<semaphore_mem>>)
      %mul3A_105 = arith.constant 2 : i32
      %mul3A_106 = arith.muli %mul3A_105, %scan3A_84 : i32
      %add3A_107 = arith.constant 0 : i32
      %add3A_108 = arith.addi %mul3A_106, %add3A_107 : i32
      %dma_wait3A_109 = arith.constant 0 : i32
      %dma_wait3A_110 = tpu.memref_slice %arg6[%add3A_108, %dma_wait3A_109] : memref<40x128xi32, #tpu.memory_space<vmem>> -> memref<1x128xi32, #tpu.memory_space<vmem>>
      %dma_wait3A_111 = tpu.memref_squeeze %dma_wait3A_110 : memref<1x128xi32, #tpu.memory_space<vmem>> -> memref<128xi32, #tpu.memory_space<vmem>>
      %dma_wait3A_112 = arith.constant 0 : i32
      %dma_wait3A_113 = arith.constant 0 : i32
      %dma_wait3A_114 = tpu.memref_slice %arg2[%dma_wait3A_112, %dma_wait3A_113] : memref<20480x128xf32, #tpu.memory_space<hbm>> -> memref<20480x128xf32, #tpu.memory_space<hbm>>
      tpu.wait_indirect_dma semaphore(%arg11 : memref<!tpu.dma_semaphore, #tpu.memory_space<semaphore_mem>>) src(%dma_wait3A_114 : memref<20480x128xf32, #tpu.memory_space<hbm>>) dst(%arg8 : memref<128x128xf32, #tpu.memory_space<vmem>>)
      %dma_start3A_115 = arith.constant 0 : i32
      %dma_start3A_116 = tpu.memref_slice %arg7[%add3A_108, %dma_start3A_115] : memref<40x128xi32, #tpu.memory_space<vmem>> -> memref<1x128xi32, #tpu.memory_space<vmem>>
      %dma_start3A_117 = tpu.memref_squeeze %dma_start3A_116 : memref<1x128xi32, #tpu.memory_space<vmem>> -> memref<128xi32, #tpu.memory_space<vmem>>
      %dma_start3A_118 = arith.constant 0 : i32
      %dma_start3A_119 = arith.constant 0 : i32
      %dma_start3A_120 = tpu.memref_slice %arg10[%dma_start3A_118, %dma_start3A_119] : memref<10248x128xf32, #tpu.memory_space<vmem_shared>> -> memref<10248x128xf32, #tpu.memory_space<vmem_shared>>
      tpu.enqueue_indirect_dma source(%arg8 : memref<128x128xf32, #tpu.memory_space<vmem>>) target(%dma_start3A_120 : memref<10248x128xf32, #tpu.memory_space<vmem_shared>>) offsets(%dma_start3A_117 : memref<128xi32, #tpu.memory_space<vmem>>) semaphore(%arg13 : memref<!tpu.dma_semaphore, #tpu.memory_space<semaphore_mem>>) {add = true}
      %mul3A_121 = arith.constant 2 : i32
      %mul3A_122 = arith.muli %mul3A_121, %scan3A_84 : i32
      %add3A_123 = arith.constant 1 : i32
      %add3A_124 = arith.addi %mul3A_122, %add3A_123 : i32
      %dma_wait3A_125 = arith.constant 0 : i32
      %dma_wait3A_126 = tpu.memref_slice %arg6[%add3A_124, %dma_wait3A_125] : memref<40x128xi32, #tpu.memory_space<vmem>> -> memref<1x128xi32, #tpu.memory_space<vmem>>
      %dma_wait3A_127 = tpu.memref_squeeze %dma_wait3A_126 : memref<1x128xi32, #tpu.memory_space<vmem>> -> memref<128xi32, #tpu.memory_space<vmem>>
      %dma_wait3A_128 = arith.constant 0 : i32
      %dma_wait3A_129 = arith.constant 0 : i32
      %dma_wait3A_130 = tpu.memref_slice %arg2[%dma_wait3A_128, %dma_wait3A_129] : memref<20480x128xf32, #tpu.memory_space<hbm>> -> memref<20480x128xf32, #tpu.memory_space<hbm>>
      tpu.wait_indirect_dma semaphore(%arg12 : memref<!tpu.dma_semaphore, #tpu.memory_space<semaphore_mem>>) src(%dma_wait3A_130 : memref<20480x128xf32, #tpu.memory_space<hbm>>) dst(%arg9 : memref<128x128xf32, #tpu.memory_space<vmem>>)
      %dma_start3A_131 = arith.constant 0 : i32
      %dma_start3A_132 = tpu.memref_slice %arg7[%add3A_124, %dma_start3A_131] : memref<40x128xi32, #tpu.memory_space<vmem>> -> memref<1x128xi32, #tpu.memory_space<vmem>>
      %dma_start3A_133 = tpu.memref_squeeze %dma_start3A_132 : memref<1x128xi32, #tpu.memory_space<vmem>> -> memref<128xi32, #tpu.memory_space<vmem>>
      %dma_start3A_134 = arith.constant 0 : i32
      %dma_start3A_135 = arith.constant 0 : i32
      %dma_start3A_136 = tpu.memref_slice %arg10[%dma_start3A_134, %dma_start3A_135] : memref<10248x128xf32, #tpu.memory_space<vmem_shared>> -> memref<10248x128xf32, #tpu.memory_space<vmem_shared>>
      tpu.enqueue_indirect_dma source(%arg9 : memref<128x128xf32, #tpu.memory_space<vmem>>) target(%dma_start3A_136 : memref<10248x128xf32, #tpu.memory_space<vmem_shared>>) offsets(%dma_start3A_133 : memref<128xi32, #tpu.memory_space<vmem>>) semaphore(%arg14 : memref<!tpu.dma_semaphore, #tpu.memory_space<semaphore_mem>>) {add = true}
      %mul3A_137 = arith.constant 2 : i32
      %mul3A_138 = arith.muli %mul3A_137, %scan3A_84 : i32
      %add3A_139 = arith.constant 0 : i32
      %add3A_140 = arith.addi %mul3A_138, %add3A_139 : i32
      %dma_wait3A_141 = arith.constant 0 : i32
      %dma_wait3A_142 = tpu.memref_slice %arg7[%add3A_140, %dma_wait3A_141] : memref<40x128xi32, #tpu.memory_space<vmem>> -> memref<1x128xi32, #tpu.memory_space<vmem>>
      %dma_wait3A_143 = tpu.memref_squeeze %dma_wait3A_142 : memref<1x128xi32, #tpu.memory_space<vmem>> -> memref<128xi32, #tpu.memory_space<vmem>>
      %dma_wait3A_144 = arith.constant 0 : i32
      %dma_wait3A_145 = arith.constant 0 : i32
      %dma_wait3A_146 = tpu.memref_slice %arg10[%dma_wait3A_144, %dma_wait3A_145] : memref<10248x128xf32, #tpu.memory_space<vmem_shared>> -> memref<10248x128xf32, #tpu.memory_space<vmem_shared>>
      tpu.wait_indirect_dma semaphore(%arg13 : memref<!tpu.dma_semaphore, #tpu.memory_space<semaphore_mem>>) src(%arg8 : memref<128x128xf32, #tpu.memory_space<vmem>>) dst(%dma_wait3A_146 : memref<10248x128xf32, #tpu.memory_space<vmem_shared>>)
      %mul3A_147 = arith.constant 2 : i32
      %mul3A_148 = arith.muli %mul3A_147, %scan3A_84 : i32
      %add3A_149 = arith.constant 1 : i32
      %add3A_150 = arith.addi %mul3A_148, %add3A_149 : i32
      %dma_wait3A_151 = arith.constant 0 : i32
      %dma_wait3A_152 = tpu.memref_slice %arg7[%add3A_150, %dma_wait3A_151] : memref<40x128xi32, #tpu.memory_space<vmem>> -> memref<1x128xi32, #tpu.memory_space<vmem>>
      %dma_wait3A_153 = tpu.memref_squeeze %dma_wait3A_152 : memref<1x128xi32, #tpu.memory_space<vmem>> -> memref<128xi32, #tpu.memory_space<vmem>>
      %dma_wait3A_154 = arith.constant 0 : i32
      %dma_wait3A_155 = arith.constant 0 : i32
      %dma_wait3A_156 = tpu.memref_slice %arg10[%dma_wait3A_154, %dma_wait3A_155] : memref<10248x128xf32, #tpu.memory_space<vmem_shared>> -> memref<10248x128xf32, #tpu.memory_space<vmem_shared>>
      tpu.wait_indirect_dma semaphore(%arg14 : memref<!tpu.dma_semaphore, #tpu.memory_space<semaphore_mem>>) src(%arg9 : memref<128x128xf32, #tpu.memory_space<vmem>>) dst(%dma_wait3A_156 : memref<10248x128xf32, #tpu.memory_space<vmem_shared>>)
    }
    %scan3A_34 = arith.constant 20 : i32
    %add3A_35 = arith.constant 80 : i32
    %add3A_36 = arith.addi %multiple_of3A_10, %add3A_35 : i32
    %multiple_of3A_37 = tpu.assume_multiple %add3A_36, 8 : i32
    "tpu.region"() ({
      %run_scoped3A = tpu.sem_alloc : memref<!tpu.dma_semaphore, #tpu.memory_space<semaphore_mem>>
      %dma_start3A_84 = arith.constant 0 : i32
      %dma_start3A_85 = tpu.memref_slice %arg3[%multiple_of3A_37, %dma_start3A_84] : memref<5120x128xi32, #tpu.memory_space<hbm>> -> memref<40x128xi32, #tpu.memory_space<hbm>>
      %dma_start3A_86 = arith.constant 0 : i32
      %dma_start3A_87 = tpu.memref_slice %arg3[%multiple_of3A_37, %dma_start3A_86] : memref<5120x128xi32, #tpu.memory_space<hbm>> -> memref<40x128xi32, #tpu.memory_space<hbm>>
      tpu.enqueue_dma source(%dma_start3A_87 : memref<40x128xi32, #tpu.memory_space<hbm>>) target(%arg6 : memref<40x128xi32, #tpu.memory_space<vmem>>) target_semaphore(%run_scoped3A : memref<!tpu.dma_semaphore, #tpu.memory_space<semaphore_mem>>)
      %dma_wait3A_88 = arith.constant 0 : i32
      %dma_wait3A_89 = tpu.memref_slice %arg3[%multiple_of3A_37, %dma_wait3A_88] : memref<5120x128xi32, #tpu.memory_space<hbm>> -> memref<40x128xi32, #tpu.memory_space<hbm>>
      %dma_wait3A_90 = arith.constant 0 : i32
      %dma_wait3A_91 = tpu.memref_slice %arg3[%multiple_of3A_37, %dma_wait3A_90] : memref<5120x128xi32, #tpu.memory_space<hbm>> -> memref<40x128xi32, #tpu.memory_space<hbm>>
      tpu.wait_dma2 semaphore(%run_scoped3A : memref<!tpu.dma_semaphore, #tpu.memory_space<semaphore_mem>>) src(%dma_wait3A_91 : memref<40x128xi32, #tpu.memory_space<hbm>>) dst(%arg6 : memref<40x128xi32, #tpu.memory_space<vmem>>)
      tpu.yield
    }) : () -> ()
    %add3A_38 = arith.constant 80 : i32
    %add3A_39 = arith.addi %multiple_of3A_13, %add3A_38 : i32
    %multiple_of3A_40 = tpu.assume_multiple %add3A_39, 8 : i32
    "tpu.region"() ({
      %run_scoped3A = tpu.sem_alloc : memref<!tpu.dma_semaphore, #tpu.memory_space<semaphore_mem>>
      %dma_start3A_84 = arith.constant 0 : i32
      %dma_start3A_85 = tpu.memref_slice %arg4[%multiple_of3A_40, %dma_start3A_84] : memref<2560x128xi32, #tpu.memory_space<hbm>> -> memref<40x128xi32, #tpu.memory_space<hbm>>
      %dma_start3A_86 = arith.constant 0 : i32
      %dma_start3A_87 = tpu.memref_slice %arg4[%multiple_of3A_40, %dma_start3A_86] : memref<2560x128xi32, #tpu.memory_space<hbm>> -> memref<40x128xi32, #tpu.memory_space<hbm>>
      tpu.enqueue_dma source(%dma_start3A_87 : memref<40x128xi32, #tpu.memory_space<hbm>>) target(%arg7 : memref<40x128xi32, #tpu.memory_space<vmem>>) target_semaphore(%run_scoped3A : memref<!tpu.dma_semaphore, #tpu.memory_space<semaphore_mem>>)
      %dma_wait3A_88 = arith.constant 0 : i32
      %dma_wait3A_89 = tpu.memref_slice %arg4[%multiple_of3A_40, %dma_wait3A_88] : memref<2560x128xi32, #tpu.memory_space<hbm>> -> memref<40x128xi32, #tpu.memory_space<hbm>>
      %dma_wait3A_90 = arith.constant 0 : i32
      %dma_wait3A_91 = tpu.memref_slice %arg4[%multiple_of3A_40, %dma_wait3A_90] : memref<2560x128xi32, #tpu.memory_space<hbm>> -> memref<40x128xi32, #tpu.memory_space<hbm>>
      tpu.wait_dma2 semaphore(%run_scoped3A : memref<!tpu.dma_semaphore, #tpu.memory_space<semaphore_mem>>) src(%dma_wait3A_91 : memref<40x128xi32, #tpu.memory_space<hbm>>) dst(%arg7 : memref<40x128xi32, #tpu.memory_space<vmem>>)
      tpu.yield
    }) : () -> ()
    %scan3A_41 = arith.constant 0 : i32
    %scan3A_42 = arith.constant 20 : i32
    %scan3A_43 = arith.addi %scan3A_41, %scan3A_42 : i32
    %scan3A_44 = arith.constant 1 : i32
    scf.for %scan3A_84 = %scan3A_41 to %scan3A_43 step %scan3A_44  : i32 {
      %mul3A_85 = arith.constant 2 : i32
      %mul3A_86 = arith.muli %mul3A_85, %scan3A_84 : i32
      %add3A_87 = arith.constant 0 : i32
      %add3A_88 = arith.addi %mul3A_86, %add3A_87 : i32
      %dma_start3A_89 = arith.constant 0 : i32
      %dma_start3A_90 = tpu.memref_slice %arg6[%add3A_88, %dma_start3A_89] : memref<40x128xi32, #tpu.memory_space<vmem>> -> memref<1x128xi32, #tpu.memory_space<vmem>>
      %dma_start3A_91 = tpu.memref_squeeze %dma_start3A_90 : memref<1x128xi32, #tpu.memory_space<vmem>> -> memref<128xi32, #tpu.memory_space<vmem>>
      %dma_start3A_92 = arith.constant 0 : i32
      %dma_start3A_93 = arith.constant 0 : i32
      %dma_start3A_94 = tpu.memref_slice %arg2[%dma_start3A_92, %dma_start3A_93] : memref<20480x128xf32, #tpu.memory_space<hbm>> -> memref<20480x128xf32, #tpu.memory_space<hbm>>
      tpu.enqueue_indirect_dma source(%dma_start3A_94 : memref<20480x128xf32, #tpu.memory_space<hbm>>) target(%arg8 : memref<128x128xf32, #tpu.memory_space<vmem>>) offsets(%dma_start3A_91 : memref<128xi32, #tpu.memory_space<vmem>>) semaphore(%arg11 : memref<!tpu.dma_semaphore, #tpu.memory_space<semaphore_mem>>)
      %mul3A_95 = arith.constant 2 : i32
      %mul3A_96 = arith.muli %mul3A_95, %scan3A_84 : i32
      %add3A_97 = arith.constant 1 : i32
      %add3A_98 = arith.addi %mul3A_96, %add3A_97 : i32
      %dma_start3A_99 = arith.constant 0 : i32
      %dma_start3A_100 = tpu.memref_slice %arg6[%add3A_98, %dma_start3A_99] : memref<40x128xi32, #tpu.memory_space<vmem>> -> memref<1x128xi32, #tpu.memory_space<vmem>>
      %dma_start3A_101 = tpu.memref_squeeze %dma_start3A_100 : memref<1x128xi32, #tpu.memory_space<vmem>> -> memref<128xi32, #tpu.memory_space<vmem>>
      %dma_start3A_102 = arith.constant 0 : i32
      %dma_start3A_103 = arith.constant 0 : i32
      %dma_start3A_104 = tpu.memref_slice %arg2[%dma_start3A_102, %dma_start3A_103] : memref<20480x128xf32, #tpu.memory_space<hbm>> -> memref<20480x128xf32, #tpu.memory_space<hbm>>
      tpu.enqueue_indirect_dma source(%dma_start3A_104 : memref<20480x128xf32, #tpu.memory_space<hbm>>) target(%arg9 : memref<128x128xf32, #tpu.memory_space<vmem>>) offsets(%dma_start3A_101 : memref<128xi32, #tpu.memory_space<vmem>>) semaphore(%arg12 : memref<!tpu.dma_semaphore, #tpu.memory_space<semaphore_mem>>)
      %mul3A_105 = arith.constant 2 : i32
      %mul3A_106 = arith.muli %mul3A_105, %scan3A_84 : i32
      %add3A_107 = arith.constant 0 : i32
      %add3A_108 = arith.addi %mul3A_106, %add3A_107 : i32
      %dma_wait3A_109 = arith.constant 0 : i32
      %dma_wait3A_110 = tpu.memref_slice %arg6[%add3A_108, %dma_wait3A_109] : memref<40x128xi32, #tpu.memory_space<vmem>> -> memref<1x128xi32, #tpu.memory_space<vmem>>
      %dma_wait3A_111 = tpu.memref_squeeze %dma_wait3A_110 : memref<1x128xi32, #tpu.memory_space<vmem>> -> memref<128xi32, #tpu.memory_space<vmem>>
      %dma_wait3A_112 = arith.constant 0 : i32
      %dma_wait3A_113 = arith.constant 0 : i32
      %dma_wait3A_114 = tpu.memref_slice %arg2[%dma_wait3A_112, %dma_wait3A_113] : memref<20480x128xf32, #tpu.memory_space<hbm>> -> memref<20480x128xf32, #tpu.memory_space<hbm>>
      tpu.wait_indirect_dma semaphore(%arg11 : memref<!tpu.dma_semaphore, #tpu.memory_space<semaphore_mem>>) src(%dma_wait3A_114 : memref<20480x128xf32, #tpu.memory_space<hbm>>) dst(%arg8 : memref<128x128xf32, #tpu.memory_space<vmem>>)
      %dma_start3A_115 = arith.constant 0 : i32
      %dma_start3A_116 = tpu.memref_slice %arg7[%add3A_108, %dma_start3A_115] : memref<40x128xi32, #tpu.memory_space<vmem>> -> memref<1x128xi32, #tpu.memory_space<vmem>>
      %dma_start3A_117 = tpu.memref_squeeze %dma_start3A_116 : memref<1x128xi32, #tpu.memory_space<vmem>> -> memref<128xi32, #tpu.memory_space<vmem>>
      %dma_start3A_118 = arith.constant 0 : i32
      %dma_start3A_119 = arith.constant 0 : i32
      %dma_start3A_120 = tpu.memref_slice %arg10[%dma_start3A_118, %dma_start3A_119] : memref<10248x128xf32, #tpu.memory_space<vmem_shared>> -> memref<10248x128xf32, #tpu.memory_space<vmem_shared>>
      tpu.enqueue_indirect_dma source(%arg8 : memref<128x128xf32, #tpu.memory_space<vmem>>) target(%dma_start3A_120 : memref<10248x128xf32, #tpu.memory_space<vmem_shared>>) offsets(%dma_start3A_117 : memref<128xi32, #tpu.memory_space<vmem>>) semaphore(%arg13 : memref<!tpu.dma_semaphore, #tpu.memory_space<semaphore_mem>>) {add = true}
      %mul3A_121 = arith.constant 2 : i32
      %mul3A_122 = arith.muli %mul3A_121, %scan3A_84 : i32
      %add3A_123 = arith.constant 1 : i32
      %add3A_124 = arith.addi %mul3A_122, %add3A_123 : i32
      %dma_wait3A_125 = arith.constant 0 : i32
      %dma_wait3A_126 = tpu.memref_slice %arg6[%add3A_124, %dma_wait3A_125] : memref<40x128xi32, #tpu.memory_space<vmem>> -> memref<1x128xi32, #tpu.memory_space<vmem>>
      %dma_wait3A_127 = tpu.memref_squeeze %dma_wait3A_126 : memref<1x128xi32, #tpu.memory_space<vmem>> -> memref<128xi32, #tpu.memory_space<vmem>>
      %dma_wait3A_128 = arith.constant 0 : i32
      %dma_wait3A_129 = arith.constant 0 : i32
      %dma_wait3A_130 = tpu.memref_slice %arg2[%dma_wait3A_128, %dma_wait3A_129] : memref<20480x128xf32, #tpu.memory_space<hbm>> -> memref<20480x128xf32, #tpu.memory_space<hbm>>
      tpu.wait_indirect_dma semaphore(%arg12 : memref<!tpu.dma_semaphore, #tpu.memory_space<semaphore_mem>>) src(%dma_wait3A_130 : memref<20480x128xf32, #tpu.memory_space<hbm>>) dst(%arg9 : memref<128x128xf32, #tpu.memory_space<vmem>>)
      %dma_start3A_131 = arith.constant 0 : i32
      %dma_start3A_132 = tpu.memref_slice %arg7[%add3A_124, %dma_start3A_131] : memref<40x128xi32, #tpu.memory_space<vmem>> -> memref<1x128xi32, #tpu.memory_space<vmem>>
      %dma_start3A_133 = tpu.memref_squeeze %dma_start3A_132 : memref<1x128xi32, #tpu.memory_space<vmem>> -> memref<128xi32, #tpu.memory_space<vmem>>
      %dma_start3A_134 = arith.constant 0 : i32
      %dma_start3A_135 = arith.constant 0 : i32
      %dma_start3A_136 = tpu.memref_slice %arg10[%dma_start3A_134, %dma_start3A_135] : memref<10248x128xf32, #tpu.memory_space<vmem_shared>> -> memref<10248x128xf32, #tpu.memory_space<vmem_shared>>
      tpu.enqueue_indirect_dma source(%arg9 : memref<128x128xf32, #tpu.memory_space<vmem>>) target(%dma_start3A_136 : memref<10248x128xf32, #tpu.memory_space<vmem_shared>>) offsets(%dma_start3A_133 : memref<128xi32, #tpu.memory_space<vmem>>) semaphore(%arg14 : memref<!tpu.dma_semaphore, #tpu.memory_space<semaphore_mem>>) {add = true}
      %mul3A_137 = arith.constant 2 : i32
      %mul3A_138 = arith.muli %mul3A_137, %scan3A_84 : i32
      %add3A_139 = arith.constant 0 : i32
      %add3A_140 = arith.addi %mul3A_138, %add3A_139 : i32
      %dma_wait3A_141 = arith.constant 0 : i32
      %dma_wait3A_142 = tpu.memref_slice %arg7[%add3A_140, %dma_wait3A_141] : memref<40x128xi32, #tpu.memory_space<vmem>> -> memref<1x128xi32, #tpu.memory_space<vmem>>
      %dma_wait3A_143 = tpu.memref_squeeze %dma_wait3A_142 : memref<1x128xi32, #tpu.memory_space<vmem>> -> memref<128xi32, #tpu.memory_space<vmem>>
      %dma_wait3A_144 = arith.constant 0 : i32
      %dma_wait3A_145 = arith.constant 0 : i32
      %dma_wait3A_146 = tpu.memref_slice %arg10[%dma_wait3A_144, %dma_wait3A_145] : memref<10248x128xf32, #tpu.memory_space<vmem_shared>> -> memref<10248x128xf32, #tpu.memory_space<vmem_shared>>
      tpu.wait_indirect_dma semaphore(%arg13 : memref<!tpu.dma_semaphore, #tpu.memory_space<semaphore_mem>>) src(%arg8 : memref<128x128xf32, #tpu.memory_space<vmem>>) dst(%dma_wait3A_146 : memref<10248x128xf32, #tpu.memory_space<vmem_shared>>)
      %mul3A_147 = arith.constant 2 : i32
      %mul3A_148 = arith.muli %mul3A_147, %scan3A_84 : i32
      %add3A_149 = arith.constant 1 : i32
      %add3A_150 = arith.addi %mul3A_148, %add3A_149 : i32
      %dma_wait3A_151 = arith.constant 0 : i32
      %dma_wait3A_152 = tpu.memref_slice %arg7[%add3A_150, %dma_wait3A_151] : memref<40x128xi32, #tpu.memory_space<vmem>> -> memref<1x128xi32, #tpu.memory_space<vmem>>
      %dma_wait3A_153 = tpu.memref_squeeze %dma_wait3A_152 : memref<1x128xi32, #tpu.memory_space<vmem>> -> memref<128xi32, #tpu.memory_space<vmem>>
      %dma_wait3A_154 = arith.constant 0 : i32
      %dma_wait3A_155 = arith.constant 0 : i32
      %dma_wait3A_156 = tpu.memref_slice %arg10[%dma_wait3A_154, %dma_wait3A_155] : memref<10248x128xf32, #tpu.memory_space<vmem_shared>> -> memref<10248x128xf32, #tpu.memory_space<vmem_shared>>
      tpu.wait_indirect_dma semaphore(%arg14 : memref<!tpu.dma_semaphore, #tpu.memory_space<semaphore_mem>>) src(%arg9 : memref<128x128xf32, #tpu.memory_space<vmem>>) dst(%dma_wait3A_156 : memref<10248x128xf32, #tpu.memory_space<vmem_shared>>)
    }
    %scan3A_45 = arith.constant 20 : i32
    %add3A_46 = arith.constant 120 : i32
    %add3A_47 = arith.addi %multiple_of3A_10, %add3A_46 : i32
    %multiple_of3A_48 = tpu.assume_multiple %add3A_47, 8 : i32
    "tpu.region"() ({
      %run_scoped3A = tpu.sem_alloc : memref<!tpu.dma_semaphore, #tpu.memory_space<semaphore_mem>>
      %dma_start3A_84 = arith.constant 0 : i32
      %dma_start3A_85 = tpu.memref_slice %arg3[%multiple_of3A_48, %dma_start3A_84] : memref<5120x128xi32, #tpu.memory_space<hbm>> -> memref<40x128xi32, #tpu.memory_space<hbm>>
      %dma_start3A_86 = arith.constant 0 : i32
      %dma_start3A_87 = tpu.memref_slice %arg3[%multiple_of3A_48, %dma_start3A_86] : memref<5120x128xi32, #tpu.memory_space<hbm>> -> memref<40x128xi32, #tpu.memory_space<hbm>>
      tpu.enqueue_dma source(%dma_start3A_87 : memref<40x128xi32, #tpu.memory_space<hbm>>) target(%arg6 : memref<40x128xi32, #tpu.memory_space<vmem>>) target_semaphore(%run_scoped3A : memref<!tpu.dma_semaphore, #tpu.memory_space<semaphore_mem>>)
      %dma_wait3A_88 = arith.constant 0 : i32
      %dma_wait3A_89 = tpu.memref_slice %arg3[%multiple_of3A_48, %dma_wait3A_88] : memref<5120x128xi32, #tpu.memory_space<hbm>> -> memref<40x128xi32, #tpu.memory_space<hbm>>
      %dma_wait3A_90 = arith.constant 0 : i32
      %dma_wait3A_91 = tpu.memref_slice %arg3[%multiple_of3A_48, %dma_wait3A_90] : memref<5120x128xi32, #tpu.memory_space<hbm>> -> memref<40x128xi32, #tpu.memory_space<hbm>>
      tpu.wait_dma2 semaphore(%run_scoped3A : memref<!tpu.dma_semaphore, #tpu.memory_space<semaphore_mem>>) src(%dma_wait3A_91 : memref<40x128xi32, #tpu.memory_space<hbm>>) dst(%arg6 : memref<40x128xi32, #tpu.memory_space<vmem>>)
      tpu.yield
    }) : () -> ()
    %add3A_49 = arith.constant 120 : i32
    %add3A_50 = arith.addi %multiple_of3A_13, %add3A_49 : i32
    %multiple_of3A_51 = tpu.assume_multiple %add3A_50, 8 : i32
    "tpu.region"() ({
      %run_scoped3A = tpu.sem_alloc : memref<!tpu.dma_semaphore, #tpu.memory_space<semaphore_mem>>
      %dma_start3A_84 = arith.constant 0 : i32
      %dma_start3A_85 = tpu.memref_slice %arg4[%multiple_of3A_51, %dma_start3A_84] : memref<2560x128xi32, #tpu.memory_space<hbm>> -> memref<40x128xi32, #tpu.memory_space<hbm>>
      %dma_start3A_86 = arith.constant 0 : i32
      %dma_start3A_87 = tpu.memref_slice %arg4[%multiple_of3A_51, %dma_start3A_86] : memref<2560x128xi32, #tpu.memory_space<hbm>> -> memref<40x128xi32, #tpu.memory_space<hbm>>
      tpu.enqueue_dma source(%dma_start3A_87 : memref<40x128xi32, #tpu.memory_space<hbm>>) target(%arg7 : memref<40x128xi32, #tpu.memory_space<vmem>>) target_semaphore(%run_scoped3A : memref<!tpu.dma_semaphore, #tpu.memory_space<semaphore_mem>>)
      %dma_wait3A_88 = arith.constant 0 : i32
      %dma_wait3A_89 = tpu.memref_slice %arg4[%multiple_of3A_51, %dma_wait3A_88] : memref<2560x128xi32, #tpu.memory_space<hbm>> -> memref<40x128xi32, #tpu.memory_space<hbm>>
      %dma_wait3A_90 = arith.constant 0 : i32
      %dma_wait3A_91 = tpu.memref_slice %arg4[%multiple_of3A_51, %dma_wait3A_90] : memref<2560x128xi32, #tpu.memory_space<hbm>> -> memref<40x128xi32, #tpu.memory_space<hbm>>
      tpu.wait_dma2 semaphore(%run_scoped3A : memref<!tpu.dma_semaphore, #tpu.memory_space<semaphore_mem>>) src(%dma_wait3A_91 : memref<40x128xi32, #tpu.memory_space<hbm>>) dst(%arg7 : memref<40x128xi32, #tpu.memory_space<vmem>>)
      tpu.yield
    }) : () -> ()
    %scan3A_52 = arith.constant 0 : i32
    %scan3A_53 = arith.constant 18 : i32
    %scan3A_54 = arith.addi %scan3A_52, %scan3A_53 : i32
    %scan3A_55 = arith.constant 1 : i32
    scf.for %scan3A_84 = %scan3A_52 to %scan3A_54 step %scan3A_55  : i32 {
      %mul3A_85 = arith.constant 2 : i32
      %mul3A_86 = arith.muli %mul3A_85, %scan3A_84 : i32
      %add3A_87 = arith.constant 0 : i32
      %add3A_88 = arith.addi %mul3A_86, %add3A_87 : i32
      %dma_start3A_89 = arith.constant 0 : i32
      %dma_start3A_90 = tpu.memref_slice %arg6[%add3A_88, %dma_start3A_89] : memref<40x128xi32, #tpu.memory_space<vmem>> -> memref<1x128xi32, #tpu.memory_space<vmem>>
      %dma_start3A_91 = tpu.memref_squeeze %dma_start3A_90 : memref<1x128xi32, #tpu.memory_space<vmem>> -> memref<128xi32, #tpu.memory_space<vmem>>
      %dma_start3A_92 = arith.constant 0 : i32
      %dma_start3A_93 = arith.constant 0 : i32
      %dma_start3A_94 = tpu.memref_slice %arg2[%dma_start3A_92, %dma_start3A_93] : memref<20480x128xf32, #tpu.memory_space<hbm>> -> memref<20480x128xf32, #tpu.memory_space<hbm>>
      tpu.enqueue_indirect_dma source(%dma_start3A_94 : memref<20480x128xf32, #tpu.memory_space<hbm>>) target(%arg8 : memref<128x128xf32, #tpu.memory_space<vmem>>) offsets(%dma_start3A_91 : memref<128xi32, #tpu.memory_space<vmem>>) semaphore(%arg11 : memref<!tpu.dma_semaphore, #tpu.memory_space<semaphore_mem>>)
      %mul3A_95 = arith.constant 2 : i32
      %mul3A_96 = arith.muli %mul3A_95, %scan3A_84 : i32
      %add3A_97 = arith.constant 1 : i32
      %add3A_98 = arith.addi %mul3A_96, %add3A_97 : i32
      %dma_start3A_99 = arith.constant 0 : i32
      %dma_start3A_100 = tpu.memref_slice %arg6[%add3A_98, %dma_start3A_99] : memref<40x128xi32, #tpu.memory_space<vmem>> -> memref<1x128xi32, #tpu.memory_space<vmem>>
      %dma_start3A_101 = tpu.memref_squeeze %dma_start3A_100 : memref<1x128xi32, #tpu.memory_space<vmem>> -> memref<128xi32, #tpu.memory_space<vmem>>
      %dma_start3A_102 = arith.constant 0 : i32
      %dma_start3A_103 = arith.constant 0 : i32
      %dma_start3A_104 = tpu.memref_slice %arg2[%dma_start3A_102, %dma_start3A_103] : memref<20480x128xf32, #tpu.memory_space<hbm>> -> memref<20480x128xf32, #tpu.memory_space<hbm>>
      tpu.enqueue_indirect_dma source(%dma_start3A_104 : memref<20480x128xf32, #tpu.memory_space<hbm>>) target(%arg9 : memref<128x128xf32, #tpu.memory_space<vmem>>) offsets(%dma_start3A_101 : memref<128xi32, #tpu.memory_space<vmem>>) semaphore(%arg12 : memref<!tpu.dma_semaphore, #tpu.memory_space<semaphore_mem>>)
      %mul3A_105 = arith.constant 2 : i32
      %mul3A_106 = arith.muli %mul3A_105, %scan3A_84 : i32
      %add3A_107 = arith.constant 0 : i32
      %add3A_108 = arith.addi %mul3A_106, %add3A_107 : i32
      %dma_wait3A_109 = arith.constant 0 : i32
      %dma_wait3A_110 = tpu.memref_slice %arg6[%add3A_108, %dma_wait3A_109] : memref<40x128xi32, #tpu.memory_space<vmem>> -> memref<1x128xi32, #tpu.memory_space<vmem>>
      %dma_wait3A_111 = tpu.memref_squeeze %dma_wait3A_110 : memref<1x128xi32, #tpu.memory_space<vmem>> -> memref<128xi32, #tpu.memory_space<vmem>>
      %dma_wait3A_112 = arith.constant 0 : i32
      %dma_wait3A_113 = arith.constant 0 : i32
      %dma_wait3A_114 = tpu.memref_slice %arg2[%dma_wait3A_112, %dma_wait3A_113] : memref<20480x128xf32, #tpu.memory_space<hbm>> -> memref<20480x128xf32, #tpu.memory_space<hbm>>
      tpu.wait_indirect_dma semaphore(%arg11 : memref<!tpu.dma_semaphore, #tpu.memory_space<semaphore_mem>>) src(%dma_wait3A_114 : memref<20480x128xf32, #tpu.memory_space<hbm>>) dst(%arg8 : memref<128x128xf32, #tpu.memory_space<vmem>>)
      %dma_start3A_115 = arith.constant 0 : i32
      %dma_start3A_116 = tpu.memref_slice %arg7[%add3A_108, %dma_start3A_115] : memref<40x128xi32, #tpu.memory_space<vmem>> -> memref<1x128xi32, #tpu.memory_space<vmem>>
      %dma_start3A_117 = tpu.memref_squeeze %dma_start3A_116 : memref<1x128xi32, #tpu.memory_space<vmem>> -> memref<128xi32, #tpu.memory_space<vmem>>
      %dma_start3A_118 = arith.constant 0 : i32
      %dma_start3A_119 = arith.constant 0 : i32
      %dma_start3A_120 = tpu.memref_slice %arg10[%dma_start3A_118, %dma_start3A_119] : memref<10248x128xf32, #tpu.memory_space<vmem_shared>> -> memref<10248x128xf32, #tpu.memory_space<vmem_shared>>
      tpu.enqueue_indirect_dma source(%arg8 : memref<128x128xf32, #tpu.memory_space<vmem>>) target(%dma_start3A_120 : memref<10248x128xf32, #tpu.memory_space<vmem_shared>>) offsets(%dma_start3A_117 : memref<128xi32, #tpu.memory_space<vmem>>) semaphore(%arg13 : memref<!tpu.dma_semaphore, #tpu.memory_space<semaphore_mem>>) {add = true}
      %mul3A_121 = arith.constant 2 : i32
      %mul3A_122 = arith.muli %mul3A_121, %scan3A_84 : i32
      %add3A_123 = arith.constant 1 : i32
      %add3A_124 = arith.addi %mul3A_122, %add3A_123 : i32
      %dma_wait3A_125 = arith.constant 0 : i32
      %dma_wait3A_126 = tpu.memref_slice %arg6[%add3A_124, %dma_wait3A_125] : memref<40x128xi32, #tpu.memory_space<vmem>> -> memref<1x128xi32, #tpu.memory_space<vmem>>
      %dma_wait3A_127 = tpu.memref_squeeze %dma_wait3A_126 : memref<1x128xi32, #tpu.memory_space<vmem>> -> memref<128xi32, #tpu.memory_space<vmem>>
      %dma_wait3A_128 = arith.constant 0 : i32
      %dma_wait3A_129 = arith.constant 0 : i32
      %dma_wait3A_130 = tpu.memref_slice %arg2[%dma_wait3A_128, %dma_wait3A_129] : memref<20480x128xf32, #tpu.memory_space<hbm>> -> memref<20480x128xf32, #tpu.memory_space<hbm>>
      tpu.wait_indirect_dma semaphore(%arg12 : memref<!tpu.dma_semaphore, #tpu.memory_space<semaphore_mem>>) src(%dma_wait3A_130 : memref<20480x128xf32, #tpu.memory_space<hbm>>) dst(%arg9 : memref<128x128xf32, #tpu.memory_space<vmem>>)
      %dma_start3A_131 = arith.constant 0 : i32
      %dma_start3A_132 = tpu.memref_slice %arg7[%add3A_124, %dma_start3A_131] : memref<40x128xi32, #tpu.memory_space<vmem>> -> memref<1x128xi32, #tpu.memory_space<vmem>>
      %dma_start3A_133 = tpu.memref_squeeze %dma_start3A_132 : memref<1x128xi32, #tpu.memory_space<vmem>> -> memref<128xi32, #tpu.memory_space<vmem>>
      %dma_start3A_134 = arith.constant 0 : i32
      %dma_start3A_135 = arith.constant 0 : i32
      %dma_start3A_136 = tpu.memref_slice %arg10[%dma_start3A_134, %dma_start3A_135] : memref<10248x128xf32, #tpu.memory_space<vmem_shared>> -> memref<10248x128xf32, #tpu.memory_space<vmem_shared>>
      tpu.enqueue_indirect_dma source(%arg9 : memref<128x128xf32, #tpu.memory_space<vmem>>) target(%dma_start3A_136 : memref<10248x128xf32, #tpu.memory_space<vmem_shared>>) offsets(%dma_start3A_133 : memref<128xi32, #tpu.memory_space<vmem>>) semaphore(%arg14 : memref<!tpu.dma_semaphore, #tpu.memory_space<semaphore_mem>>) {add = true}
      %mul3A_137 = arith.constant 2 : i32
      %mul3A_138 = arith.muli %mul3A_137, %scan3A_84 : i32
      %add3A_139 = arith.constant 0 : i32
      %add3A_140 = arith.addi %mul3A_138, %add3A_139 : i32
      %dma_wait3A_141 = arith.constant 0 : i32
      %dma_wait3A_142 = tpu.memref_slice %arg7[%add3A_140, %dma_wait3A_141] : memref<40x128xi32, #tpu.memory_space<vmem>> -> memref<1x128xi32, #tpu.memory_space<vmem>>
      %dma_wait3A_143 = tpu.memref_squeeze %dma_wait3A_142 : memref<1x128xi32, #tpu.memory_space<vmem>> -> memref<128xi32, #tpu.memory_space<vmem>>
      %dma_wait3A_144 = arith.constant 0 : i32
      %dma_wait3A_145 = arith.constant 0 : i32
      %dma_wait3A_146 = tpu.memref_slice %arg10[%dma_wait3A_144, %dma_wait3A_145] : memref<10248x128xf32, #tpu.memory_space<vmem_shared>> -> memref<10248x128xf32, #tpu.memory_space<vmem_shared>>
      tpu.wait_indirect_dma semaphore(%arg13 : memref<!tpu.dma_semaphore, #tpu.memory_space<semaphore_mem>>) src(%arg8 : memref<128x128xf32, #tpu.memory_space<vmem>>) dst(%dma_wait3A_146 : memref<10248x128xf32, #tpu.memory_space<vmem_shared>>)
      %mul3A_147 = arith.constant 2 : i32
      %mul3A_148 = arith.muli %mul3A_147, %scan3A_84 : i32
      %add3A_149 = arith.constant 1 : i32
      %add3A_150 = arith.addi %mul3A_148, %add3A_149 : i32
      %dma_wait3A_151 = arith.constant 0 : i32
      %dma_wait3A_152 = tpu.memref_slice %arg7[%add3A_150, %dma_wait3A_151] : memref<40x128xi32, #tpu.memory_space<vmem>> -> memref<1x128xi32, #tpu.memory_space<vmem>>
      %dma_wait3A_153 = tpu.memref_squeeze %dma_wait3A_152 : memref<1x128xi32, #tpu.memory_space<vmem>> -> memref<128xi32, #tpu.memory_space<vmem>>
      %dma_wait3A_154 = arith.constant 0 : i32
      %dma_wait3A_155 = arith.constant 0 : i32
      %dma_wait3A_156 = tpu.memref_slice %arg10[%dma_wait3A_154, %dma_wait3A_155] : memref<10248x128xf32, #tpu.memory_space<vmem_shared>> -> memref<10248x128xf32, #tpu.memory_space<vmem_shared>>
      tpu.wait_indirect_dma semaphore(%arg14 : memref<!tpu.dma_semaphore, #tpu.memory_space<semaphore_mem>>) src(%arg9 : memref<128x128xf32, #tpu.memory_space<vmem>>) dst(%dma_wait3A_156 : memref<10248x128xf32, #tpu.memory_space<vmem_shared>>)
    }
    %scan3A_56 = arith.constant 18 : i32
    %dma_start3A = arith.constant 36 : i32
    %dma_start3A_57 = arith.constant 0 : i32
    %dma_start3A_58 = tpu.memref_slice %arg6[%dma_start3A, %dma_start3A_57] : memref<40x128xi32, #tpu.memory_space<vmem>> -> memref<1x128xi32, #tpu.memory_space<vmem>>
    %dma_start3A_59 = tpu.memref_squeeze %dma_start3A_58 : memref<1x128xi32, #tpu.memory_space<vmem>> -> memref<128xi32, #tpu.memory_space<vmem>>
    %dma_start3A_60 = arith.constant 0 : i32
    %dma_start3A_61 = arith.constant 0 : i32
    %dma_start3A_62 = tpu.memref_slice %arg2[%dma_start3A_60, %dma_start3A_61] : memref<20480x128xf32, #tpu.memory_space<hbm>> -> memref<20480x128xf32, #tpu.memory_space<hbm>>
    tpu.enqueue_indirect_dma source(%dma_start3A_62 : memref<20480x128xf32, #tpu.memory_space<hbm>>) target(%arg8 : memref<128x128xf32, #tpu.memory_space<vmem>>) offsets(%dma_start3A_59 : memref<128xi32, #tpu.memory_space<vmem>>) semaphore(%arg11 : memref<!tpu.dma_semaphore, #tpu.memory_space<semaphore_mem>>)
    %dma_wait3A = arith.constant 36 : i32
    %dma_wait3A_63 = arith.constant 0 : i32
    %dma_wait3A_64 = tpu.memref_slice %arg6[%dma_wait3A, %dma_wait3A_63] : memref<40x128xi32, #tpu.memory_space<vmem>> -> memref<1x128xi32, #tpu.memory_space<vmem>>
    %dma_wait3A_65 = tpu.memref_squeeze %dma_wait3A_64 : memref<1x128xi32, #tpu.memory_space<vmem>> -> memref<128xi32, #tpu.memory_space<vmem>>
    %dma_wait3A_66 = arith.constant 0 : i32
    %dma_wait3A_67 = arith.constant 0 : i32
    %dma_wait3A_68 = tpu.memref_slice %arg2[%dma_wait3A_66, %dma_wait3A_67] : memref<20480x128xf32, #tpu.memory_space<hbm>> -> memref<20480x128xf32, #tpu.memory_space<hbm>>
    tpu.wait_indirect_dma semaphore(%arg11 : memref<!tpu.dma_semaphore, #tpu.memory_space<semaphore_mem>>) src(%dma_wait3A_68 : memref<20480x128xf32, #tpu.memory_space<hbm>>) dst(%arg8 : memref<128x128xf32, #tpu.memory_space<vmem>>)
    %dma_start3A_69 = arith.constant 36 : i32
    %dma_start3A_70 = arith.constant 0 : i32
    %dma_start3A_71 = tpu.memref_slice %arg7[%dma_start3A_69, %dma_start3A_70] : memref<40x128xi32, #tpu.memory_space<vmem>> -> memref<1x128xi32, #tpu.memory_space<vmem>>
    %dma_start3A_72 = tpu.memref_squeeze %dma_start3A_71 : memref<1x128xi32, #tpu.memory_space<vmem>> -> memref<128xi32, #tpu.memory_space<vmem>>
    %dma_start3A_73 = arith.constant 0 : i32
    %dma_start3A_74 = arith.constant 0 : i32
    %dma_start3A_75 = tpu.memref_slice %arg10[%dma_start3A_73, %dma_start3A_74] : memref<10248x128xf32, #tpu.memory_space<vmem_shared>> -> memref<10248x128xf32, #tpu.memory_space<vmem_shared>>
    tpu.enqueue_indirect_dma source(%arg8 : memref<128x128xf32, #tpu.memory_space<vmem>>) target(%dma_start3A_75 : memref<10248x128xf32, #tpu.memory_space<vmem_shared>>) offsets(%dma_start3A_72 : memref<128xi32, #tpu.memory_space<vmem>>) semaphore(%arg13 : memref<!tpu.dma_semaphore, #tpu.memory_space<semaphore_mem>>) {add = true}
    %dma_wait3A_76 = arith.constant 36 : i32
    %dma_wait3A_77 = arith.constant 0 : i32
    %dma_wait3A_78 = tpu.memref_slice %arg7[%dma_wait3A_76, %dma_wait3A_77] : memref<40x128xi32, #tpu.memory_space<vmem>> -> memref<1x128xi32, #tpu.memory_space<vmem>>
    %dma_wait3A_79 = tpu.memref_squeeze %dma_wait3A_78 : memref<1x128xi32, #tpu.memory_space<vmem>> -> memref<128xi32, #tpu.memory_space<vmem>>
    %dma_wait3A_80 = arith.constant 0 : i32
    %dma_wait3A_81 = arith.constant 0 : i32
    %dma_wait3A_82 = tpu.memref_slice %arg10[%dma_wait3A_80, %dma_wait3A_81] : memref<10248x128xf32, #tpu.memory_space<vmem_shared>> -> memref<10248x128xf32, #tpu.memory_space<vmem_shared>>
    tpu.wait_indirect_dma semaphore(%arg13 : memref<!tpu.dma_semaphore, #tpu.memory_space<semaphore_mem>>) src(%arg8 : memref<128x128xf32, #tpu.memory_space<vmem>>) dst(%dma_wait3A_82 : memref<10248x128xf32, #tpu.memory_space<vmem_shared>>)
    %barrier3A_83 = arith.constant 0 : index
    tpu.barrier barrier_id(%barrier3A_83)
    "tpu.region"() ({
      %run_scoped3A = tpu.sem_alloc : memref<!tpu.dma_semaphore, #tpu.memory_space<semaphore_mem>>
      %dma_start3A_84 = arith.constant 0 : i32
      %dma_start3A_85 = tpu.memref_slice %arg5[%multiple_of3A, %dma_start3A_84] : memref<20480x128xf32, #tpu.memory_space<hbm>> -> memref<640x128xf32, #tpu.memory_space<hbm>>
      %dma_start3A_86 = arith.constant 0 : i32
      %dma_start3A_87 = tpu.memref_slice %arg10[%mul3A_0, %dma_start3A_86] : memref<10248x128xf32, #tpu.memory_space<vmem_shared>> -> memref<640x128xf32, #tpu.memory_space<vmem_shared>>
      tpu.enqueue_dma source(%dma_start3A_87 : memref<640x128xf32, #tpu.memory_space<vmem_shared>>) target(%dma_start3A_85 : memref<640x128xf32, #tpu.memory_space<hbm>>) target_semaphore(%run_scoped3A : memref<!tpu.dma_semaphore, #tpu.memory_space<semaphore_mem>>)
      %dma_wait3A_88 = arith.constant 0 : i32
      %dma_wait3A_89 = tpu.memref_slice %arg5[%multiple_of3A, %dma_wait3A_88] : memref<20480x128xf32, #tpu.memory_space<hbm>> -> memref<640x128xf32, #tpu.memory_space<hbm>>
      %dma_wait3A_90 = arith.constant 0 : i32
      %dma_wait3A_91 = tpu.memref_slice %arg10[%mul3A_0, %dma_wait3A_90] : memref<10248x128xf32, #tpu.memory_space<vmem_shared>> -> memref<640x128xf32, #tpu.memory_space<vmem_shared>>
      tpu.wait_dma2 semaphore(%run_scoped3A : memref<!tpu.dma_semaphore, #tpu.memory_space<semaphore_mem>>) src(%dma_wait3A_91 : memref<640x128xf32, #tpu.memory_space<vmem_shared>>) dst(%dma_wait3A_89 : memref<640x128xf32, #tpu.memory_space<hbm>>)
      tpu.yield
    }) : () -> ()
    return
  }
}

#map = affine_map<(d0, d1) -> (0, 0)>
module attributes {stable_mosaic.version = 14 : i64} {
  func.func @agg(%arg0: i32, %arg1: i32, %arg2: memref<20480x128xf32, #tpu.memory_space<hbm>>, %arg3: memref<2560x128xi32, #tpu.memory_space<hbm>>, %arg4: memref<2560x128xi32, #tpu.memory_space<hbm>>, %arg5: memref<20480x128xf32, #tpu.memory_space<hbm>>, %arg6: memref<40x128xi32, #tpu.memory_space<vmem>>, %arg7: memref<40x128xi32, #tpu.memory_space<vmem>>, %arg8: memref<128x128xf32, #tpu.memory_space<vmem>>, %arg9: memref<128x128xf32, #tpu.memory_space<vmem>>, %arg10: memref<10248x128xf32, #tpu.memory_space<vmem_shared>>, %arg11: memref<!tpu.dma_semaphore, #tpu.memory_space<semaphore_mem>>, %arg12: memref<!tpu.dma_semaphore, #tpu.memory_space<semaphore_mem>>, %arg13: memref<!tpu.dma_semaphore, #tpu.memory_space<semaphore_mem>>, %arg14: memref<!tpu.dma_semaphore, #tpu.memory_space<semaphore_mem>>) attributes {dimension_semantics = [#tpu.dimension_semantics<core_parallel>, #tpu.dimension_semantics<subcore_parallel>], iteration_bounds = array<i64: 2, 16>, scalar_prefetch = 0 : i64, scratch_operands = 9 : i64, tpu.core_type = #tpu.core_type<sc_vector_subcore>, window_params = [{transform_indices = #map}, {transform_indices = #map}, {transform_indices = #map}, {transform_indices = #map}]} {
    %mul3A = arith.constant 640 : i32
    %mul3A_0 = arith.muli %arg1, %mul3A : i32
    %mul3A_1 = arith.constant 10240 : i32
    %mul3A_2 = arith.muli %arg0, %mul3A_1 : i32
    %add3A = arith.addi %mul3A_2, %mul3A_0 : i32
    %multiple_of3A = tpu.assume_multiple %add3A, 8 : i32
    "tpu.region"() ({
      %run_scoped3A = tpu.sem_alloc : memref<!tpu.dma_semaphore, #tpu.memory_space<semaphore_mem>>
      %dma_start3A_61 = arith.constant 0 : i32
      %dma_start3A_62 = tpu.memref_slice %arg10[%mul3A_0, %dma_start3A_61] : memref<10248x128xf32, #tpu.memory_space<vmem_shared>> -> memref<640x128xf32, #tpu.memory_space<vmem_shared>>
      %dma_start3A_63 = arith.constant 0 : i32
      %dma_start3A_64 = tpu.memref_slice %arg2[%multiple_of3A, %dma_start3A_63] : memref<20480x128xf32, #tpu.memory_space<hbm>> -> memref<640x128xf32, #tpu.memory_space<hbm>>
      tpu.enqueue_dma source(%dma_start3A_64 : memref<640x128xf32, #tpu.memory_space<hbm>>) target(%dma_start3A_62 : memref<640x128xf32, #tpu.memory_space<vmem_shared>>) target_semaphore(%run_scoped3A : memref<!tpu.dma_semaphore, #tpu.memory_space<semaphore_mem>>)
      %dma_wait3A_65 = arith.constant 0 : i32
      %dma_wait3A_66 = tpu.memref_slice %arg10[%mul3A_0, %dma_wait3A_65] : memref<10248x128xf32, #tpu.memory_space<vmem_shared>> -> memref<640x128xf32, #tpu.memory_space<vmem_shared>>
      %dma_wait3A_67 = arith.constant 0 : i32
      %dma_wait3A_68 = tpu.memref_slice %arg2[%multiple_of3A, %dma_wait3A_67] : memref<20480x128xf32, #tpu.memory_space<hbm>> -> memref<640x128xf32, #tpu.memory_space<hbm>>
      tpu.wait_dma2 semaphore(%run_scoped3A : memref<!tpu.dma_semaphore, #tpu.memory_space<semaphore_mem>>) src(%dma_wait3A_68 : memref<640x128xf32, #tpu.memory_space<hbm>>) dst(%dma_wait3A_66 : memref<640x128xf32, #tpu.memory_space<vmem_shared>>)
      tpu.yield
    }) : () -> ()
    %barrier3A = arith.constant 0 : index
    tpu.barrier barrier_id(%barrier3A)
    %mul3A_3 = arith.constant 16 : i32
    %mul3A_4 = arith.muli %arg0, %mul3A_3 : i32
    %add3A_5 = arith.addi %mul3A_4, %arg1 : i32
    %mul3A_6 = arith.constant 80 : i32
    %mul3A_7 = arith.muli %add3A_5, %mul3A_6 : i32
    %multiple_of3A_8 = tpu.assume_multiple %mul3A_7, 8 : i32
    %add3A_9 = arith.constant 0 : i32
    %add3A_10 = arith.addi %multiple_of3A_8, %add3A_9 : i32
    %multiple_of3A_11 = tpu.assume_multiple %add3A_10, 8 : i32
    "tpu.region"() ({
      %run_scoped3A = tpu.sem_alloc : memref<!tpu.dma_semaphore, #tpu.memory_space<semaphore_mem>>
      %dma_start3A_61 = arith.constant 0 : i32
      %dma_start3A_62 = tpu.memref_slice %arg3[%multiple_of3A_11, %dma_start3A_61] : memref<2560x128xi32, #tpu.memory_space<hbm>> -> memref<40x128xi32, #tpu.memory_space<hbm>>
      %dma_start3A_63 = arith.constant 0 : i32
      %dma_start3A_64 = tpu.memref_slice %arg3[%multiple_of3A_11, %dma_start3A_63] : memref<2560x128xi32, #tpu.memory_space<hbm>> -> memref<40x128xi32, #tpu.memory_space<hbm>>
      tpu.enqueue_dma source(%dma_start3A_64 : memref<40x128xi32, #tpu.memory_space<hbm>>) target(%arg6 : memref<40x128xi32, #tpu.memory_space<vmem>>) target_semaphore(%run_scoped3A : memref<!tpu.dma_semaphore, #tpu.memory_space<semaphore_mem>>)
      %dma_wait3A_65 = arith.constant 0 : i32
      %dma_wait3A_66 = tpu.memref_slice %arg3[%multiple_of3A_11, %dma_wait3A_65] : memref<2560x128xi32, #tpu.memory_space<hbm>> -> memref<40x128xi32, #tpu.memory_space<hbm>>
      %dma_wait3A_67 = arith.constant 0 : i32
      %dma_wait3A_68 = tpu.memref_slice %arg3[%multiple_of3A_11, %dma_wait3A_67] : memref<2560x128xi32, #tpu.memory_space<hbm>> -> memref<40x128xi32, #tpu.memory_space<hbm>>
      tpu.wait_dma2 semaphore(%run_scoped3A : memref<!tpu.dma_semaphore, #tpu.memory_space<semaphore_mem>>) src(%dma_wait3A_68 : memref<40x128xi32, #tpu.memory_space<hbm>>) dst(%arg6 : memref<40x128xi32, #tpu.memory_space<vmem>>)
      tpu.yield
    }) : () -> ()
    %add3A_12 = arith.constant 0 : i32
    %add3A_13 = arith.addi %multiple_of3A_8, %add3A_12 : i32
    %multiple_of3A_14 = tpu.assume_multiple %add3A_13, 8 : i32
    "tpu.region"() ({
      %run_scoped3A = tpu.sem_alloc : memref<!tpu.dma_semaphore, #tpu.memory_space<semaphore_mem>>
      %dma_start3A_61 = arith.constant 0 : i32
      %dma_start3A_62 = tpu.memref_slice %arg4[%multiple_of3A_14, %dma_start3A_61] : memref<2560x128xi32, #tpu.memory_space<hbm>> -> memref<40x128xi32, #tpu.memory_space<hbm>>
      %dma_start3A_63 = arith.constant 0 : i32
      %dma_start3A_64 = tpu.memref_slice %arg4[%multiple_of3A_14, %dma_start3A_63] : memref<2560x128xi32, #tpu.memory_space<hbm>> -> memref<40x128xi32, #tpu.memory_space<hbm>>
      tpu.enqueue_dma source(%dma_start3A_64 : memref<40x128xi32, #tpu.memory_space<hbm>>) target(%arg7 : memref<40x128xi32, #tpu.memory_space<vmem>>) target_semaphore(%run_scoped3A : memref<!tpu.dma_semaphore, #tpu.memory_space<semaphore_mem>>)
      %dma_wait3A_65 = arith.constant 0 : i32
      %dma_wait3A_66 = tpu.memref_slice %arg4[%multiple_of3A_14, %dma_wait3A_65] : memref<2560x128xi32, #tpu.memory_space<hbm>> -> memref<40x128xi32, #tpu.memory_space<hbm>>
      %dma_wait3A_67 = arith.constant 0 : i32
      %dma_wait3A_68 = tpu.memref_slice %arg4[%multiple_of3A_14, %dma_wait3A_67] : memref<2560x128xi32, #tpu.memory_space<hbm>> -> memref<40x128xi32, #tpu.memory_space<hbm>>
      tpu.wait_dma2 semaphore(%run_scoped3A : memref<!tpu.dma_semaphore, #tpu.memory_space<semaphore_mem>>) src(%dma_wait3A_68 : memref<40x128xi32, #tpu.memory_space<hbm>>) dst(%arg7 : memref<40x128xi32, #tpu.memory_space<vmem>>)
      tpu.yield
    }) : () -> ()
    %scan3A = arith.constant 0 : i32
    %scan3A_15 = arith.constant 20 : i32
    %scan3A_16 = arith.addi %scan3A, %scan3A_15 : i32
    %scan3A_17 = arith.constant 1 : i32
    scf.for %scan3A_61 = %scan3A to %scan3A_16 step %scan3A_17  : i32 {
      %mul3A_62 = arith.constant 2 : i32
      %mul3A_63 = arith.muli %mul3A_62, %scan3A_61 : i32
      %add3A_64 = arith.constant 0 : i32
      %add3A_65 = arith.addi %mul3A_63, %add3A_64 : i32
      %dma_start3A_66 = arith.constant 0 : i32
      %dma_start3A_67 = tpu.memref_slice %arg6[%add3A_65, %dma_start3A_66] : memref<40x128xi32, #tpu.memory_space<vmem>> -> memref<1x128xi32, #tpu.memory_space<vmem>>
      %dma_start3A_68 = tpu.memref_squeeze %dma_start3A_67 : memref<1x128xi32, #tpu.memory_space<vmem>> -> memref<128xi32, #tpu.memory_space<vmem>>
      %dma_start3A_69 = arith.constant 0 : i32
      %dma_start3A_70 = arith.constant 0 : i32
      %dma_start3A_71 = tpu.memref_slice %arg2[%dma_start3A_69, %dma_start3A_70] : memref<20480x128xf32, #tpu.memory_space<hbm>> -> memref<20480x128xf32, #tpu.memory_space<hbm>>
      tpu.enqueue_indirect_dma source(%dma_start3A_71 : memref<20480x128xf32, #tpu.memory_space<hbm>>) target(%arg8 : memref<128x128xf32, #tpu.memory_space<vmem>>) offsets(%dma_start3A_68 : memref<128xi32, #tpu.memory_space<vmem>>) semaphore(%arg11 : memref<!tpu.dma_semaphore, #tpu.memory_space<semaphore_mem>>)
      %mul3A_72 = arith.constant 2 : i32
      %mul3A_73 = arith.muli %mul3A_72, %scan3A_61 : i32
      %add3A_74 = arith.constant 1 : i32
      %add3A_75 = arith.addi %mul3A_73, %add3A_74 : i32
      %dma_start3A_76 = arith.constant 0 : i32
      %dma_start3A_77 = tpu.memref_slice %arg6[%add3A_75, %dma_start3A_76] : memref<40x128xi32, #tpu.memory_space<vmem>> -> memref<1x128xi32, #tpu.memory_space<vmem>>
      %dma_start3A_78 = tpu.memref_squeeze %dma_start3A_77 : memref<1x128xi32, #tpu.memory_space<vmem>> -> memref<128xi32, #tpu.memory_space<vmem>>
      %dma_start3A_79 = arith.constant 0 : i32
      %dma_start3A_80 = arith.constant 0 : i32
      %dma_start3A_81 = tpu.memref_slice %arg2[%dma_start3A_79, %dma_start3A_80] : memref<20480x128xf32, #tpu.memory_space<hbm>> -> memref<20480x128xf32, #tpu.memory_space<hbm>>
      tpu.enqueue_indirect_dma source(%dma_start3A_81 : memref<20480x128xf32, #tpu.memory_space<hbm>>) target(%arg9 : memref<128x128xf32, #tpu.memory_space<vmem>>) offsets(%dma_start3A_78 : memref<128xi32, #tpu.memory_space<vmem>>) semaphore(%arg12 : memref<!tpu.dma_semaphore, #tpu.memory_space<semaphore_mem>>)
      %mul3A_82 = arith.constant 2 : i32
      %mul3A_83 = arith.muli %mul3A_82, %scan3A_61 : i32
      %add3A_84 = arith.constant 0 : i32
      %add3A_85 = arith.addi %mul3A_83, %add3A_84 : i32
      %dma_wait3A_86 = arith.constant 0 : i32
      %dma_wait3A_87 = tpu.memref_slice %arg6[%add3A_85, %dma_wait3A_86] : memref<40x128xi32, #tpu.memory_space<vmem>> -> memref<1x128xi32, #tpu.memory_space<vmem>>
      %dma_wait3A_88 = tpu.memref_squeeze %dma_wait3A_87 : memref<1x128xi32, #tpu.memory_space<vmem>> -> memref<128xi32, #tpu.memory_space<vmem>>
      %dma_wait3A_89 = arith.constant 0 : i32
      %dma_wait3A_90 = arith.constant 0 : i32
      %dma_wait3A_91 = tpu.memref_slice %arg2[%dma_wait3A_89, %dma_wait3A_90] : memref<20480x128xf32, #tpu.memory_space<hbm>> -> memref<20480x128xf32, #tpu.memory_space<hbm>>
      tpu.wait_indirect_dma semaphore(%arg11 : memref<!tpu.dma_semaphore, #tpu.memory_space<semaphore_mem>>) src(%dma_wait3A_91 : memref<20480x128xf32, #tpu.memory_space<hbm>>) dst(%arg8 : memref<128x128xf32, #tpu.memory_space<vmem>>)
      %dma_start3A_92 = arith.constant 0 : i32
      %dma_start3A_93 = tpu.memref_slice %arg7[%add3A_85, %dma_start3A_92] : memref<40x128xi32, #tpu.memory_space<vmem>> -> memref<1x128xi32, #tpu.memory_space<vmem>>
      %dma_start3A_94 = tpu.memref_squeeze %dma_start3A_93 : memref<1x128xi32, #tpu.memory_space<vmem>> -> memref<128xi32, #tpu.memory_space<vmem>>
      %dma_start3A_95 = arith.constant 0 : i32
      %dma_start3A_96 = arith.constant 0 : i32
      %dma_start3A_97 = tpu.memref_slice %arg10[%dma_start3A_95, %dma_start3A_96] : memref<10248x128xf32, #tpu.memory_space<vmem_shared>> -> memref<10248x128xf32, #tpu.memory_space<vmem_shared>>
      tpu.enqueue_indirect_dma source(%arg8 : memref<128x128xf32, #tpu.memory_space<vmem>>) target(%dma_start3A_97 : memref<10248x128xf32, #tpu.memory_space<vmem_shared>>) offsets(%dma_start3A_94 : memref<128xi32, #tpu.memory_space<vmem>>) semaphore(%arg13 : memref<!tpu.dma_semaphore, #tpu.memory_space<semaphore_mem>>) {add = true}
      %mul3A_98 = arith.constant 2 : i32
      %mul3A_99 = arith.muli %mul3A_98, %scan3A_61 : i32
      %add3A_100 = arith.constant 1 : i32
      %add3A_101 = arith.addi %mul3A_99, %add3A_100 : i32
      %dma_wait3A_102 = arith.constant 0 : i32
      %dma_wait3A_103 = tpu.memref_slice %arg6[%add3A_101, %dma_wait3A_102] : memref<40x128xi32, #tpu.memory_space<vmem>> -> memref<1x128xi32, #tpu.memory_space<vmem>>
      %dma_wait3A_104 = tpu.memref_squeeze %dma_wait3A_103 : memref<1x128xi32, #tpu.memory_space<vmem>> -> memref<128xi32, #tpu.memory_space<vmem>>
      %dma_wait3A_105 = arith.constant 0 : i32
      %dma_wait3A_106 = arith.constant 0 : i32
      %dma_wait3A_107 = tpu.memref_slice %arg2[%dma_wait3A_105, %dma_wait3A_106] : memref<20480x128xf32, #tpu.memory_space<hbm>> -> memref<20480x128xf32, #tpu.memory_space<hbm>>
      tpu.wait_indirect_dma semaphore(%arg12 : memref<!tpu.dma_semaphore, #tpu.memory_space<semaphore_mem>>) src(%dma_wait3A_107 : memref<20480x128xf32, #tpu.memory_space<hbm>>) dst(%arg9 : memref<128x128xf32, #tpu.memory_space<vmem>>)
      %dma_start3A_108 = arith.constant 0 : i32
      %dma_start3A_109 = tpu.memref_slice %arg7[%add3A_101, %dma_start3A_108] : memref<40x128xi32, #tpu.memory_space<vmem>> -> memref<1x128xi32, #tpu.memory_space<vmem>>
      %dma_start3A_110 = tpu.memref_squeeze %dma_start3A_109 : memref<1x128xi32, #tpu.memory_space<vmem>> -> memref<128xi32, #tpu.memory_space<vmem>>
      %dma_start3A_111 = arith.constant 0 : i32
      %dma_start3A_112 = arith.constant 0 : i32
      %dma_start3A_113 = tpu.memref_slice %arg10[%dma_start3A_111, %dma_start3A_112] : memref<10248x128xf32, #tpu.memory_space<vmem_shared>> -> memref<10248x128xf32, #tpu.memory_space<vmem_shared>>
      tpu.enqueue_indirect_dma source(%arg9 : memref<128x128xf32, #tpu.memory_space<vmem>>) target(%dma_start3A_113 : memref<10248x128xf32, #tpu.memory_space<vmem_shared>>) offsets(%dma_start3A_110 : memref<128xi32, #tpu.memory_space<vmem>>) semaphore(%arg14 : memref<!tpu.dma_semaphore, #tpu.memory_space<semaphore_mem>>) {add = true}
      %mul3A_114 = arith.constant 2 : i32
      %mul3A_115 = arith.muli %mul3A_114, %scan3A_61 : i32
      %add3A_116 = arith.constant 0 : i32
      %add3A_117 = arith.addi %mul3A_115, %add3A_116 : i32
      %dma_wait3A_118 = arith.constant 0 : i32
      %dma_wait3A_119 = tpu.memref_slice %arg7[%add3A_117, %dma_wait3A_118] : memref<40x128xi32, #tpu.memory_space<vmem>> -> memref<1x128xi32, #tpu.memory_space<vmem>>
      %dma_wait3A_120 = tpu.memref_squeeze %dma_wait3A_119 : memref<1x128xi32, #tpu.memory_space<vmem>> -> memref<128xi32, #tpu.memory_space<vmem>>
      %dma_wait3A_121 = arith.constant 0 : i32
      %dma_wait3A_122 = arith.constant 0 : i32
      %dma_wait3A_123 = tpu.memref_slice %arg10[%dma_wait3A_121, %dma_wait3A_122] : memref<10248x128xf32, #tpu.memory_space<vmem_shared>> -> memref<10248x128xf32, #tpu.memory_space<vmem_shared>>
      tpu.wait_indirect_dma semaphore(%arg13 : memref<!tpu.dma_semaphore, #tpu.memory_space<semaphore_mem>>) src(%arg8 : memref<128x128xf32, #tpu.memory_space<vmem>>) dst(%dma_wait3A_123 : memref<10248x128xf32, #tpu.memory_space<vmem_shared>>)
      %mul3A_124 = arith.constant 2 : i32
      %mul3A_125 = arith.muli %mul3A_124, %scan3A_61 : i32
      %add3A_126 = arith.constant 1 : i32
      %add3A_127 = arith.addi %mul3A_125, %add3A_126 : i32
      %dma_wait3A_128 = arith.constant 0 : i32
      %dma_wait3A_129 = tpu.memref_slice %arg7[%add3A_127, %dma_wait3A_128] : memref<40x128xi32, #tpu.memory_space<vmem>> -> memref<1x128xi32, #tpu.memory_space<vmem>>
      %dma_wait3A_130 = tpu.memref_squeeze %dma_wait3A_129 : memref<1x128xi32, #tpu.memory_space<vmem>> -> memref<128xi32, #tpu.memory_space<vmem>>
      %dma_wait3A_131 = arith.constant 0 : i32
      %dma_wait3A_132 = arith.constant 0 : i32
      %dma_wait3A_133 = tpu.memref_slice %arg10[%dma_wait3A_131, %dma_wait3A_132] : memref<10248x128xf32, #tpu.memory_space<vmem_shared>> -> memref<10248x128xf32, #tpu.memory_space<vmem_shared>>
      tpu.wait_indirect_dma semaphore(%arg14 : memref<!tpu.dma_semaphore, #tpu.memory_space<semaphore_mem>>) src(%arg9 : memref<128x128xf32, #tpu.memory_space<vmem>>) dst(%dma_wait3A_133 : memref<10248x128xf32, #tpu.memory_space<vmem_shared>>)
    }
    %scan3A_18 = arith.constant 20 : i32
    %add3A_19 = arith.constant 40 : i32
    %add3A_20 = arith.addi %multiple_of3A_8, %add3A_19 : i32
    %multiple_of3A_21 = tpu.assume_multiple %add3A_20, 8 : i32
    "tpu.region"() ({
      %run_scoped3A = tpu.sem_alloc : memref<!tpu.dma_semaphore, #tpu.memory_space<semaphore_mem>>
      %dma_start3A_61 = arith.constant 0 : i32
      %dma_start3A_62 = tpu.memref_slice %arg3[%multiple_of3A_21, %dma_start3A_61] : memref<2560x128xi32, #tpu.memory_space<hbm>> -> memref<40x128xi32, #tpu.memory_space<hbm>>
      %dma_start3A_63 = arith.constant 0 : i32
      %dma_start3A_64 = tpu.memref_slice %arg3[%multiple_of3A_21, %dma_start3A_63] : memref<2560x128xi32, #tpu.memory_space<hbm>> -> memref<40x128xi32, #tpu.memory_space<hbm>>
      tpu.enqueue_dma source(%dma_start3A_64 : memref<40x128xi32, #tpu.memory_space<hbm>>) target(%arg6 : memref<40x128xi32, #tpu.memory_space<vmem>>) target_semaphore(%run_scoped3A : memref<!tpu.dma_semaphore, #tpu.memory_space<semaphore_mem>>)
      %dma_wait3A_65 = arith.constant 0 : i32
      %dma_wait3A_66 = tpu.memref_slice %arg3[%multiple_of3A_21, %dma_wait3A_65] : memref<2560x128xi32, #tpu.memory_space<hbm>> -> memref<40x128xi32, #tpu.memory_space<hbm>>
      %dma_wait3A_67 = arith.constant 0 : i32
      %dma_wait3A_68 = tpu.memref_slice %arg3[%multiple_of3A_21, %dma_wait3A_67] : memref<2560x128xi32, #tpu.memory_space<hbm>> -> memref<40x128xi32, #tpu.memory_space<hbm>>
      tpu.wait_dma2 semaphore(%run_scoped3A : memref<!tpu.dma_semaphore, #tpu.memory_space<semaphore_mem>>) src(%dma_wait3A_68 : memref<40x128xi32, #tpu.memory_space<hbm>>) dst(%arg6 : memref<40x128xi32, #tpu.memory_space<vmem>>)
      tpu.yield
    }) : () -> ()
    %add3A_22 = arith.constant 40 : i32
    %add3A_23 = arith.addi %multiple_of3A_8, %add3A_22 : i32
    %multiple_of3A_24 = tpu.assume_multiple %add3A_23, 8 : i32
    "tpu.region"() ({
      %run_scoped3A = tpu.sem_alloc : memref<!tpu.dma_semaphore, #tpu.memory_space<semaphore_mem>>
      %dma_start3A_61 = arith.constant 0 : i32
      %dma_start3A_62 = tpu.memref_slice %arg4[%multiple_of3A_24, %dma_start3A_61] : memref<2560x128xi32, #tpu.memory_space<hbm>> -> memref<40x128xi32, #tpu.memory_space<hbm>>
      %dma_start3A_63 = arith.constant 0 : i32
      %dma_start3A_64 = tpu.memref_slice %arg4[%multiple_of3A_24, %dma_start3A_63] : memref<2560x128xi32, #tpu.memory_space<hbm>> -> memref<40x128xi32, #tpu.memory_space<hbm>>
      tpu.enqueue_dma source(%dma_start3A_64 : memref<40x128xi32, #tpu.memory_space<hbm>>) target(%arg7 : memref<40x128xi32, #tpu.memory_space<vmem>>) target_semaphore(%run_scoped3A : memref<!tpu.dma_semaphore, #tpu.memory_space<semaphore_mem>>)
      %dma_wait3A_65 = arith.constant 0 : i32
      %dma_wait3A_66 = tpu.memref_slice %arg4[%multiple_of3A_24, %dma_wait3A_65] : memref<2560x128xi32, #tpu.memory_space<hbm>> -> memref<40x128xi32, #tpu.memory_space<hbm>>
      %dma_wait3A_67 = arith.constant 0 : i32
      %dma_wait3A_68 = tpu.memref_slice %arg4[%multiple_of3A_24, %dma_wait3A_67] : memref<2560x128xi32, #tpu.memory_space<hbm>> -> memref<40x128xi32, #tpu.memory_space<hbm>>
      tpu.wait_dma2 semaphore(%run_scoped3A : memref<!tpu.dma_semaphore, #tpu.memory_space<semaphore_mem>>) src(%dma_wait3A_68 : memref<40x128xi32, #tpu.memory_space<hbm>>) dst(%arg7 : memref<40x128xi32, #tpu.memory_space<vmem>>)
      tpu.yield
    }) : () -> ()
    %scan3A_25 = arith.constant 0 : i32
    %scan3A_26 = arith.constant 19 : i32
    %scan3A_27 = arith.addi %scan3A_25, %scan3A_26 : i32
    %scan3A_28 = arith.constant 1 : i32
    scf.for %scan3A_61 = %scan3A_25 to %scan3A_27 step %scan3A_28  : i32 {
      %mul3A_62 = arith.constant 2 : i32
      %mul3A_63 = arith.muli %mul3A_62, %scan3A_61 : i32
      %add3A_64 = arith.constant 0 : i32
      %add3A_65 = arith.addi %mul3A_63, %add3A_64 : i32
      %dma_start3A_66 = arith.constant 0 : i32
      %dma_start3A_67 = tpu.memref_slice %arg6[%add3A_65, %dma_start3A_66] : memref<40x128xi32, #tpu.memory_space<vmem>> -> memref<1x128xi32, #tpu.memory_space<vmem>>
      %dma_start3A_68 = tpu.memref_squeeze %dma_start3A_67 : memref<1x128xi32, #tpu.memory_space<vmem>> -> memref<128xi32, #tpu.memory_space<vmem>>
      %dma_start3A_69 = arith.constant 0 : i32
      %dma_start3A_70 = arith.constant 0 : i32
      %dma_start3A_71 = tpu.memref_slice %arg2[%dma_start3A_69, %dma_start3A_70] : memref<20480x128xf32, #tpu.memory_space<hbm>> -> memref<20480x128xf32, #tpu.memory_space<hbm>>
      tpu.enqueue_indirect_dma source(%dma_start3A_71 : memref<20480x128xf32, #tpu.memory_space<hbm>>) target(%arg8 : memref<128x128xf32, #tpu.memory_space<vmem>>) offsets(%dma_start3A_68 : memref<128xi32, #tpu.memory_space<vmem>>) semaphore(%arg11 : memref<!tpu.dma_semaphore, #tpu.memory_space<semaphore_mem>>)
      %mul3A_72 = arith.constant 2 : i32
      %mul3A_73 = arith.muli %mul3A_72, %scan3A_61 : i32
      %add3A_74 = arith.constant 1 : i32
      %add3A_75 = arith.addi %mul3A_73, %add3A_74 : i32
      %dma_start3A_76 = arith.constant 0 : i32
      %dma_start3A_77 = tpu.memref_slice %arg6[%add3A_75, %dma_start3A_76] : memref<40x128xi32, #tpu.memory_space<vmem>> -> memref<1x128xi32, #tpu.memory_space<vmem>>
      %dma_start3A_78 = tpu.memref_squeeze %dma_start3A_77 : memref<1x128xi32, #tpu.memory_space<vmem>> -> memref<128xi32, #tpu.memory_space<vmem>>
      %dma_start3A_79 = arith.constant 0 : i32
      %dma_start3A_80 = arith.constant 0 : i32
      %dma_start3A_81 = tpu.memref_slice %arg2[%dma_start3A_79, %dma_start3A_80] : memref<20480x128xf32, #tpu.memory_space<hbm>> -> memref<20480x128xf32, #tpu.memory_space<hbm>>
      tpu.enqueue_indirect_dma source(%dma_start3A_81 : memref<20480x128xf32, #tpu.memory_space<hbm>>) target(%arg9 : memref<128x128xf32, #tpu.memory_space<vmem>>) offsets(%dma_start3A_78 : memref<128xi32, #tpu.memory_space<vmem>>) semaphore(%arg12 : memref<!tpu.dma_semaphore, #tpu.memory_space<semaphore_mem>>)
      %mul3A_82 = arith.constant 2 : i32
      %mul3A_83 = arith.muli %mul3A_82, %scan3A_61 : i32
      %add3A_84 = arith.constant 0 : i32
      %add3A_85 = arith.addi %mul3A_83, %add3A_84 : i32
      %dma_wait3A_86 = arith.constant 0 : i32
      %dma_wait3A_87 = tpu.memref_slice %arg6[%add3A_85, %dma_wait3A_86] : memref<40x128xi32, #tpu.memory_space<vmem>> -> memref<1x128xi32, #tpu.memory_space<vmem>>
      %dma_wait3A_88 = tpu.memref_squeeze %dma_wait3A_87 : memref<1x128xi32, #tpu.memory_space<vmem>> -> memref<128xi32, #tpu.memory_space<vmem>>
      %dma_wait3A_89 = arith.constant 0 : i32
      %dma_wait3A_90 = arith.constant 0 : i32
      %dma_wait3A_91 = tpu.memref_slice %arg2[%dma_wait3A_89, %dma_wait3A_90] : memref<20480x128xf32, #tpu.memory_space<hbm>> -> memref<20480x128xf32, #tpu.memory_space<hbm>>
      tpu.wait_indirect_dma semaphore(%arg11 : memref<!tpu.dma_semaphore, #tpu.memory_space<semaphore_mem>>) src(%dma_wait3A_91 : memref<20480x128xf32, #tpu.memory_space<hbm>>) dst(%arg8 : memref<128x128xf32, #tpu.memory_space<vmem>>)
      %dma_start3A_92 = arith.constant 0 : i32
      %dma_start3A_93 = tpu.memref_slice %arg7[%add3A_85, %dma_start3A_92] : memref<40x128xi32, #tpu.memory_space<vmem>> -> memref<1x128xi32, #tpu.memory_space<vmem>>
      %dma_start3A_94 = tpu.memref_squeeze %dma_start3A_93 : memref<1x128xi32, #tpu.memory_space<vmem>> -> memref<128xi32, #tpu.memory_space<vmem>>
      %dma_start3A_95 = arith.constant 0 : i32
      %dma_start3A_96 = arith.constant 0 : i32
      %dma_start3A_97 = tpu.memref_slice %arg10[%dma_start3A_95, %dma_start3A_96] : memref<10248x128xf32, #tpu.memory_space<vmem_shared>> -> memref<10248x128xf32, #tpu.memory_space<vmem_shared>>
      tpu.enqueue_indirect_dma source(%arg8 : memref<128x128xf32, #tpu.memory_space<vmem>>) target(%dma_start3A_97 : memref<10248x128xf32, #tpu.memory_space<vmem_shared>>) offsets(%dma_start3A_94 : memref<128xi32, #tpu.memory_space<vmem>>) semaphore(%arg13 : memref<!tpu.dma_semaphore, #tpu.memory_space<semaphore_mem>>) {add = true}
      %mul3A_98 = arith.constant 2 : i32
      %mul3A_99 = arith.muli %mul3A_98, %scan3A_61 : i32
      %add3A_100 = arith.constant 1 : i32
      %add3A_101 = arith.addi %mul3A_99, %add3A_100 : i32
      %dma_wait3A_102 = arith.constant 0 : i32
      %dma_wait3A_103 = tpu.memref_slice %arg6[%add3A_101, %dma_wait3A_102] : memref<40x128xi32, #tpu.memory_space<vmem>> -> memref<1x128xi32, #tpu.memory_space<vmem>>
      %dma_wait3A_104 = tpu.memref_squeeze %dma_wait3A_103 : memref<1x128xi32, #tpu.memory_space<vmem>> -> memref<128xi32, #tpu.memory_space<vmem>>
      %dma_wait3A_105 = arith.constant 0 : i32
      %dma_wait3A_106 = arith.constant 0 : i32
      %dma_wait3A_107 = tpu.memref_slice %arg2[%dma_wait3A_105, %dma_wait3A_106] : memref<20480x128xf32, #tpu.memory_space<hbm>> -> memref<20480x128xf32, #tpu.memory_space<hbm>>
      tpu.wait_indirect_dma semaphore(%arg12 : memref<!tpu.dma_semaphore, #tpu.memory_space<semaphore_mem>>) src(%dma_wait3A_107 : memref<20480x128xf32, #tpu.memory_space<hbm>>) dst(%arg9 : memref<128x128xf32, #tpu.memory_space<vmem>>)
      %dma_start3A_108 = arith.constant 0 : i32
      %dma_start3A_109 = tpu.memref_slice %arg7[%add3A_101, %dma_start3A_108] : memref<40x128xi32, #tpu.memory_space<vmem>> -> memref<1x128xi32, #tpu.memory_space<vmem>>
      %dma_start3A_110 = tpu.memref_squeeze %dma_start3A_109 : memref<1x128xi32, #tpu.memory_space<vmem>> -> memref<128xi32, #tpu.memory_space<vmem>>
      %dma_start3A_111 = arith.constant 0 : i32
      %dma_start3A_112 = arith.constant 0 : i32
      %dma_start3A_113 = tpu.memref_slice %arg10[%dma_start3A_111, %dma_start3A_112] : memref<10248x128xf32, #tpu.memory_space<vmem_shared>> -> memref<10248x128xf32, #tpu.memory_space<vmem_shared>>
      tpu.enqueue_indirect_dma source(%arg9 : memref<128x128xf32, #tpu.memory_space<vmem>>) target(%dma_start3A_113 : memref<10248x128xf32, #tpu.memory_space<vmem_shared>>) offsets(%dma_start3A_110 : memref<128xi32, #tpu.memory_space<vmem>>) semaphore(%arg14 : memref<!tpu.dma_semaphore, #tpu.memory_space<semaphore_mem>>) {add = true}
      %mul3A_114 = arith.constant 2 : i32
      %mul3A_115 = arith.muli %mul3A_114, %scan3A_61 : i32
      %add3A_116 = arith.constant 0 : i32
      %add3A_117 = arith.addi %mul3A_115, %add3A_116 : i32
      %dma_wait3A_118 = arith.constant 0 : i32
      %dma_wait3A_119 = tpu.memref_slice %arg7[%add3A_117, %dma_wait3A_118] : memref<40x128xi32, #tpu.memory_space<vmem>> -> memref<1x128xi32, #tpu.memory_space<vmem>>
      %dma_wait3A_120 = tpu.memref_squeeze %dma_wait3A_119 : memref<1x128xi32, #tpu.memory_space<vmem>> -> memref<128xi32, #tpu.memory_space<vmem>>
      %dma_wait3A_121 = arith.constant 0 : i32
      %dma_wait3A_122 = arith.constant 0 : i32
      %dma_wait3A_123 = tpu.memref_slice %arg10[%dma_wait3A_121, %dma_wait3A_122] : memref<10248x128xf32, #tpu.memory_space<vmem_shared>> -> memref<10248x128xf32, #tpu.memory_space<vmem_shared>>
      tpu.wait_indirect_dma semaphore(%arg13 : memref<!tpu.dma_semaphore, #tpu.memory_space<semaphore_mem>>) src(%arg8 : memref<128x128xf32, #tpu.memory_space<vmem>>) dst(%dma_wait3A_123 : memref<10248x128xf32, #tpu.memory_space<vmem_shared>>)
      %mul3A_124 = arith.constant 2 : i32
      %mul3A_125 = arith.muli %mul3A_124, %scan3A_61 : i32
      %add3A_126 = arith.constant 1 : i32
      %add3A_127 = arith.addi %mul3A_125, %add3A_126 : i32
      %dma_wait3A_128 = arith.constant 0 : i32
      %dma_wait3A_129 = tpu.memref_slice %arg7[%add3A_127, %dma_wait3A_128] : memref<40x128xi32, #tpu.memory_space<vmem>> -> memref<1x128xi32, #tpu.memory_space<vmem>>
      %dma_wait3A_130 = tpu.memref_squeeze %dma_wait3A_129 : memref<1x128xi32, #tpu.memory_space<vmem>> -> memref<128xi32, #tpu.memory_space<vmem>>
      %dma_wait3A_131 = arith.constant 0 : i32
      %dma_wait3A_132 = arith.constant 0 : i32
      %dma_wait3A_133 = tpu.memref_slice %arg10[%dma_wait3A_131, %dma_wait3A_132] : memref<10248x128xf32, #tpu.memory_space<vmem_shared>> -> memref<10248x128xf32, #tpu.memory_space<vmem_shared>>
      tpu.wait_indirect_dma semaphore(%arg14 : memref<!tpu.dma_semaphore, #tpu.memory_space<semaphore_mem>>) src(%arg9 : memref<128x128xf32, #tpu.memory_space<vmem>>) dst(%dma_wait3A_133 : memref<10248x128xf32, #tpu.memory_space<vmem_shared>>)
    }
    %scan3A_29 = arith.constant 19 : i32
    %dma_start3A = arith.constant 38 : i32
    %dma_start3A_30 = arith.constant 0 : i32
    %dma_start3A_31 = tpu.memref_slice %arg6[%dma_start3A, %dma_start3A_30] : memref<40x128xi32, #tpu.memory_space<vmem>> -> memref<1x128xi32, #tpu.memory_space<vmem>>
    %dma_start3A_32 = tpu.memref_squeeze %dma_start3A_31 : memref<1x128xi32, #tpu.memory_space<vmem>> -> memref<128xi32, #tpu.memory_space<vmem>>
    %dma_start3A_33 = arith.constant 0 : i32
    %dma_start3A_34 = arith.constant 0 : i32
    %dma_start3A_35 = tpu.memref_slice %arg2[%dma_start3A_33, %dma_start3A_34] : memref<20480x128xf32, #tpu.memory_space<hbm>> -> memref<20480x128xf32, #tpu.memory_space<hbm>>
    tpu.enqueue_indirect_dma source(%dma_start3A_35 : memref<20480x128xf32, #tpu.memory_space<hbm>>) target(%arg8 : memref<128x128xf32, #tpu.memory_space<vmem>>) offsets(%dma_start3A_32 : memref<128xi32, #tpu.memory_space<vmem>>) semaphore(%arg11 : memref<!tpu.dma_semaphore, #tpu.memory_space<semaphore_mem>>)
    %dma_wait3A = arith.constant 38 : i32
    %dma_wait3A_36 = arith.constant 0 : i32
    %dma_wait3A_37 = tpu.memref_slice %arg6[%dma_wait3A, %dma_wait3A_36] : memref<40x128xi32, #tpu.memory_space<vmem>> -> memref<1x128xi32, #tpu.memory_space<vmem>>
    %dma_wait3A_38 = tpu.memref_squeeze %dma_wait3A_37 : memref<1x128xi32, #tpu.memory_space<vmem>> -> memref<128xi32, #tpu.memory_space<vmem>>
    %dma_wait3A_39 = arith.constant 0 : i32
    %dma_wait3A_40 = arith.constant 0 : i32
    %dma_wait3A_41 = tpu.memref_slice %arg2[%dma_wait3A_39, %dma_wait3A_40] : memref<20480x128xf32, #tpu.memory_space<hbm>> -> memref<20480x128xf32, #tpu.memory_space<hbm>>
    tpu.wait_indirect_dma semaphore(%arg11 : memref<!tpu.dma_semaphore, #tpu.memory_space<semaphore_mem>>) src(%dma_wait3A_41 : memref<20480x128xf32, #tpu.memory_space<hbm>>) dst(%arg8 : memref<128x128xf32, #tpu.memory_space<vmem>>)
    %dma_start3A_42 = arith.constant 38 : i32
    %dma_start3A_43 = arith.constant 0 : i32
    %dma_start3A_44 = tpu.memref_slice %arg7[%dma_start3A_42, %dma_start3A_43] : memref<40x128xi32, #tpu.memory_space<vmem>> -> memref<1x128xi32, #tpu.memory_space<vmem>>
    %dma_start3A_45 = tpu.memref_squeeze %dma_start3A_44 : memref<1x128xi32, #tpu.memory_space<vmem>> -> memref<128xi32, #tpu.memory_space<vmem>>
    %dma_start3A_46 = arith.constant 0 : i32
    %dma_start3A_47 = arith.constant 0 : i32
    %dma_start3A_48 = tpu.memref_slice %arg10[%dma_start3A_46, %dma_start3A_47] : memref<10248x128xf32, #tpu.memory_space<vmem_shared>> -> memref<10248x128xf32, #tpu.memory_space<vmem_shared>>
    tpu.enqueue_indirect_dma source(%arg8 : memref<128x128xf32, #tpu.memory_space<vmem>>) target(%dma_start3A_48 : memref<10248x128xf32, #tpu.memory_space<vmem_shared>>) offsets(%dma_start3A_45 : memref<128xi32, #tpu.memory_space<vmem>>) semaphore(%arg13 : memref<!tpu.dma_semaphore, #tpu.memory_space<semaphore_mem>>) {add = true}
    %dma_wait3A_49 = arith.constant 38 : i32
    %dma_wait3A_50 = arith.constant 0 : i32
    %dma_wait3A_51 = tpu.memref_slice %arg7[%dma_wait3A_49, %dma_wait3A_50] : memref<40x128xi32, #tpu.memory_space<vmem>> -> memref<1x128xi32, #tpu.memory_space<vmem>>
    %dma_wait3A_52 = tpu.memref_squeeze %dma_wait3A_51 : memref<1x128xi32, #tpu.memory_space<vmem>> -> memref<128xi32, #tpu.memory_space<vmem>>
    %dma_wait3A_53 = arith.constant 0 : i32
    %dma_wait3A_54 = arith.constant 0 : i32
    %dma_wait3A_55 = tpu.memref_slice %arg10[%dma_wait3A_53, %dma_wait3A_54] : memref<10248x128xf32, #tpu.memory_space<vmem_shared>> -> memref<10248x128xf32, #tpu.memory_space<vmem_shared>>
    tpu.wait_indirect_dma semaphore(%arg13 : memref<!tpu.dma_semaphore, #tpu.memory_space<semaphore_mem>>) src(%arg8 : memref<128x128xf32, #tpu.memory_space<vmem>>) dst(%dma_wait3A_55 : memref<10248x128xf32, #tpu.memory_space<vmem_shared>>)
    %barrier3A_56 = arith.constant 0 : index
    tpu.barrier barrier_id(%barrier3A_56)
    %mul3A_57 = arith.constant 10240 : i32
    %mul3A_58 = arith.muli %arg0, %mul3A_57 : i32
    %add3A_59 = arith.addi %mul3A_58, %mul3A_0 : i32
    %multiple_of3A_60 = tpu.assume_multiple %add3A_59, 8 : i32
    "tpu.region"() ({
      %run_scoped3A = tpu.sem_alloc : memref<!tpu.dma_semaphore, #tpu.memory_space<semaphore_mem>>
      %dma_start3A_61 = arith.constant 0 : i32
      %dma_start3A_62 = tpu.memref_slice %arg5[%multiple_of3A_60, %dma_start3A_61] : memref<20480x128xf32, #tpu.memory_space<hbm>> -> memref<640x128xf32, #tpu.memory_space<hbm>>
      %dma_start3A_63 = arith.constant 0 : i32
      %dma_start3A_64 = tpu.memref_slice %arg10[%mul3A_0, %dma_start3A_63] : memref<10248x128xf32, #tpu.memory_space<vmem_shared>> -> memref<640x128xf32, #tpu.memory_space<vmem_shared>>
      tpu.enqueue_dma source(%dma_start3A_64 : memref<640x128xf32, #tpu.memory_space<vmem_shared>>) target(%dma_start3A_62 : memref<640x128xf32, #tpu.memory_space<hbm>>) target_semaphore(%run_scoped3A : memref<!tpu.dma_semaphore, #tpu.memory_space<semaphore_mem>>)
      %dma_wait3A_65 = arith.constant 0 : i32
      %dma_wait3A_66 = tpu.memref_slice %arg5[%multiple_of3A_60, %dma_wait3A_65] : memref<20480x128xf32, #tpu.memory_space<hbm>> -> memref<640x128xf32, #tpu.memory_space<hbm>>
      %dma_wait3A_67 = arith.constant 0 : i32
      %dma_wait3A_68 = tpu.memref_slice %arg10[%mul3A_0, %dma_wait3A_67] : memref<10248x128xf32, #tpu.memory_space<vmem_shared>> -> memref<640x128xf32, #tpu.memory_space<vmem_shared>>
      tpu.wait_dma2 semaphore(%run_scoped3A : memref<!tpu.dma_semaphore, #tpu.memory_space<semaphore_mem>>) src(%dma_wait3A_68 : memref<640x128xf32, #tpu.memory_space<vmem_shared>>) dst(%dma_wait3A_66 : memref<640x128xf32, #tpu.memory_space<hbm>>)
      tpu.yield
    }) : () -> ()
    return
  }
}

module attributes {stable_mosaic.version = 14 : i64} {
  func.func @body(%arg0: i32, %arg1: i32, %arg2: memref<640x128xf32, #tpu.memory_space<vmem>>, %arg3: memref<128x128xf32, #tpu.memory_space<vmem>>, %arg4: memref<640x128xf32, #tpu.memory_space<vmem>>, %arg5: memref<640x128xf32, #tpu.memory_space<vmem>>, %arg6: memref<640x128xf32, #tpu.memory_space<vmem>>, %arg7: memref<640x16xf32, #tpu.memory_space<vmem>>) attributes {dimension_semantics = [#tpu.dimension_semantics<arbitrary>, #tpu.dimension_semantics<arbitrary>], iteration_bounds = array<i64: 2, 16>, scalar_prefetch = 0 : i64, scratch_operands = 0 : i64, tpu.core_type = #tpu.core_type<tc>, window_params = [{transform_indices = @transform_0, window_bounds = array<i64: 640, 128>}, {transform_indices = @transform_1, window_bounds = array<i64: 128, 128>}, {transform_indices = @transform_2, window_bounds = array<i64: 640, 128>}, {transform_indices = @transform_3, window_bounds = array<i64: 640, 128>}, {transform_indices = @transform_4, window_bounds = array<i64: 640, 128>}, {transform_indices = @transform_5, window_bounds = array<i64: 640, 16>}]} {
    %get3A = arith.constant 0 : index
    %get3A_0 = arith.constant 0 : index
    %get3A_1 = vector.load %arg4[%get3A, %get3A_0] : memref<640x128xf32, #tpu.memory_space<vmem>>, vector<640x128xf32>
    %get3A_2 = arith.constant 0 : index
    %get3A_3 = arith.constant 0 : index
    %get3A_4 = vector.load %arg5[%get3A_2, %get3A_3] : memref<640x128xf32, #tpu.memory_space<vmem>>, vector<640x128xf32>
    %slice3A = vector.extract_strided_slice %get3A_1 {offsets = [0, 0], sizes = [640, 1], strides = [1, 1]} : vector<640x128xf32> to vector<640x1xf32>
    %slice3A_5 = vector.extract_strided_slice %get3A_4 {offsets = [0, 0], sizes = [640, 1], strides = [1, 1]} : vector<640x128xf32> to vector<640x1xf32>
    %add3A = arith.addf %slice3A, %slice3A_5 : vector<640x1xf32>
    %sub3A = arith.constant 1.000000e+00 : f32
    %sub3A_6 = vector.broadcast %sub3A : f32 to vector<640x1xf32>
    %sub3A_7 = arith.subf %add3A, %sub3A_6 : vector<640x1xf32>
    %rsqrt3A = math.rsqrt %sub3A_7 : vector<640x1xf32>
    %get3A_8 = arith.constant 0 : index
    %get3A_9 = arith.constant 0 : index
    %get3A_10 = vector.load %arg2[%get3A_8, %get3A_9] : memref<640x128xf32, #tpu.memory_space<vmem>>, vector<640x128xf32>
    %get3A_11 = arith.constant 0 : index
    %get3A_12 = arith.constant 0 : index
    %get3A_13 = vector.load %arg3[%get3A_11, %get3A_12] : memref<128x128xf32, #tpu.memory_space<vmem>>, vector<128x128xf32>
    %dot_general3A = arith.constant dense<0.000000e+00> : vector<640x128xf32>
    %dot_general3A_14 = tpu.matmul %get3A_10, %get3A_13, %dot_general3A {dimension_numbers = #tpu.dot_dimension_numbers<[1], [0], [0], [1], [0, 0, 1, 1], [], []>, transpose_lhs_hint = false} : vector<640x128xf32>, vector<128x128xf32>, vector<640x128xf32> -> vector<640x128xf32>
    %mul3A = vector.broadcast %rsqrt3A : vector<640x1xf32> to vector<640x128xf32>
    %mul3A_15 = arith.mulf %dot_general3A_14, %mul3A : vector<640x128xf32>
    %swap3A = arith.constant 0 : index
    %swap3A_16 = arith.constant 0 : index
    %swap3A_17 = vector.load %arg6[%swap3A, %swap3A_16] : memref<640x128xf32, #tpu.memory_space<vmem>>, vector<640x128xf32>
    tpu.vector_store %arg6[%swap3A, %swap3A_16], %mul3A_15 {strides = array<i32>} : memref<640x128xf32, #tpu.memory_space<vmem>>, vector<640x128xf32>,
    %broadcast_in_dim3A = vector.shape_cast %rsqrt3A : vector<640x1xf32> to vector<640x1xf32>
    %broadcast_in_dim3A_18 = vector.broadcast %broadcast_in_dim3A : vector<640x1xf32> to vector<640x16xf32>
    %swap3A_19 = arith.constant 0 : index
    %swap3A_20 = arith.constant 0 : index
    %swap3A_21 = vector.load %arg7[%swap3A_19, %swap3A_20] : memref<640x16xf32, #tpu.memory_space<vmem>>, vector<640x16xf32>
    tpu.vector_store %arg7[%swap3A_19, %swap3A_20], %broadcast_in_dim3A_18 {strides = array<i32>} : memref<640x16xf32, #tpu.memory_space<vmem>>, vector<640x16xf32>,
    return
  }
  func.func @transform_0(%arg0: i32, %arg1: i32) -> (i32, i32) {
    %c0_i32 = arith.constant 0 : i32
    %c0_i32_0 = arith.constant 0 : i32
    return %arg1, %c0_i32 : i32, i32
  }
  func.func @transform_1(%arg0: i32, %arg1: i32) -> (i32, i32) {
    %c0_i32 = arith.constant 0 : i32
    %c0_i32_0 = arith.constant 0 : i32
    return %c0_i32, %arg0 : i32, i32
  }
  func.func @transform_2(%arg0: i32, %arg1: i32) -> (i32, i32) {
    %c0_i32 = arith.constant 0 : i32
    %c0_i32_0 = arith.constant 0 : i32
    return %arg1, %c0_i32 : i32, i32
  }
  func.func @transform_3(%arg0: i32, %arg1: i32) -> (i32, i32) {
    %c0_i32 = arith.constant 0 : i32
    %c0_i32_0 = arith.constant 0 : i32
    return %arg1, %c0_i32 : i32, i32
  }
  func.func @transform_4(%arg0: i32, %arg1: i32) -> (i32, i32) {
    %mul3A = arith.constant 16 : i32
    %mul3A_0 = arith.muli %arg0, %mul3A : i32
    %add3A = arith.addi %mul3A_0, %arg1 : i32
    %c0_i32 = arith.constant 0 : i32
    %c0_i32_1 = arith.constant 0 : i32
    return %add3A, %c0_i32 : i32, i32
  }
  func.func @transform_5(%arg0: i32, %arg1: i32) -> (i32, i32) {
    %c0_i32 = arith.constant 0 : i32
    %c0_i32_0 = arith.constant 0 : i32
    return %arg1, %c0_i32 : i32, i32
  }
}

module attributes {stable_mosaic.version = 14 : i64} {
  func.func @body(%arg0: i32, %arg1: i32, %arg2: memref<640x128xf32, #tpu.memory_space<vmem>>, %arg3: memref<640x128xf32, #tpu.memory_space<vmem>>, %arg4: memref<640x16xf32, #tpu.memory_space<vmem>>, %arg5: memref<1x256xf32, #tpu.memory_space<vmem>>, %arg6: memref<256x128xf32, #tpu.memory_space<vmem>>, %arg7: memref<640x128xf32, #tpu.memory_space<vmem>>) attributes {dimension_semantics = [#tpu.dimension_semantics<arbitrary>, #tpu.dimension_semantics<arbitrary>], iteration_bounds = array<i64: 2, 16>, scalar_prefetch = 0 : i64, scratch_operands = 0 : i64, tpu.core_type = #tpu.core_type<tc>, window_params = [{transform_indices = @transform_0, window_bounds = array<i64: 640, 128>}, {transform_indices = @transform_1, window_bounds = array<i64: 640, 128>}, {transform_indices = @transform_2, window_bounds = array<i64: 640, 16>}, {pipeline_mode = #tpu.pipeline_mode<synchronous>, transform_indices = @transform_3, window_bounds = array<i64: 1, 256>}, {pipeline_mode = #tpu.pipeline_mode<synchronous>, transform_indices = @transform_4, window_bounds = array<i64: 256, 128>}, {transform_indices = @transform_5, window_bounds = array<i64: 640, 128>}]} {
    %get3A = arith.constant 0 : index
    %get3A_0 = arith.constant 0 : index
    %get3A_1 = vector.load %arg4[%get3A, %get3A_0] : memref<640x16xf32, #tpu.memory_space<vmem>>, vector<640x1xf32>
    %get3A_2 = arith.constant 0 : index
    %get3A_3 = arith.constant 0 : index
    %get3A_4 = vector.load %arg2[%get3A_2, %get3A_3] : memref<640x128xf32, #tpu.memory_space<vmem>>, vector<640x128xf32>
    %get3A_5 = arith.constant 0 : index
    %get3A_6 = arith.constant 0 : index
    %get3A_7 = vector.load %arg3[%get3A_5, %get3A_6] : memref<640x128xf32, #tpu.memory_space<vmem>>, vector<640x128xf32>
    %concatenate3A = tpu.concatenate %get3A_4, %get3A_7 in 1 : vector<640x128xf32>, vector<640x128xf32> -> vector<640x256xf32>
    %mul3A = vector.broadcast %get3A_1 : vector<640x1xf32> to vector<640x256xf32>
    %mul3A_8 = arith.mulf %concatenate3A, %mul3A : vector<640x256xf32>
    %get3A_9 = arith.constant 0 : index
    %get3A_10 = arith.constant 0 : index
    %get3A_11 = vector.load %arg5[%get3A_9, %get3A_10] : memref<1x256xf32, #tpu.memory_space<vmem>>, vector<1x256xf32>
    %add3A = vector.broadcast %get3A_11 : vector<1x256xf32> to vector<640x256xf32>
    %add3A_12 = arith.addf %mul3A_8, %add3A : vector<640x256xf32>
    %max3A = arith.constant 0.000000e+00 : f32
    %max3A_13 = vector.broadcast %max3A : f32 to vector<640x256xf32>
    %max3A_14 = arith.maximumf %add3A_12, %max3A_13 : vector<640x256xf32>
    %get3A_15 = arith.constant 0 : index
    %get3A_16 = arith.constant 0 : index
    %get3A_17 = vector.load %arg6[%get3A_15, %get3A_16] : memref<256x128xf32, #tpu.memory_space<vmem>>, vector<256x128xf32>
    %dot_general3A = arith.constant dense<0.000000e+00> : vector<640x128xf32>
    %dot_general3A_18 = tpu.matmul %max3A_14, %get3A_17, %dot_general3A {dimension_numbers = #tpu.dot_dimension_numbers<[1], [0], [0], [1], [0, 0, 1, 1], [], []>, transpose_lhs_hint = false} : vector<640x256xf32>, vector<256x128xf32>, vector<640x128xf32> -> vector<640x128xf32>
    %mul3A_19 = vector.broadcast %get3A_1 : vector<640x1xf32> to vector<640x128xf32>
    %mul3A_20 = arith.mulf %dot_general3A_18, %mul3A_19 : vector<640x128xf32>
    %swap3A = arith.constant 0 : index
    %swap3A_21 = arith.constant 0 : index
    %swap3A_22 = vector.load %arg7[%swap3A, %swap3A_21] : memref<640x128xf32, #tpu.memory_space<vmem>>, vector<640x128xf32>
    tpu.vector_store %arg7[%swap3A, %swap3A_21], %mul3A_20 {strides = array<i32>} : memref<640x128xf32, #tpu.memory_space<vmem>>, vector<640x128xf32>,
    return
  }
  func.func @transform_0(%arg0: i32, %arg1: i32) -> (i32, i32) {
    %c0_i32 = arith.constant 0 : i32
    %c0_i32_0 = arith.constant 0 : i32
    return %arg1, %c0_i32 : i32, i32
  }
  func.func @transform_1(%arg0: i32, %arg1: i32) -> (i32, i32) {
    %c0_i32 = arith.constant 0 : i32
    %c0_i32_0 = arith.constant 0 : i32
    return %arg1, %c0_i32 : i32, i32
  }
  func.func @transform_2(%arg0: i32, %arg1: i32) -> (i32, i32) {
    %c0_i32 = arith.constant 0 : i32
    %c0_i32_0 = arith.constant 0 : i32
    return %arg1, %c0_i32 : i32, i32
  }
  func.func @transform_3(%arg0: i32, %arg1: i32) -> (i32, i32) {
    %c0_i32 = arith.constant 0 : i32
    %c0_i32_0 = arith.constant 0 : i32
    %c0_i32_1 = arith.constant 0 : i32
    return %c0_i32, %c0_i32_0 : i32, i32
  }
  func.func @transform_4(%arg0: i32, %arg1: i32) -> (i32, i32) {
    %c0_i32 = arith.constant 0 : i32
    %c0_i32_0 = arith.constant 0 : i32
    %c0_i32_1 = arith.constant 0 : i32
    return %c0_i32, %c0_i32_0 : i32, i32
  }
  func.func @transform_5(%arg0: i32, %arg1: i32) -> (i32, i32) {
    %mul3A = arith.constant 16 : i32
    %mul3A_0 = arith.muli %arg0, %mul3A : i32
    %add3A = arith.addi %mul3A_0, %arg1 : i32
    %c0_i32 = arith.constant 0 : i32
    %c0_i32_1 = arith.constant 0 : i32
    return %add3A, %c0_i32 : i32, i32
  }
}

module attributes {stable_mosaic.version = 14 : i64} {
  func.func @body(%arg0: i32, %arg1: memref<640x128xf32, #tpu.memory_space<vmem>>, %arg2: memref<640x128xf32, #tpu.memory_space<vmem>>, %arg3: memref<640x128xf32, #tpu.memory_space<vmem>>, %arg4: memref<640x16xf32, #tpu.memory_space<vmem>>, %arg5: memref<1x128xf32, #tpu.memory_space<vmem>>, %arg6: memref<640x128xf32, #tpu.memory_space<vmem>>) attributes {dimension_semantics = [#tpu.dimension_semantics<arbitrary>], iteration_bounds = array<i64: 16>, scalar_prefetch = 0 : i64, scratch_operands = 0 : i64, tpu.core_type = #tpu.core_type<tc>, window_params = [{transform_indices = @transform_0, window_bounds = array<i64: 640, 128>}, {transform_indices = @transform_1, window_bounds = array<i64: 640, 128>}, {transform_indices = @transform_2, window_bounds = array<i64: 640, 128>}, {transform_indices = @transform_3, window_bounds = array<i64: 640, 16>}, {pipeline_mode = #tpu.pipeline_mode<synchronous>, transform_indices = @transform_4, window_bounds = array<i64: 1, 128>}, {transform_indices = @transform_5, window_bounds = array<i64: 640, 128>}]} {
    %get3A = arith.constant 0 : index
    %get3A_0 = arith.constant 0 : index
    %get3A_1 = vector.load %arg4[%get3A, %get3A_0] : memref<640x16xf32, #tpu.memory_space<vmem>>, vector<640x1xf32>
    %get3A_2 = arith.constant 0 : index
    %get3A_3 = arith.constant 0 : index
    %get3A_4 = vector.load %arg1[%get3A_2, %get3A_3] : memref<640x128xf32, #tpu.memory_space<vmem>>, vector<640x128xf32>
    %get3A_5 = arith.constant 0 : index
    %get3A_6 = arith.constant 0 : index
    %get3A_7 = vector.load %arg2[%get3A_5, %get3A_6] : memref<640x128xf32, #tpu.memory_space<vmem>>, vector<640x128xf32>
    %add3A = arith.addf %get3A_4, %get3A_7 : vector<640x128xf32>
    %get3A_8 = arith.constant 0 : index
    %get3A_9 = arith.constant 0 : index
    %get3A_10 = vector.load %arg3[%get3A_8, %get3A_9] : memref<640x128xf32, #tpu.memory_space<vmem>>, vector<640x128xf32>
    %sub3A = arith.subf %add3A, %get3A_10 : vector<640x128xf32>
    %mul3A = vector.broadcast %get3A_1 : vector<640x1xf32> to vector<640x128xf32>
    %mul3A_11 = arith.mulf %sub3A, %mul3A : vector<640x128xf32>
    %get3A_12 = arith.constant 0 : index
    %get3A_13 = arith.constant 0 : index
    %get3A_14 = vector.load %arg5[%get3A_12, %get3A_13] : memref<1x128xf32, #tpu.memory_space<vmem>>, vector<1x128xf32>
    %add3A_15 = vector.broadcast %get3A_14 : vector<1x128xf32> to vector<640x128xf32>
    %add3A_16 = arith.addf %mul3A_11, %add3A_15 : vector<640x128xf32>
    %swap3A = arith.constant 0 : index
    %swap3A_17 = arith.constant 0 : index
    %swap3A_18 = vector.load %arg6[%swap3A, %swap3A_17] : memref<640x128xf32, #tpu.memory_space<vmem>>, vector<640x128xf32>
    tpu.vector_store %arg6[%swap3A, %swap3A_17], %add3A_16 {strides = array<i32>} : memref<640x128xf32, #tpu.memory_space<vmem>>, vector<640x128xf32>,
    return
  }
  func.func @transform_0(%arg0: i32) -> (i32, i32) {
    %c0_i32 = arith.constant 0 : i32
    %c0_i32_0 = arith.constant 0 : i32
    return %arg0, %c0_i32 : i32, i32
  }
  func.func @transform_1(%arg0: i32) -> (i32, i32) {
    %c0_i32 = arith.constant 0 : i32
    %c0_i32_0 = arith.constant 0 : i32
    return %arg0, %c0_i32 : i32, i32
  }
  func.func @transform_2(%arg0: i32) -> (i32, i32) {
    %c0_i32 = arith.constant 0 : i32
    %c0_i32_0 = arith.constant 0 : i32
    return %arg0, %c0_i32 : i32, i32
  }
  func.func @transform_3(%arg0: i32) -> (i32, i32) {
    %c0_i32 = arith.constant 0 : i32
    %c0_i32_0 = arith.constant 0 : i32
    return %arg0, %c0_i32 : i32, i32
  }
  func.func @transform_4(%arg0: i32) -> (i32, i32) {
    %c0_i32 = arith.constant 0 : i32
    %c0_i32_0 = arith.constant 0 : i32
    %c0_i32_1 = arith.constant 0 : i32
    return %c0_i32, %c0_i32_0 : i32, i32
  }
  func.func @transform_5(%arg0: i32) -> (i32, i32) {
    %c0_i32 = arith.constant 0 : i32
    %c0_i32_0 = arith.constant 0 : i32
    return %arg0, %c0_i32 : i32, i32
  }
}

</mosaic_0001>

<sc_bundles>
// kernel: kernel.11.cloned.1.call-start
scs
__scs_entry_jumppad:
0x0: {  	(pc) =	sbr.rel $0x88, $3  }
0x1: {  	(tag) =	ssettag $0x0;
	lr =	simm.s32 $0x1  }
0x2: {  	[smem:$0x3F9B] =	sst lr;
	_ =	strace $0xD0000000  }
0x3: {  	_ = 	snop  }
0x4: {  	_ = 	snop  }
0x5: {  	_ = 	snop  }
0x6: {  	_ = 	snop  }
0x7: {  	_ = 	snop  }
__scs_overlays_trampoline_lowered:
0x8: {  	[smem:$0x3FAA] =	sst s0  }
0x9: {  	[smem:$0x3FAB] =	sst s1  }
0xa: {  	[smem:$0x3FAC] =	sst s2  }
0xb: {  	[smem:$0x3FAD] =	sst s3  }
0xc: {  	[smem:$0x3FAE] =	sst s4  }
0xd: {  	[smem:$0x3FAF] =	sst s5  }
0xe: {  	[smem:$0x3FB0] =	sst s6  }
0xf: {  	[smem:$0x3FB1] =	sst s7  }
0x10: {  	[smem:$0x3FB2] =	sst s8  }
0x11: {  	[smem:$0x3FB3] =	sst s9;
	s0 =	simm.s32 @!p0 $0x0  }
0x12: {  	s1 =	sld [smem:$0x3F99];
	s0 =	simm.s32 @p0 $0x1  }
0x13: {  	[smem:$0x3FB4] =	sst s0;
	s0 =	simm.s32 @!p1 $0x0  }
0x14: {  	s2 =	sld [smem:$0x3F98];
	s0 =	simm.s32 @p1 $0x1  }
0x15: {  	[smem:$0x3FB5] =	sst s0;
	s0 =	simm.s32 @!p2 $0x0  }
0x16: {  	s3 =	sld [smem:$0x3FDB];
	s0 =	simm.s32 @p2 $0x1  }
0x17: {  	s4 =	simm.s32 $0x1BF5;
	[smem:$0x3FB7] =	sst s0  }
0x18: {  	s0 =	sld [smem:$0x3F9A];
	_ =	swait.ge [sflag:s4], $0x0  }
0x19: {  	s7 =	sld [smem:$0x3F9B]  }
0x1a: {  	s8 =	sadd.s32 $0xFFFFE003, lr  }
0x1b: {  	s9 =	sadd.s32 $0xFFFFFEF7, lr;
	s5 =	simm.s32 $0xFFFFFFFF;
	p2 =	slt.u32 s8, $0xFFFFF086  }
0x1c: {  	p1 =	slt.u32 s9, $0xF7A;
	s5 =	simm.s32 @!p2 $0x0  }
0x1d: {  	s5 =	simm.s32 @p1 $0x1;
	p0 =	seq.s32 s7, s2  }
0x1e: {  	s7 =	smul.u32 @!p0 $0xF7A, s2;
	p2 =	seq.s32 @!p0 s5, $0x0  }
0x1f: {  	s9 =	smul.u32 $0xF7A, s1;
	s8 =	simm.s32 @!p0 $0x1BF5;
	p2 =	por !p2, p0  }
0x20: {  	[sflag:s8] =	ssyncset.s32 @!p0 $0xFFFFF086;
	s6 =	sadd.s32 @!p0 s3, s7;
	s7 =	simm.s32 @!p0 $0x108  }
0x21: {  	s3 =	sadd.s32 s3, s9;
	s6 =	sadd.s32 @!p0 $0x88, s6;
	s7 =	simm.s32 @p2 $0x1082  }
0x22: {  	[simem:s7], [sflag:s8] =	dma.local @!p0 [hbm:s6], $0xF7A  }
0x23: {  	s9 =	sor.u32 $0xD0000000, s2;
	s6 =	simm.s32 $0x108;
	_ =	swait.ge @!p0 [sflag:s8], $0x0  }
0x24: {  	s3 =	sadd.s32 $0x88, s3;
	s6 =	simm.s32 @!p1 $0x1082;
	[sflag:s4] =	ssyncset.s32 $0xFFFFF086  }
0x25: {  	[simem:s6], [sflag:s4] =	dma.local [hbm:s3], $0xF7A  }
0x26: {  	[smem:$0x3F9B] =	sst s1;
	(tag) =	ssettag s2;
	_ =	strace s9  }
0x27: {  	s1 =	sld [smem:$0x3FAB]  }
0x28: {  	s2 =	sld [smem:$0x3FAC]  }
0x29: {  	s4 =	sld [smem:$0x3FAE]  }
0x2a: {  	p0 =	seq.s32 s5, $0x0;
	s5 =	sld [smem:$0x3FAF]  }
0x2b: {  	s6 =	sld [smem:$0x3FB0]  }
0x2c: {  	s7 =	sld [smem:$0x3FB1]  }
0x2d: {  	s3 =	simm.s32 $0x108;
	s8 =	sld [smem:$0x3FB2]  }
0x2e: {  	s3 =	simm.s32 @!p0 $0x1082;
	s9 =	sld [smem:$0x3FB3]  }
0x2f: {  	lr =	sadd.s32 s0, s3;
	s0 =	sld [smem:$0x3FAA]  }
0x30: {  	s3 =	sld [smem:$0x3FAD]  }
0x31: {  	[smem:$0x3FB6] =	sst s10  }
0x32: {  	s10 =	sld [smem:$0x3FB4];
	_ =	sdelay $0x3  }
0x33: {  	p0 =	seq.s32 s10, $0x1;
	s10 =	sld [smem:$0x3FB6];
	_ =	sdelay $0x3  }
0x34: {  	[smem:$0x3FB6] =	sst s10  }
0x35: {  	s10 =	sld [smem:$0x3FB5];
	_ =	sdelay $0x3  }
0x36: {  	p1 =	seq.s32 s10, $0x1;
	s10 =	sld [smem:$0x3FB6];
	_ =	sdelay $0x3  }
0x37: {  	[smem:$0x3FB6] =	sst s10  }
0x38: {  	s10 =	sld [smem:$0x3FB7]  }
0x39: {  	_ = 	snop;
	(pc) =	sbr.ind lr, $3  }
0x3a: {  	_ = 	snop  }
0x3b: {  	_ = 	snop  }
0x3c: {  	p2 =	seq.s32 s10, $0x1;
	s10 =	sld [smem:$0x3FB6]  }
0x3d: {  	_ =	shalt  }
0x3e: {  	_ =	shalt  }
0x3f: {  	_ =	shalt  }
0x40: {  	_ =	shalt  }
0x41: {  	_ =	shalt  }
0x42: {  	_ =	shalt  }
0x43: {  	_ =	shalt  }
0x44: {  	_ =	shalt  }
0x45: {  	_ =	shalt  }
0x46: {  	_ =	shalt  }
0x47: {  	_ =	shalt  }
0x48: {  	_ =	shalt  }
0x49: {  	_ =	shalt  }
0x4a: {  	_ =	shalt  }
0x4b: {  	_ =	shalt  }
0x4c: {  	_ =	shalt  }
0x4d: {  	_ =	shalt  }
0x4e: {  	_ =	shalt  }
0x4f: {  	_ =	shalt  }
0x50: {  	_ =	shalt  }
0x51: {  	_ =	shalt  }
0x52: {  	_ =	shalt  }
0x53: {  	_ =	shalt  }
0x54: {  	_ =	shalt  }
0x55: {  	_ =	shalt  }
0x56: {  	_ =	shalt  }
0x57: {  	_ =	shalt  }
0x58: {  	_ =	shalt  }
0x59: {  	_ =	shalt  }
0x5a: {  	_ =	shalt  }
0x5b: {  	_ =	shalt  }
0x5c: {  	_ =	shalt  }
0x5d: {  	_ =	shalt  }
0x5e: {  	_ =	shalt  }
0x5f: {  	_ =	shalt  }
0x60: {  	_ =	shalt  }
0x61: {  	_ =	shalt  }
0x62: {  	_ =	shalt  }
0x63: {  	_ =	shalt  }
0x64: {  	_ =	shalt  }
0x65: {  	_ =	shalt  }
0x66: {  	_ =	shalt  }
0x67: {  	_ =	shalt  }
0x68: {  	_ =	shalt  }
0x69: {  	_ =	shalt  }
0x6a: {  	_ =	shalt  }
0x6b: {  	_ =	shalt  }
0x6c: {  	_ =	shalt  }
0x6d: {  	_ =	shalt  }
0x6e: {  	_ =	shalt  }
0x6f: {  	_ =	shalt  }
0x70: {  	_ =	shalt  }
0x71: {  	_ =	shalt  }
0x72: {  	_ =	shalt  }
0x73: {  	_ =	shalt  }
0x74: {  	_ =	shalt  }
0x75: {  	_ =	shalt  }
0x76: {  	_ =	shalt  }
0x77: {  	_ =	shalt  }
0x78: {  	_ =	shalt  }
0x79: {  	_ =	shalt  }
0x7a: {  	_ =	shalt  }
0x7b: {  	_ =	shalt  }
0x7c: {  	_ =	shalt  }
0x7d: {  	_ =	shalt  }
0x7e: {  	_ =	shalt  }
0x7f: {  	_ =	shalt  }
0x80: {  	_ =	shalt  }
0x81: {  	_ =	shalt  }
0x82: {  	_ =	shalt  }
0x83: {  	_ =	shalt  }
0x84: {  	_ =	shalt  }
0x85: {  	_ =	shalt  }
0x86: {  	_ =	shalt  }
0x87: {  	_ =	shalt  }
.Lfunc_end0:
.L_simem_size_0:
called_computation.1_lowered:
.L_overlay_start_0:
0x88: {  	s2 =	sld [smem:$0x3FD9]  }
0x89: {  	s3 =	sld [smem:$0x3FFE];
	_ =	sdelay $0x1  }
0x8a: {  	s1 =	srdreg.scid  }
0x8b: {  	s0 =	sand.u32 $0x1, s1  }
0x8c: {  	s17 =	sshll.u32 s0, $0xA;
	s2 =	sadd.s32 s3, s2  }
0x8d: {  	s2 =	sadd.s32 s2, s17  }
0x8e: {  	[smem:$0x3FC2] =	sst s2  }
0x8f: {  	_ = 	snop  }
0x90: {  	s2 =	sld [smem:$0x3FD0];
	(tm) =	ssettm $0x1  }
0x91: {  	s18 =	sld [smem:$0x3FFB];
	_ =	sdelay $0x3  }
0x92: {  	_ =	strace s18  }
0x93: {  	s3 =	sld [smem:$0x3FFC];
	_ =	sdelay $0x3  }
0x94: {  	_ =	strace s3  }
0x95: {  	s3 =	sld [smem:$0x3FFD];
	_ =	sdelay $0x3  }
0x96: {  	_ =	strace s3  }
0x97: {  	_ =	strace $0x8FFFFFFF  }
0x98: {  	s19 =	sld [smem:$0x3FDB];
	_ =	sdelay $0x1  }
0x99: {  	s4 =	simm.s32 $_scs_section_size  }
0x9a: {  	s5 =	simm.s32 $_size__tile_overlayer_lowered;
	s6 =	simm.s32 $_tile_overlayer_lowered  }
0x9b: {  	s22 =	simm.s32 $0x1BFF;
	s21 =	sshll.u32 s6, $0x1;
	s3 =	sadd.s32 s4, s19  }
0x9c: {  	s7 =	simm.s32 $0x0;
	s20 =	sshll.u32 s5, $0x1;
	s5 =	sadd.s32 s21, s3  }
0x9d: {  	[timem:s7], [sflag:s22] =	dma.local [hbm:s5], s20  }
0x9e: {  	_ =	swait.ge [sflag:s22], s20  }
0x9f: {  	s4 =	ssub.s32 $0x0, s20;
	[sflag:s22] =	ssyncset.done $0x0  }
0xa0: {  	[sflag:s22] =	ssyncadd.s32 s4;
	_ =	sdelay $0x1  }
0xa1: {  	s23 =	simm.s32 $0x1B8B  }
0xa2: {  	_ =	swait.ge [sflag:s23], $0x1  }
0xa3: {  	[sflag:s23] =	ssyncset.done $0x0  }
0xa4: {  	s25 =	simm.s32 $0x1B8E;
	s24 =	sld [smem:$0x3FFE];
	[sflag:s23] =	ssyncadd.s32 $0xFFFFFFFF  }
0xa5: {  	s26 =	simm.s32 $execute0_lowered;
	[smem:$0x3FD2] =	sst s25  }
0xa6: {  	s5 =	sshll.u32 s26, $0x1;
	_ =	strace $0x80000049;
	[dreg:$0x1] =	wrdreg $0xFFFFFFFF  }
0xa7: {  	s28 =	simm.s32 $_size_execute0_lowered;
	s3 =	sadd.s32 s3, s5;
	[dreg:$0x0] =	wrdreg $0x0  }
0xa8: {  	s5 =	sshll.u32 s28, $0x1;
	[dreg:$0x2] =	wrdreg s3  }
0xa9: {  	[dreg:$0x3] =	wrdreg s5  }
0xaa: {  	[dreg:$0x4] =	wrdreg $0xC0  }
0xab: {  	_ =	task [dreg:s7], $0x5FFFF  }
0xac: {  	[dreg:$0x1] =	wrdreg $0xFFFFFFFF  }
0xad: {  	[dreg:$0x0] =	wrdreg $0x60  }
0xae: {  	[dreg:$0x2] =	wrdreg s24  }
0xaf: {  	[dreg:$0x3] =	wrdreg s2  }
0xb0: {  	[dreg:$0x4] =	wrdreg $0xA8000  }
0xb1: {  	[dreg:$0x5] =	wrdreg $0x9  }
0xb2: {  	_ =	task.clear_ibuf [dreg:s7], $0x6FFFF;
	_ =	strace $0x90000049  }
0xb3: {  	s29 =	simm.s32 $0x9;
	_ =	strace $0x8000004B  }
0xb4: {  	_ =	swait.ge [sflag:s29], $0x1  }
0xb5: {  	[sflag:s29] =	ssyncadd.s32 $0xFFFFFFFF  }
0xb6: {  	_ =	strace $0x9000004B  }
0xb7: {  	_ =	sfence  }
0xb8: {  	s30 =	sld [smem:$0x0];
	_ =	sdelay $0x2  }
0xb9: {  	s31 =	sshll.u32 s1, $0xD;
	s1 =	sshrl.u32 s1, $0x2  }
0xba: {  	s3 =	sand.u32 $0x4000, s31;
	s1 =	sadd.s32 s1, s30  }
0xbb: {  	s0 =	sor.u32 s3, s0;
	s1 =	sshll.u32 s1, $0x11  }
0xbc: {  	s0 =	sor.u32 s1, s0  }
0xbd: {  	s0 =	sadd.s32 $0x8F2B, s0  }
0xbe: {  	[sflag:s0] =	ssyncadd.remote.s32 $0x1  }
0xbf: {  	_ =	sfence.sel $0xFFFF  }
0xc0: {  	[dreg:$0x0] =	wrdreg $0xFFFFFFFF;
	(pc) =	sbr.abs _section_cstart, $3  }
0xc1: {  	[dreg:$0x1] =	wrdreg $0xFFFFFFFF  }
0xc2: {  	_ =	task.clear_ibuf [dreg:s7], $0x2FFFF;
	_ =	strace $0x9FFFFFFF  }
0xc3: {  	(tm) =	ssettm $0x7FFFFFFF  }
tec
execute0_lowered:
.L_overlay_start_1:
0x0: {  	(tag) =	ssettag $0x1  }
0x1: {  	s0 =	rddreg [dreg:$0x0]  }
0x2: {  	s7 =	rddreg [dreg:$0x1]  }
0x3: {  	s1 =	rddreg [dreg:$0x2];
	s2 =	srdreg.scid  }
0x4: {  	s3 =	simm.s32 $0x0;
	s22 =	stileid.u32;
	s18 =	simm.s32 $0x5  }
0x5: {  	s19 =	simm.s32 $0x1400;
	s20 =	simm.s32 $0x80;
	s8 =	smul.u32 $0x280, s22  }
0x6: {  	s21 =	simm.s32 $0x2800;
	s29 =	simm.s32 $0x2600;
	s10 =	smul.u32 $0x50000, s22  }
0x7: {  	s30 =	simm.s32 $0x0;
	s5 =	sand.u32 $0x1, s2;
	s25 =	smul.u32 $0xA0, s22  }
0x8: {  	[smem:$0x7FF] =	sst s3;
	s4 =	sadd.s32 $0xC000, s0;
	s26 =	smul.u32 $0x5000, s22  }
0x9: {  	s9 =	sadd.s32 $0x5C800, s0;
	s28 =	sshll.u32 s22, $0x6;
	s31 =	smul.u32 $0xA00, s22  }
0xa: {  	s22 =	simm.s32 $0x6800;
	s6 =	smul.u32 $0x2800, s5;
	s23 =	ssub.s32 $0x2, s5  }
0xb: {  	_ =	strace $0x8000004A;
	s12 =	smul.u32 $0xA00, s5;
	s11 =	sshrl.u32 s23, $0x1  }
0xc: {  	s24 =	sshrl.u32 s10, $0x2;
	s10 =	sshrl.u32 s26, $0x3;
	s26 =	simm.s32 $0x4  }
0xd: {  	s6 =	sadd.s32 s8, s6;
	s16 =	ssub.s32 s23, s11;
	s17 =	sadd.s32 s24, s1  }
0xe: {  	s8 =	sadd.s32 s25, s12;
	s14 =	sadd.s32 s9, s10;
	s23 =	simm.s32 $0x1  }
0xf: {  	s24 =	simm.s32 $0x2;
	s25 =	simm.s32 $0x3;
	s6 =	sshll.u32 s6, $0x4  }
0x10: {  	s8 =	sshll.u32 s8, $0x4;
	s10 =	sadd.s32 $0x280, s14;
	s12 =	sadd.s32 $0x500, s14  }
0x11: {  	s14 =	sadd.s32 $0x780, s14;
	s16 =	smax.u32 s16, $0x1;
	s17 =	sshrl.u32 s17, $0x3  }
0x12: {  	s0 =	sadd.s32 s6, s0;
	s5 =	sadd.s32 s4, s6;
	s7 =	sadd.s32 s7, s8  }
0x13: {  	s6 =	sor.u32 $0x1C05, s28;
	s8 =	sadd.s32 s9, s31;
	s9 =	sadd.s32 $0x280, s7  }
0x14: {  	s11 =	sadd.s32 $0x500, s7;
	s13 =	sadd.s32 $0x780, s7;
	s15 =	sadd.s32 $0x8E800, s0  }
.LBB2_1:
0x15: {  	[spmem:s17], [sflag:s6] =	dma.local [hbm:s5], $0x2800  }
0x16: {  	_ =	swait.ge [sflag:s18], $0x2800  }
0x17: {  	[sflag:s18] =	ssyncset.done $0x0  }
0x18: {  	[sflag:s18] =	ssyncadd.s32 $0xFFFFD800  }
0x19: {  	[bflag:$0x0] =	sbarrier.arrive $0xFFFF  }
0x1a: {  	[tilespmem:s3], [sflag:$0x5] =	stream.linear.gather [hbm4b:s7+s3], $0x1400, $0x38;
	[tilespmem:$0x1E840] =	vst v63  }
0x1b: {  	_ =	swait.ge [sflag:s18], $0x1400  }
0x1c: {  	[sflag:s18] =	ssyncset.done $0x0  }
0x1d: {  	[sflag:s18] =	ssyncadd.s32 $0xFFFFEC00  }
0x1e: {  	[tilespmem:s19], [sflag:$0x5] =	stream.linear.gather [hbm4b:s8+s3], $0x1400, $0x38;
	[tilespmem:$0x1E840] =	vst v63  }
0x1f: {  	_ =	swait.ge [sflag:s18], $0x1400  }
0x20: {  	[sflag:s18] =	ssyncset.done $0x0  }
0x21: {  	s0 =	simm.s32 $0x0;
	[sflag:s18] =	ssyncadd.s32 $0xFFFFEC00  }
0x22: {  	[tilespmem:s21], [sflag:$0x1] =	stream.indirect.gather [hbm4b:s4+s20], $0x80, s0, s20, $0xb8;
	[tilespmem:$0x1E840] =	vst v63  }
0x23: {  	s28 =	simm.s32 $0x80  }
0x24: {  	[tilespmem:s22], [sflag:$0x2] =	stream.indirect.gather [hbm4b:s4+s20], $0x80, s28, s20, $0xb8;
	[tilespmem:$0x1E840] =	vst v63  }
0x25: {  	_ =	swait.ge [sflag:s23], $0x4000  }
0x26: {  	[sflag:s23] =	ssyncset.done $0x0  }
0x27: {  	s2 =	simm.s32 $0x1400;
	[sflag:s23] =	ssyncadd.s32 $0xFFFFC000  }
0x28: {  	[spmem:s1] =	stream.indirect.scatter.add.f32 [tilespmem:s21], [sflag:$0x3], $0x80, s2, s20, $0xb8;
	[tilespmem:$0x1E840] =	vst v63  }
0x29: {  	_ =	swait.ge [sflag:s24], $0x4000  }
0x2a: {  	[sflag:s24] =	ssyncset.done $0x0  }
0x2b: {  	s28 =	simm.s32 $0x1480;
	[sflag:s24] =	ssyncadd.s32 $0xFFFFC000  }
0x2c: {  	[spmem:s1] =	stream.indirect.scatter.add.f32 [tilespmem:s22], [sflag:$0x4], $0x80, s28, s20, $0xb8;
	[tilespmem:$0x1E840] =	vst v63  }
0x2d: {  	_ =	swait.ge [sflag:s25], $0x4000  }
0x2e: {  	[sflag:s25] =	ssyncset.done $0x0  }
0x2f: {  	[sflag:s25] =	ssyncadd.s32 $0xFFFFC000  }
0x30: {  	_ =	swait.ge [sflag:s26], $0x4000  }
0x31: {  	s31 =	simm.s32 $0x400;
	s0 =	simm.s32 $0x800;
	[sflag:s26] =	ssyncset.done $0x0  }
.LBB2_2:
0x32: {  	s2 =	sshra.s32 s31, $0x2  }
0x33: {  	[sflag:s26] =	ssyncadd.s32 $0xFFFFC000;
	s31 =	smov.u32 s0;
	s28 =	sadd.s32 $0x400, s0  }
0x34: {  	[tilespmem:s21], [sflag:$0x1] =	stream.indirect.gather [hbm4b:s4+s20], $0x80, s2, s20, $0xb8;
	[tilespmem:$0x1E840] =	vst v63  }
0x35: {  	p0 =	sne.s32 s0, $0x4C00;
	s0 =	sadd.s32 $0x80, s2  }
0x36: {  	[tilespmem:s22], [sflag:$0x2] =	stream.indirect.gather [hbm4b:s4+s20], $0x80, s0, s20, $0xb8;
	[tilespmem:$0x1E840] =	vst v63  }
0x37: {  	_ =	swait.ge [sflag:s23], $0x4000  }
0x38: {  	[sflag:s23] =	ssyncset.done $0x0  }
0x39: {  	s0 =	sadd.s32 $0x1400, s2;
	[sflag:s23] =	ssyncadd.s32 $0xFFFFC000  }
0x3a: {  	[spmem:s1] =	stream.indirect.scatter.add.f32 [tilespmem:s21], [sflag:$0x3], $0x80, s0, s20, $0xb8;
	[tilespmem:$0x1E840] =	vst v63  }
0x3b: {  	_ =	swait.ge [sflag:s24], $0x4000  }
0x3c: {  	[sflag:s24] =	ssyncset.done $0x0  }
0x3d: {  	s0 =	sadd.s32 $0x1480, s2;
	[sflag:s24] =	ssyncadd.s32 $0xFFFFC000  }
0x3e: {  	[spmem:s1] =	stream.indirect.scatter.add.f32 [tilespmem:s22], [sflag:$0x4], $0x80, s0, s20, $0xb8;
	[tilespmem:$0x1E840] =	vst v63  }
.Ltmp0:
0x3f: {  	_ =	swait.ge [sflag:s25], $0x4000;
	(pc) =	sbr.rel @p0 .LBB2_2-.Ltmp0, $4  }
0x40: {  	[sflag:s25] =	ssyncset.done $0x0  }
0x41: {  	[sflag:s25] =	ssyncadd.s32 $0xFFFFC000  }
0x42: {  	_ =	swait.ge [sflag:s26], $0x4000  }
0x43: {  	s0 =	smov.u32 s28;
	[sflag:s26] =	ssyncset.done $0x0  }
0x44: {  	s0 =	sshra.s32 s31, $0x2;
	[sflag:s26] =	ssyncadd.s32 $0xFFFFC000  }
0x45: {  	[tilespmem:s21], [sflag:$0x1] =	stream.indirect.gather [hbm4b:s4+s20], $0x80, s0, s20, $0xb8;
	[tilespmem:$0x1E840] =	vst v63  }
0x46: {  	s2 =	sadd.s32 $0x80, s0  }
0x47: {  	[tilespmem:s22], [sflag:$0x2] =	stream.indirect.gather [hbm4b:s4+s20], $0x80, s2, s20, $0xb8;
	[tilespmem:$0x1E840] =	vst v63  }
0x48: {  	_ =	swait.ge [sflag:s23], $0x4000  }
0x49: {  	[sflag:s23] =	ssyncset.done $0x0  }
0x4a: {  	s28 =	sadd.s32 $0x1400, s0;
	[sflag:s23] =	ssyncadd.s32 $0xFFFFC000  }
0x4b: {  	[spmem:s1] =	stream.indirect.scatter.add.f32 [tilespmem:s21], [sflag:$0x3], $0x80, s28, s20, $0xb8;
	[tilespmem:$0x1E840] =	vst v63  }
0x4c: {  	_ =	swait.ge [sflag:s24], $0x4000  }
0x4d: {  	[sflag:s24] =	ssyncset.done $0x0  }
0x4e: {  	s0 =	sadd.s32 $0x1480, s0;
	[sflag:s24] =	ssyncadd.s32 $0xFFFFC000  }
0x4f: {  	[spmem:s1] =	stream.indirect.scatter.add.f32 [tilespmem:s22], [sflag:$0x4], $0x80, s0, s20, $0xb8;
	[tilespmem:$0x1E840] =	vst v63  }
0x50: {  	_ =	swait.ge [sflag:s25], $0x4000  }
0x51: {  	[sflag:s25] =	ssyncset.done $0x0  }
0x52: {  	[sflag:s25] =	ssyncadd.s32 $0xFFFFC000  }
0x53: {  	_ =	swait.ge [sflag:s26], $0x4000  }
0x54: {  	[sflag:s26] =	ssyncset.done $0x0  }
0x55: {  	s28 =	simm.s32 $0x0;
	[sflag:s26] =	ssyncadd.s32 $0xFFFFC000  }
0x56: {  	[tilespmem:s28], [sflag:$0x5] =	stream.linear.gather [hbm4b:s9+s28], $0x1400, $0x38;
	[tilespmem:$0x1E840] =	vst v63  }
0x57: {  	_ =	swait.ge [sflag:s18], $0x1400  }
0x58: {  	[sflag:s18] =	ssyncset.done $0x0  }
0x59: {  	[sflag:s18] =	ssyncadd.s32 $0xFFFFEC00  }
0x5a: {  	[tilespmem:s19], [sflag:$0x5] =	stream.linear.gather [hbm4b:s10+s28], $0x1400, $0x38;
	[tilespmem:$0x1E840] =	vst v63  }
0x5b: {  	_ =	swait.ge [sflag:s18], $0x1400  }
0x5c: {  	[sflag:s18] =	ssyncset.done $0x0  }
0x5d: {  	s2 =	simm.s32 $0x0;
	[sflag:s18] =	ssyncadd.s32 $0xFFFFEC00  }
0x5e: {  	[tilespmem:s21], [sflag:$0x1] =	stream.indirect.gather [hbm4b:s4+s20], $0x80, s2, s20, $0xb8;
	[tilespmem:$0x1E840] =	vst v63  }
0x5f: {  	s28 =	simm.s32 $0x80  }
0x60: {  	[tilespmem:s22], [sflag:$0x2] =	stream.indirect.gather [hbm4b:s4+s20], $0x80, s28, s20, $0xb8;
	[tilespmem:$0x1E840] =	vst v63  }
0x61: {  	_ =	swait.ge [sflag:s23], $0x4000  }
0x62: {  	[sflag:s23] =	ssyncset.done $0x0  }
0x63: {  	s2 =	simm.s32 $0x1400;
	[sflag:s23] =	ssyncadd.s32 $0xFFFFC000  }
0x64: {  	[spmem:s1] =	stream.indirect.scatter.add.f32 [tilespmem:s21], [sflag:$0x3], $0x80, s2, s20, $0xb8;
	[tilespmem:$0x1E840] =	vst v63  }
0x65: {  	_ =	swait.ge [sflag:s24], $0x4000  }
0x66: {  	[sflag:s24] =	ssyncset.done $0x0  }
0x67: {  	s28 =	simm.s32 $0x1480;
	[sflag:s24] =	ssyncadd.s32 $0xFFFFC000  }
0x68: {  	[spmem:s1] =	stream.indirect.scatter.add.f32 [tilespmem:s22], [sflag:$0x4], $0x80, s28, s20, $0xb8;
	[tilespmem:$0x1E840] =	vst v63  }
0x69: {  	_ =	swait.ge [sflag:s25], $0x4000  }
0x6a: {  	[sflag:s25] =	ssyncset.done $0x0  }
0x6b: {  	[sflag:s25] =	ssyncadd.s32 $0xFFFFC000  }
0x6c: {  	_ =	swait.ge [sflag:s26], $0x4000  }
0x6d: {  	s31 =	simm.s32 $0x400;
	s0 =	simm.s32 $0x800;
	[sflag:s26] =	ssyncset.done $0x0  }
.LBB2_4:
0x6e: {  	s2 =	sshra.s32 s31, $0x2  }
0x6f: {  	[sflag:s26] =	ssyncadd.s32 $0xFFFFC000;
	s31 =	smov.u32 s0;
	s28 =	sadd.s32 $0x400, s0  }
0x70: {  	[tilespmem:s21], [sflag:$0x1] =	stream.indirect.gather [hbm4b:s4+s20], $0x80, s2, s20, $0xb8;
	[tilespmem:$0x1E840] =	vst v63  }
0x71: {  	p0 =	sne.s32 s0, $0x4C00;
	s0 =	sadd.s32 $0x80, s2  }
0x72: {  	[tilespmem:s22], [sflag:$0x2] =	stream.indirect.gather [hbm4b:s4+s20], $0x80, s0, s20, $0xb8;
	[tilespmem:$0x1E840] =	vst v63  }
0x73: {  	_ =	swait.ge [sflag:s23], $0x4000  }
0x74: {  	[sflag:s23] =	ssyncset.done $0x0  }
0x75: {  	s0 =	sadd.s32 $0x1400, s2;
	[sflag:s23] =	ssyncadd.s32 $0xFFFFC000  }
0x76: {  	[spmem:s1] =	stream.indirect.scatter.add.f32 [tilespmem:s21], [sflag:$0x3], $0x80, s0, s20, $0xb8;
	[tilespmem:$0x1E840] =	vst v63  }
0x77: {  	_ =	swait.ge [sflag:s24], $0x4000  }
0x78: {  	[sflag:s24] =	ssyncset.done $0x0  }
0x79: {  	s0 =	sadd.s32 $0x1480, s2;
	[sflag:s24] =	ssyncadd.s32 $0xFFFFC000  }
0x7a: {  	[spmem:s1] =	stream.indirect.scatter.add.f32 [tilespmem:s22], [sflag:$0x4], $0x80, s0, s20, $0xb8;
	[tilespmem:$0x1E840] =	vst v63  }
.Ltmp1:
0x7b: {  	_ =	swait.ge [sflag:s25], $0x4000;
	(pc) =	sbr.rel @p0 .LBB2_4-.Ltmp1, $4  }
0x7c: {  	[sflag:s25] =	ssyncset.done $0x0  }
0x7d: {  	[sflag:s25] =	ssyncadd.s32 $0xFFFFC000  }
0x7e: {  	_ =	swait.ge [sflag:s26], $0x4000  }
0x7f: {  	s0 =	smov.u32 s28;
	[sflag:s26] =	ssyncset.done $0x0  }
0x80: {  	s0 =	sshra.s32 s31, $0x2;
	[sflag:s26] =	ssyncadd.s32 $0xFFFFC000  }
0x81: {  	[tilespmem:s21], [sflag:$0x1] =	stream.indirect.gather [hbm4b:s4+s20], $0x80, s0, s20, $0xb8;
	[tilespmem:$0x1E840] =	vst v63  }
0x82: {  	s2 =	sadd.s32 $0x80, s0  }
0x83: {  	[tilespmem:s22], [sflag:$0x2] =	stream.indirect.gather [hbm4b:s4+s20], $0x80, s2, s20, $0xb8;
	[tilespmem:$0x1E840] =	vst v63  }
0x84: {  	_ =	swait.ge [sflag:s23], $0x4000  }
0x85: {  	[sflag:s23] =	ssyncset.done $0x0  }
0x86: {  	s28 =	sadd.s32 $0x1400, s0;
	[sflag:s23] =	ssyncadd.s32 $0xFFFFC000  }
0x87: {  	[spmem:s1] =	stream.indirect.scatter.add.f32 [tilespmem:s21], [sflag:$0x3], $0x80, s28, s20, $0xb8;
	[tilespmem:$0x1E840] =	vst v63  }
0x88: {  	_ =	swait.ge [sflag:s24], $0x4000  }
0x89: {  	[sflag:s24] =	ssyncset.done $0x0  }
0x8a: {  	s0 =	sadd.s32 $0x1480, s0;
	[sflag:s24] =	ssyncadd.s32 $0xFFFFC000  }
0x8b: {  	[spmem:s1] =	stream.indirect.scatter.add.f32 [tilespmem:s22], [sflag:$0x4], $0x80, s0, s20, $0xb8;
	[tilespmem:$0x1E840] =	vst v63  }
0x8c: {  	_ =	swait.ge [sflag:s25], $0x4000  }
0x8d: {  	[sflag:s25] =	ssyncset.done $0x0  }
0x8e: {  	[sflag:s25] =	ssyncadd.s32 $0xFFFFC000  }
0x8f: {  	_ =	swait.ge [sflag:s26], $0x4000  }
0x90: {  	[sflag:s26] =	ssyncset.done $0x0  }
0x91: {  	s28 =	simm.s32 $0x0;
	[sflag:s26] =	ssyncadd.s32 $0xFFFFC000  }
0x92: {  	[tilespmem:s28], [sflag:$0x5] =	stream.linear.gather [hbm4b:s11+s28], $0x1400, $0x38;
	[tilespmem:$0x1E840] =	vst v63  }
0x93: {  	_ =	swait.ge [sflag:s18], $0x1400  }
0x94: {  	[sflag:s18] =	ssyncset.done $0x0  }
0x95: {  	[sflag:s18] =	ssyncadd.s32 $0xFFFFEC00  }
0x96: {  	[tilespmem:s19], [sflag:$0x5] =	stream.linear.gather [hbm4b:s12+s28], $0x1400, $0x38;
	[tilespmem:$0x1E840] =	vst v63  }
0x97: {  	_ =	swait.ge [sflag:s18], $0x1400  }
0x98: {  	[sflag:s18] =	ssyncset.done $0x0  }
0x99: {  	s2 =	simm.s32 $0x0;
	[sflag:s18] =	ssyncadd.s32 $0xFFFFEC00  }
0x9a: {  	[tilespmem:s21], [sflag:$0x1] =	stream.indirect.gather [hbm4b:s4+s20], $0x80, s2, s20, $0xb8;
	[tilespmem:$0x1E840] =	vst v63  }
0x9b: {  	s28 =	simm.s32 $0x80  }
0x9c: {  	[tilespmem:s22], [sflag:$0x2] =	stream.indirect.gather [hbm4b:s4+s20], $0x80, s28, s20, $0xb8;
	[tilespmem:$0x1E840] =	vst v63  }
0x9d: {  	_ =	swait.ge [sflag:s23], $0x4000  }
0x9e: {  	[sflag:s23] =	ssyncset.done $0x0  }
0x9f: {  	s2 =	simm.s32 $0x1400;
	[sflag:s23] =	ssyncadd.s32 $0xFFFFC000  }
0xa0: {  	[spmem:s1] =	stream.indirect.scatter.add.f32 [tilespmem:s21], [sflag:$0x3], $0x80, s2, s20, $0xb8;
	[tilespmem:$0x1E840] =	vst v63  }
0xa1: {  	_ =	swait.ge [sflag:s24], $0x4000  }
0xa2: {  	[sflag:s24] =	ssyncset.done $0x0  }
0xa3: {  	s28 =	simm.s32 $0x1480;
	[sflag:s24] =	ssyncadd.s32 $0xFFFFC000  }
0xa4: {  	[spmem:s1] =	stream.indirect.scatter.add.f32 [tilespmem:s22], [sflag:$0x4], $0x80, s28, s20, $0xb8;
	[tilespmem:$0x1E840] =	vst v63  }
0xa5: {  	_ =	swait.ge [sflag:s25], $0x4000  }
0xa6: {  	[sflag:s25] =	ssyncset.done $0x0  }
0xa7: {  	[sflag:s25] =	ssyncadd.s32 $0xFFFFC000  }
0xa8: {  	_ =	swait.ge [sflag:s26], $0x4000  }
0xa9: {  	s31 =	simm.s32 $0x400;
	s0 =	simm.s32 $0x800;
	[sflag:s26] =	ssyncset.done $0x0  }
.LBB2_6:
0xaa: {  	s2 =	sshra.s32 s31, $0x2  }
0xab: {  	[sflag:s26] =	ssyncadd.s32 $0xFFFFC000;
	s31 =	smov.u32 s0;
	s28 =	sadd.s32 $0x400, s0  }
0xac: {  	[tilespmem:s21], [sflag:$0x1] =	stream.indirect.gather [hbm4b:s4+s20], $0x80, s2, s20, $0xb8;
	[tilespmem:$0x1E840] =	vst v63  }
0xad: {  	p0 =	sne.s32 s0, $0x4C00;
	s0 =	sadd.s32 $0x80, s2  }
0xae: {  	[tilespmem:s22], [sflag:$0x2] =	stream.indirect.gather [hbm4b:s4+s20], $0x80, s0, s20, $0xb8;
	[tilespmem:$0x1E840] =	vst v63  }
0xaf: {  	_ =	swait.ge [sflag:s23], $0x4000  }
0xb0: {  	[sflag:s23] =	ssyncset.done $0x0  }
0xb1: {  	s0 =	sadd.s32 $0x1400, s2;
	[sflag:s23] =	ssyncadd.s32 $0xFFFFC000  }
0xb2: {  	[spmem:s1] =	stream.indirect.scatter.add.f32 [tilespmem:s21], [sflag:$0x3], $0x80, s0, s20, $0xb8;
	[tilespmem:$0x1E840] =	vst v63  }
0xb3: {  	_ =	swait.ge [sflag:s24], $0x4000  }
0xb4: {  	[sflag:s24] =	ssyncset.done $0x0  }
0xb5: {  	s0 =	sadd.s32 $0x1480, s2;
	[sflag:s24] =	ssyncadd.s32 $0xFFFFC000  }
0xb6: {  	[spmem:s1] =	stream.indirect.scatter.add.f32 [tilespmem:s22], [sflag:$0x4], $0x80, s0, s20, $0xb8;
	[tilespmem:$0x1E840] =	vst v63  }
.Ltmp2:
0xb7: {  	_ =	swait.ge [sflag:s25], $0x4000;
	(pc) =	sbr.rel @p0 .LBB2_6-.Ltmp2, $4  }
0xb8: {  	[sflag:s25] =	ssyncset.done $0x0  }
0xb9: {  	[sflag:s25] =	ssyncadd.s32 $0xFFFFC000  }
0xba: {  	_ =	swait.ge [sflag:s26], $0x4000  }
0xbb: {  	s0 =	smov.u32 s28;
	[sflag:s26] =	ssyncset.done $0x0  }
0xbc: {  	s0 =	sshra.s32 s31, $0x2;
	[sflag:s26] =	ssyncadd.s32 $0xFFFFC000  }
0xbd: {  	[tilespmem:s21], [sflag:$0x1] =	stream.indirect.gather [hbm4b:s4+s20], $0x80, s0, s20, $0xb8;
	[tilespmem:$0x1E840] =	vst v63  }
0xbe: {  	s2 =	sadd.s32 $0x80, s0  }
0xbf: {  	[tilespmem:s22], [sflag:$0x2] =	stream.indirect.gather [hbm4b:s4+s20], $0x80, s2, s20, $0xb8;
	[tilespmem:$0x1E840] =	vst v63  }
0xc0: {  	_ =	swait.ge [sflag:s23], $0x4000  }
0xc1: {  	[sflag:s23] =	ssyncset.done $0x0  }
0xc2: {  	s28 =	sadd.s32 $0x1400, s0;
	[sflag:s23] =	ssyncadd.s32 $0xFFFFC000  }
0xc3: {  	[spmem:s1] =	stream.indirect.scatter.add.f32 [tilespmem:s21], [sflag:$0x3], $0x80, s28, s20, $0xb8;
	[tilespmem:$0x1E840] =	vst v63  }
0xc4: {  	_ =	swait.ge [sflag:s24], $0x4000  }
0xc5: {  	[sflag:s24] =	ssyncset.done $0x0  }
0xc6: {  	s0 =	sadd.s32 $0x1480, s0;
	[sflag:s24] =	ssyncadd.s32 $0xFFFFC000  }
0xc7: {  	[spmem:s1] =	stream.indirect.scatter.add.f32 [tilespmem:s22], [sflag:$0x4], $0x80, s0, s20, $0xb8;
	[tilespmem:$0x1E840] =	vst v63  }
0xc8: {  	_ =	swait.ge [sflag:s25], $0x4000  }
0xc9: {  	[sflag:s25] =	ssyncset.done $0x0  }
0xca: {  	[sflag:s25] =	ssyncadd.s32 $0xFFFFC000  }
0xcb: {  	_ =	swait.ge [sflag:s26], $0x4000  }
0xcc: {  	[sflag:s26] =	ssyncset.done $0x0  }
0xcd: {  	s28 =	simm.s32 $0x0;
	[sflag:s26] =	ssyncadd.s32 $0xFFFFC000  }
0xce: {  	[tilespmem:s28], [sflag:$0x5] =	stream.linear.gather [hbm4b:s13+s28], $0x1400, $0x38;
	[tilespmem:$0x1E840] =	vst v63  }
0xcf: {  	_ =	swait.ge [sflag:s18], $0x1400  }
0xd0: {  	[sflag:s18] =	ssyncset.done $0x0  }
0xd1: {  	[sflag:s18] =	ssyncadd.s32 $0xFFFFEC00  }
0xd2: {  	[tilespmem:s19], [sflag:$0x5] =	stream.linear.gather [hbm4b:s14+s28], $0x1400, $0x38;
	[tilespmem:$0x1E840] =	vst v63  }
0xd3: {  	_ =	swait.ge [sflag:s18], $0x1400  }
0xd4: {  	[sflag:s18] =	ssyncset.done $0x0  }
0xd5: {  	s2 =	simm.s32 $0x0;
	[sflag:s18] =	ssyncadd.s32 $0xFFFFEC00  }
0xd6: {  	[tilespmem:s21], [sflag:$0x1] =	stream.indirect.gather [hbm4b:s4+s20], $0x80, s2, s20, $0xb8;
	[tilespmem:$0x1E840] =	vst v63  }
0xd7: {  	s28 =	simm.s32 $0x80  }
0xd8: {  	[tilespmem:s22], [sflag:$0x2] =	stream.indirect.gather [hbm4b:s4+s20], $0x80, s28, s20, $0xb8;
	[tilespmem:$0x1E840] =	vst v63  }
0xd9: {  	_ =	swait.ge [sflag:s23], $0x4000  }
0xda: {  	[sflag:s23] =	ssyncset.done $0x0  }
0xdb: {  	s2 =	simm.s32 $0x1400;
	[sflag:s23] =	ssyncadd.s32 $0xFFFFC000  }
0xdc: {  	[spmem:s1] =	stream.indirect.scatter.add.f32 [tilespmem:s21], [sflag:$0x3], $0x80, s2, s20, $0xb8;
	[tilespmem:$0x1E840] =	vst v63  }
0xdd: {  	_ =	swait.ge [sflag:s24], $0x4000  }
0xde: {  	[sflag:s24] =	ssyncset.done $0x0  }
0xdf: {  	s28 =	simm.s32 $0x1480;
	[sflag:s24] =	ssyncadd.s32 $0xFFFFC000  }
0xe0: {  	[spmem:s1] =	stream.indirect.scatter.add.f32 [tilespmem:s22], [sflag:$0x4], $0x80, s28, s20, $0xb8;
	[tilespmem:$0x1E840] =	vst v63  }
0xe1: {  	_ =	swait.ge [sflag:s25], $0x4000  }
0xe2: {  	[sflag:s25] =	ssyncset.done $0x0  }
0xe3: {  	[sflag:s25] =	ssyncadd.s32 $0xFFFFC000  }
0xe4: {  	_ =	swait.ge [sflag:s26], $0x4000  }
0xe5: {  	s31 =	simm.s32 $0x400;
	s0 =	simm.s32 $0x800;
	[sflag:s26] =	ssyncset.done $0x0  }
.LBB2_8:
0xe6: {  	s2 =	sshra.s32 s31, $0x2  }
0xe7: {  	[sflag:s26] =	ssyncadd.s32 $0xFFFFC000;
	s31 =	smov.u32 s0;
	s28 =	sadd.s32 $0x400, s0  }
0xe8: {  	[tilespmem:s21], [sflag:$0x1] =	stream.indirect.gather [hbm4b:s4+s20], $0x80, s2, s20, $0xb8;
	[tilespmem:$0x1E840] =	vst v63  }
0xe9: {  	p0 =	sne.s32 s0, $0x4400;
	s0 =	sadd.s32 $0x80, s2  }
0xea: {  	[tilespmem:s22], [sflag:$0x2] =	stream.indirect.gather [hbm4b:s4+s20], $0x80, s0, s20, $0xb8;
	[tilespmem:$0x1E840] =	vst v63  }
0xeb: {  	_ =	swait.ge [sflag:s23], $0x4000  }
0xec: {  	[sflag:s23] =	ssyncset.done $0x0  }
0xed: {  	s0 =	sadd.s32 $0x1400, s2;
	[sflag:s23] =	ssyncadd.s32 $0xFFFFC000  }
0xee: {  	[spmem:s1] =	stream.indirect.scatter.add.f32 [tilespmem:s21], [sflag:$0x3], $0x80, s0, s20, $0xb8;
	[tilespmem:$0x1E840] =	vst v63  }
0xef: {  	_ =	swait.ge [sflag:s24], $0x4000  }
0xf0: {  	[sflag:s24] =	ssyncset.done $0x0  }
0xf1: {  	s0 =	sadd.s32 $0x1480, s2;
	[sflag:s24] =	ssyncadd.s32 $0xFFFFC000  }
0xf2: {  	[spmem:s1] =	stream.indirect.scatter.add.f32 [tilespmem:s22], [sflag:$0x4], $0x80, s0, s20, $0xb8;
	[tilespmem:$0x1E840] =	vst v63  }
.Ltmp3:
0xf3: {  	_ =	swait.ge [sflag:s25], $0x4000;
	(pc) =	sbr.rel @p0 .LBB2_8-.Ltmp3, $4  }
0xf4: {  	[sflag:s25] =	ssyncset.done $0x0  }
0xf5: {  	[sflag:s25] =	ssyncadd.s32 $0xFFFFC000  }
0xf6: {  	_ =	swait.ge [sflag:s26], $0x4000  }
0xf7: {  	s0 =	smov.u32 s28;
	[sflag:s26] =	ssyncset.done $0x0  }
0xf8: {  	s0 =	sshra.s32 s31, $0x2;
	[sflag:s26] =	ssyncadd.s32 $0xFFFFC000  }
0xf9: {  	[tilespmem:s21], [sflag:$0x1] =	stream.indirect.gather [hbm4b:s4+s20], $0x80, s0, s20, $0xb8;
	[tilespmem:$0x1E840] =	vst v63  }
0xfa: {  	s2 =	sadd.s32 $0x80, s0  }
0xfb: {  	[tilespmem:s22], [sflag:$0x2] =	stream.indirect.gather [hbm4b:s4+s20], $0x80, s2, s20, $0xb8;
	[tilespmem:$0x1E840] =	vst v63  }
0xfc: {  	_ =	swait.ge [sflag:s23], $0x4000  }
0xfd: {  	[sflag:s23] =	ssyncset.done $0x0  }
0xfe: {  	s28 =	sadd.s32 $0x1400, s0;
	[sflag:s23] =	ssyncadd.s32 $0xFFFFC000  }
0xff: {  	[spmem:s1] =	stream.indirect.scatter.add.f32 [tilespmem:s21], [sflag:$0x3], $0x80, s28, s20, $0xb8;
	[tilespmem:$0x1E840] =	vst v63  }
0x100: {  	_ =	swait.ge [sflag:s24], $0x4000  }
0x101: {  	[sflag:s24] =	ssyncset.done $0x0  }
0x102: {  	s0 =	sadd.s32 $0x1480, s0;
	[sflag:s24] =	ssyncadd.s32 $0xFFFFC000  }
0x103: {  	[spmem:s1] =	stream.indirect.scatter.add.f32 [tilespmem:s22], [sflag:$0x4], $0x80, s0, s20, $0xb8;
	[tilespmem:$0x1E840] =	vst v63  }
0x104: {  	_ =	swait.ge [sflag:s25], $0x4000  }
0x105: {  	[sflag:s25] =	ssyncset.done $0x0  }
0x106: {  	[sflag:s25] =	ssyncadd.s32 $0xFFFFC000  }
0x107: {  	_ =	swait.ge [sflag:s26], $0x4000  }
0x108: {  	[sflag:s26] =	ssyncset.done $0x0  }
0x109: {  	s31 =	simm.s32 $0x1200;
	[sflag:s26] =	ssyncadd.s32 $0xFFFFC000  }
0x10a: {  	[tilespmem:s21], [sflag:$0x1] =	stream.indirect.gather [hbm4b:s4+s20], $0x80, s31, s20, $0xb8;
	[tilespmem:$0x1E840] =	vst v63  }
0x10b: {  	_ =	swait.ge [sflag:s23], $0x4000  }
0x10c: {  	[sflag:s23] =	ssyncset.done $0x0  }
0x10d: {  	[sflag:s23] =	ssyncadd.s32 $0xFFFFC000  }
0x10e: {  	[spmem:s1] =	stream.indirect.scatter.add.f32 [tilespmem:s21], [sflag:$0x3], $0x80, s29, s20, $0xb8;
	[tilespmem:$0x1E840] =	vst v63  }
0x10f: {  	_ =	swait.ge [sflag:s25], $0x4000  }
0x110: {  	s30 =	sadd.s32 $0x1, s30;
	[sflag:s25] =	ssyncset.done $0x0  }
0x111: {  	p0 =	sne.s32 s30, s16;
	[sflag:s25] =	ssyncadd.s32 $0xFFFFC000  }
.Ltmp4:
0x112: {  	[bflag:$0x0] =	sbarrier.arrive $0xFFFF;
	(pc) =	sbr.rel @p0 .LBB2_1-.Ltmp4, $4  }
0x113: {  	[hbm:s15], [sflag:s6] =	dma.local [spmem:s17], $0x2800  }
0x114: {  	_ =	swait.ge [sflag:s18], $0x2800  }
0x115: {  	[sflag:s18] =	ssyncset.done $0x0  }
0x116: {  	[sflag:s18] =	ssyncadd.s32 $0xFFFFD800  }
0x117: {  	_ =	sfence.sel $0x180000  }
0x118: {  	[bflag:$0x0] =	sbarrier.arrive $0xFFFF  }
0x119: {  	_ =	strace $0x9000004A  }
0x11a: {  	s0 =	stileid.u32;
	[bflag:$0x2] =	sbarrier.arrive $0xFFFF  }
0x11b: {  	p0 =	sne.s32 s0, $0x0;
	s0 =	rddreg [dreg:$0x3]  }
0x11c: {  	s0 =	sadd.s32 @!p0 $0x100000, s0  }
0x11d: {  	[sflag:s0] =	ssyncadd.tile.s32 @!p0 $0x1;
	_ =	shalt  }
.Lfunc_end2:
_tile_overlayer_lowered:
.L_overlay_start_2:
0x11e: {  	(tag) =	ssettag $0x2  }
0x11f: {  	s0 =	rddreg [dreg:$0x0];
	s2 =	stileid.u32  }
0x120: {  	s1 =	rddreg [dreg:$0x1];
	p0 =	sne.s32 s2, $0x0  }
0x121: {  	s3 =	rddreg [dreg:$0x2];
	[bflag:$0x3] =	sbarrier.arrive $0xFFFF;
	s2 =	simm.s32 @!p0 $0x1C05  }
0x122: {  	[timem:s3], [sflag:s2] =	dma.local @!p0 [hbm:s0], s1  }
0x123: {  	s0 =	simm.s32 @!p0 $0x5  }
0x124: {  	_ =	swait.ge @!p0 [sflag:s0], s1  }
0x125: {  	s1 =	ssub.s32 @!p0 $0x0, s1;
	[sflag:s0] =	ssyncset.done @!p0 $0x0  }
0x126: {  	[sflag:s0] =	ssyncadd.s32 @!p0 s1  }
0x127: {  	[bflag:$0x3] =	sbarrier.arrive $0xFFFF  }
0x128: {  	_ =	shalt  }

// kernel: kernel.14.cloned.1.call-start
scs
__scs_entry_jumppad:
0x0: {  	(pc) =	sbr.rel $0x88, $3  }
0x1: {  	(tag) =	ssettag $0x0;
	lr =	simm.s32 $0x1  }
0x2: {  	[smem:$0x3F9B] =	sst lr;
	_ =	strace $0xD0000000  }
0x3: {  	_ = 	snop  }
0x4: {  	_ = 	snop  }
0x5: {  	_ = 	snop  }
0x6: {  	_ = 	snop  }
0x7: {  	_ = 	snop  }
__scs_overlays_trampoline_lowered:
0x8: {  	[smem:$0x3FAA] =	sst s0  }
0x9: {  	[smem:$0x3FAB] =	sst s1  }
0xa: {  	[smem:$0x3FAC] =	sst s2  }
0xb: {  	[smem:$0x3FAD] =	sst s3  }
0xc: {  	[smem:$0x3FAE] =	sst s4  }
0xd: {  	[smem:$0x3FAF] =	sst s5  }
0xe: {  	[smem:$0x3FB0] =	sst s6  }
0xf: {  	[smem:$0x3FB1] =	sst s7  }
0x10: {  	[smem:$0x3FB2] =	sst s8  }
0x11: {  	[smem:$0x3FB3] =	sst s9;
	s0 =	simm.s32 @!p0 $0x0  }
0x12: {  	s1 =	sld [smem:$0x3F99];
	s0 =	simm.s32 @p0 $0x1  }
0x13: {  	[smem:$0x3FB4] =	sst s0;
	s0 =	simm.s32 @!p1 $0x0  }
0x14: {  	s2 =	sld [smem:$0x3F98];
	s0 =	simm.s32 @p1 $0x1  }
0x15: {  	[smem:$0x3FB5] =	sst s0;
	s0 =	simm.s32 @!p2 $0x0  }
0x16: {  	s3 =	sld [smem:$0x3FDB];
	s0 =	simm.s32 @p2 $0x1  }
0x17: {  	s4 =	simm.s32 $0x1BF5;
	[smem:$0x3FB7] =	sst s0  }
0x18: {  	s0 =	sld [smem:$0x3F9A];
	_ =	swait.ge [sflag:s4], $0x0  }
0x19: {  	s7 =	sld [smem:$0x3F9B]  }
0x1a: {  	s8 =	sadd.s32 $0xFFFFE003, lr  }
0x1b: {  	s9 =	sadd.s32 $0xFFFFFEF7, lr;
	s5 =	simm.s32 $0xFFFFFFFF;
	p2 =	slt.u32 s8, $0xFFFFF086  }
0x1c: {  	p1 =	slt.u32 s9, $0xF7A;
	s5 =	simm.s32 @!p2 $0x0  }
0x1d: {  	s5 =	simm.s32 @p1 $0x1;
	p0 =	seq.s32 s7, s2  }
0x1e: {  	s7 =	smul.u32 @!p0 $0xF7A, s2;
	p2 =	seq.s32 @!p0 s5, $0x0  }
0x1f: {  	s9 =	smul.u32 $0xF7A, s1;
	s8 =	simm.s32 @!p0 $0x1BF5;
	p2 =	por !p2, p0  }
0x20: {  	[sflag:s8] =	ssyncset.s32 @!p0 $0xFFFFF086;
	s6 =	sadd.s32 @!p0 s3, s7;
	s7 =	simm.s32 @!p0 $0x108  }
0x21: {  	s3 =	sadd.s32 s3, s9;
	s6 =	sadd.s32 @!p0 $0x88, s6;
	s7 =	simm.s32 @p2 $0x1082  }
0x22: {  	[simem:s7], [sflag:s8] =	dma.local @!p0 [hbm:s6], $0xF7A  }
0x23: {  	s9 =	sor.u32 $0xD0000000, s2;
	s6 =	simm.s32 $0x108;
	_ =	swait.ge @!p0 [sflag:s8], $0x0  }
0x24: {  	s3 =	sadd.s32 $0x88, s3;
	s6 =	simm.s32 @!p1 $0x1082;
	[sflag:s4] =	ssyncset.s32 $0xFFFFF086  }
0x25: {  	[simem:s6], [sflag:s4] =	dma.local [hbm:s3], $0xF7A  }
0x26: {  	[smem:$0x3F9B] =	sst s1;
	(tag) =	ssettag s2;
	_ =	strace s9  }
0x27: {  	s1 =	sld [smem:$0x3FAB]  }
0x28: {  	s2 =	sld [smem:$0x3FAC]  }
0x29: {  	s4 =	sld [smem:$0x3FAE]  }
0x2a: {  	p0 =	seq.s32 s5, $0x0;
	s5 =	sld [smem:$0x3FAF]  }
0x2b: {  	s6 =	sld [smem:$0x3FB0]  }
0x2c: {  	s7 =	sld [smem:$0x3FB1]  }
0x2d: {  	s3 =	simm.s32 $0x108;
	s8 =	sld [smem:$0x3FB2]  }
0x2e: {  	s3 =	simm.s32 @!p0 $0x1082;
	s9 =	sld [smem:$0x3FB3]  }
0x2f: {  	lr =	sadd.s32 s0, s3;
	s0 =	sld [smem:$0x3FAA]  }
0x30: {  	s3 =	sld [smem:$0x3FAD]  }
0x31: {  	[smem:$0x3FB6] =	sst s10  }
0x32: {  	s10 =	sld [smem:$0x3FB4];
	_ =	sdelay $0x3  }
0x33: {  	p0 =	seq.s32 s10, $0x1;
	s10 =	sld [smem:$0x3FB6];
	_ =	sdelay $0x3  }
0x34: {  	[smem:$0x3FB6] =	sst s10  }
0x35: {  	s10 =	sld [smem:$0x3FB5];
	_ =	sdelay $0x3  }
0x36: {  	p1 =	seq.s32 s10, $0x1;
	s10 =	sld [smem:$0x3FB6];
	_ =	sdelay $0x3  }
0x37: {  	[smem:$0x3FB6] =	sst s10  }
0x38: {  	s10 =	sld [smem:$0x3FB7]  }
0x39: {  	_ = 	snop;
	(pc) =	sbr.ind lr, $3  }
0x3a: {  	_ = 	snop  }
0x3b: {  	_ = 	snop  }
0x3c: {  	p2 =	seq.s32 s10, $0x1;
	s10 =	sld [smem:$0x3FB6]  }
0x3d: {  	_ =	shalt  }
0x3e: {  	_ =	shalt  }
0x3f: {  	_ =	shalt  }
0x40: {  	_ =	shalt  }
0x41: {  	_ =	shalt  }
0x42: {  	_ =	shalt  }
0x43: {  	_ =	shalt  }
0x44: {  	_ =	shalt  }
0x45: {  	_ =	shalt  }
0x46: {  	_ =	shalt  }
0x47: {  	_ =	shalt  }
0x48: {  	_ =	shalt  }
0x49: {  	_ =	shalt  }
0x4a: {  	_ =	shalt  }
0x4b: {  	_ =	shalt  }
0x4c: {  	_ =	shalt  }
0x4d: {  	_ =	shalt  }
0x4e: {  	_ =	shalt  }
0x4f: {  	_ =	shalt  }
0x50: {  	_ =	shalt  }
0x51: {  	_ =	shalt  }
0x52: {  	_ =	shalt  }
0x53: {  	_ =	shalt  }
0x54: {  	_ =	shalt  }
0x55: {  	_ =	shalt  }
0x56: {  	_ =	shalt  }
0x57: {  	_ =	shalt  }
0x58: {  	_ =	shalt  }
0x59: {  	_ =	shalt  }
0x5a: {  	_ =	shalt  }
0x5b: {  	_ =	shalt  }
0x5c: {  	_ =	shalt  }
0x5d: {  	_ =	shalt  }
0x5e: {  	_ =	shalt  }
0x5f: {  	_ =	shalt  }
0x60: {  	_ =	shalt  }
0x61: {  	_ =	shalt  }
0x62: {  	_ =	shalt  }
0x63: {  	_ =	shalt  }
0x64: {  	_ =	shalt  }
0x65: {  	_ =	shalt  }
0x66: {  	_ =	shalt  }
0x67: {  	_ =	shalt  }
0x68: {  	_ =	shalt  }
0x69: {  	_ =	shalt  }
0x6a: {  	_ =	shalt  }
0x6b: {  	_ =	shalt  }
0x6c: {  	_ =	shalt  }
0x6d: {  	_ =	shalt  }
0x6e: {  	_ =	shalt  }
0x6f: {  	_ =	shalt  }
0x70: {  	_ =	shalt  }
0x71: {  	_ =	shalt  }
0x72: {  	_ =	shalt  }
0x73: {  	_ =	shalt  }
0x74: {  	_ =	shalt  }
0x75: {  	_ =	shalt  }
0x76: {  	_ =	shalt  }
0x77: {  	_ =	shalt  }
0x78: {  	_ =	shalt  }
0x79: {  	_ =	shalt  }
0x7a: {  	_ =	shalt  }
0x7b: {  	_ =	shalt  }
0x7c: {  	_ =	shalt  }
0x7d: {  	_ =	shalt  }
0x7e: {  	_ =	shalt  }
0x7f: {  	_ =	shalt  }
0x80: {  	_ =	shalt  }
0x81: {  	_ =	shalt  }
0x82: {  	_ =	shalt  }
0x83: {  	_ =	shalt  }
0x84: {  	_ =	shalt  }
0x85: {  	_ =	shalt  }
0x86: {  	_ =	shalt  }
0x87: {  	_ =	shalt  }
.Lfunc_end0:
.L_simem_size_0:
called_computation.2_lowered:
.L_overlay_start_0:
0x88: {  	s2 =	sld [smem:$0x3FD9]  }
0x89: {  	s3 =	sld [smem:$0x3FFE];
	_ =	sdelay $0x1  }
0x8a: {  	s1 =	srdreg.scid  }
0x8b: {  	s0 =	sand.u32 $0x1, s1  }
0x8c: {  	s16 =	sshll.u32 s0, $0xA;
	s2 =	sadd.s32 s3, s2  }
0x8d: {  	s2 =	sadd.s32 s2, s16  }
0x8e: {  	[smem:$0x3FC2] =	sst s2  }
0x8f: {  	_ = 	snop  }
0x90: {  	(tm) =	ssettm $0x1  }
0x91: {  	s17 =	sld [smem:$0x3FFB];
	_ =	sdelay $0x3  }
0x92: {  	_ =	strace s17  }
0x93: {  	s2 =	sld [smem:$0x3FFC];
	_ =	sdelay $0x3  }
0x94: {  	_ =	strace s2  }
0x95: {  	s2 =	sld [smem:$0x3FFD];
	_ =	sdelay $0x3  }
0x96: {  	_ =	strace s2  }
0x97: {  	_ =	strace $0x8FFFFFFF  }
0x98: {  	s18 =	sld [smem:$0x3FDB];
	_ =	sdelay $0x1  }
0x99: {  	s19 =	simm.s32 $_scs_section_size  }
0x9a: {  	s4 =	simm.s32 $_size__tile_overlayer_lowered;
	s5 =	simm.s32 $_tile_overlayer_lowered  }
0x9b: {  	s22 =	simm.s32 $0x1BFF;
	s21 =	sshll.u32 s5, $0x1;
	s2 =	sadd.s32 s19, s18  }
0x9c: {  	s6 =	simm.s32 $0x0;
	s20 =	sshll.u32 s4, $0x1;
	s4 =	sadd.s32 s21, s2  }
0x9d: {  	[timem:s6], [sflag:s22] =	dma.local [hbm:s4], s20  }
0x9e: {  	_ =	swait.ge [sflag:s22], s20  }
0x9f: {  	s3 =	ssub.s32 $0x0, s20;
	[sflag:s22] =	ssyncset.done $0x0  }
0xa0: {  	[sflag:s22] =	ssyncadd.s32 s3;
	_ =	sdelay $0x1  }
0xa1: {  	s23 =	simm.s32 $0x1B8B  }
0xa2: {  	_ =	swait.ge [sflag:s23], $0x1  }
0xa3: {  	[sflag:s23] =	ssyncset.done $0x0  }
0xa4: {  	s25 =	simm.s32 $0x1B8E;
	s24 =	sld [smem:$0x3FFE];
	[sflag:s23] =	ssyncadd.s32 $0xFFFFFFFF  }
0xa5: {  	s26 =	simm.s32 $execute0_lowered;
	[smem:$0x3FD2] =	sst s25  }
0xa6: {  	s4 =	sshll.u32 s26, $0x1;
	_ =	strace $0x8000004C;
	[dreg:$0x1] =	wrdreg $0xFFFFFFFF  }
0xa7: {  	s28 =	simm.s32 $_size_execute0_lowered;
	s2 =	sadd.s32 s2, s4;
	[dreg:$0x0] =	wrdreg $0x0  }
0xa8: {  	s4 =	sshll.u32 s28, $0x1;
	[dreg:$0x2] =	wrdreg s2  }
0xa9: {  	[dreg:$0x3] =	wrdreg s4  }
0xaa: {  	[dreg:$0x4] =	wrdreg $0xC0  }
0xab: {  	_ =	task [dreg:s6], $0x5FFFF  }
0xac: {  	[dreg:$0x1] =	wrdreg $0xFFFFFFFF  }
0xad: {  	[dreg:$0x0] =	wrdreg $0x60  }
0xae: {  	[dreg:$0x2] =	wrdreg s24  }
0xaf: {  	[dreg:$0x3] =	wrdreg $0xA8000  }
0xb0: {  	[dreg:$0x4] =	wrdreg $0x9  }
0xb1: {  	_ =	task.clear_ibuf [dreg:s6], $0x5FFFF;
	_ =	strace $0x9000004C  }
0xb2: {  	s29 =	simm.s32 $0x9;
	_ =	strace $0x8000004E  }
0xb3: {  	_ =	swait.ge [sflag:s29], $0x1  }
0xb4: {  	[sflag:s29] =	ssyncadd.s32 $0xFFFFFFFF  }
0xb5: {  	_ =	strace $0x9000004E  }
0xb6: {  	_ =	sfence  }
0xb7: {  	s30 =	sld [smem:$0x0];
	_ =	sdelay $0x2  }
0xb8: {  	s31 =	sshll.u32 s1, $0xD;
	s1 =	sshrl.u32 s1, $0x2  }
0xb9: {  	s3 =	sand.u32 $0x4000, s31;
	s1 =	sadd.s32 s1, s30  }
0xba: {  	s0 =	sor.u32 s3, s0;
	s1 =	sshll.u32 s1, $0x11  }
0xbb: {  	s0 =	sor.u32 s1, s0  }
0xbc: {  	s0 =	sadd.s32 $0x8F2B, s0  }
0xbd: {  	[sflag:s0] =	ssyncadd.remote.s32 $0x1  }
0xbe: {  	_ =	sfence.sel $0xFFFF  }
0xbf: {  	[dreg:$0x0] =	wrdreg $0xFFFFFFFF;
	(pc) =	sbr.abs _section_cstart, $3  }
0xc0: {  	[dreg:$0x1] =	wrdreg $0xFFFFFFFF  }
0xc1: {  	_ =	task.clear_ibuf [dreg:s6], $0x2FFFF;
	_ =	strace $0x9FFFFFFF  }
0xc2: {  	(tm) =	ssettm $0x7FFFFFFF  }
0xc3: {  	_ =	shalt  }
tec
execute0_lowered:
.L_overlay_start_1:
0x0: {  	(tag) =	ssettag $0x1  }
0x1: {  	s5 =	rddreg [dreg:$0x0]  }
0x2: {  	s1 =	rddreg [dreg:$0x1];
	s2 =	srdreg.scid  }
0x3: {  	s0 =	rddreg [dreg:$0x2];
	s3 =	simm.s32 $0x0;
	s16 =	simm.s32 $0x80  }
0x4: {  	s17 =	simm.s32 $0x2800;
	s18 =	simm.s32 $0x6800;
	s19 =	simm.s32 $0x1  }
0x5: {  	s20 =	simm.s32 $0x2;
	s21 =	simm.s32 $0x3;
	s22 =	simm.s32 $0x4  }
0x6: {  	s23 =	simm.s32 $0x1300;
	s6 =	sand.u32 $0x1, s2;
	s2 =	stileid.u32  }
0x7: {  	[smem:$0x7FF] =	sst s3;
	s4 =	sadd.s32 $0x8E800, s5;
	s7 =	smul.u32 $0x2800, s6  }
0x8: {  	s9 =	sadd.s32 $0xDE800, s5;
	s10 =	sadd.s32 $0x2000, s5;
	s8 =	smul.u32 $0x280, s2  }
0x9: {  	_ =	strace $0x8000004D;
	s24 =	smul.u32 $0x50000, s2;
	s11 =	sshll.u32 s6, $0x4  }
0xa: {  	s25 =	ssub.s32 $0x2, s6;
	s30 =	sshll.u32 s2, $0x6;
	s26 =	sor.u32 s2, s11  }
0xb: {  	s28 =	sshrl.u32 s25, $0x1;
	s6 =	sor.u32 $0x1C05, s30;
	s7 =	sadd.s32 s8, s7  }
0xc: {  	s8 =	sshrl.u32 s24, $0x2;
	s13 =	smul.u32 $0x2800, s26;
	s14 =	ssub.s32 s25, s28  }
0xd: {  	s29 =	smul.u32 $0x500, s26;
	s24 =	simm.s32 $0x2700;
	s7 =	sshll.u32 s7, $0x4  }
0xe: {  	s25 =	simm.s32 $0x0;
	s15 =	sadd.s32 s8, s1;
	s12 =	sadd.s32 s7, s5  }
0xf: {  	s5 =	sadd.s32 s4, s7;
	s31 =	sshrl.u32 s13, $0x3;
	s7 =	sadd.s32 s9, s29  }
0x10: {  	s8 =	sadd.s32 s10, s29;
	s13 =	sshrl.u32 s15, $0x3;
	s11 =	sadd.s32 $0x280, s31  }
0x11: {  	s15 =	simm.s32 $0x1400;
	s9 =	sadd.s32 s9, s11;
	s10 =	sadd.s32 s10, s11  }
0x12: {  	s11 =	sadd.s32 $0xC000, s12;
	s12 =	smax.u32 s14, $0x1;
	s14 =	simm.s32 $0x5  }
.LBB2_1:
0x13: {  	[spmem:s13], [sflag:s6] =	dma.local [hbm:s5], $0x2800  }
0x14: {  	_ =	swait.ge [sflag:s14], $0x2800  }
0x15: {  	[sflag:s14] =	ssyncset.done $0x0  }
0x16: {  	[sflag:s14] =	ssyncadd.s32 $0xFFFFD800  }
0x17: {  	[bflag:$0x0] =	sbarrier.arrive $0xFFFF  }
0x18: {  	[tilespmem:s3], [sflag:$0x5] =	stream.linear.gather [hbm4b:s7+s3], $0x1400, $0x38;
	[tilespmem:$0x1E840] =	vst v63  }
0x19: {  	_ =	swait.ge [sflag:s14], $0x1400  }
0x1a: {  	[sflag:s14] =	ssyncset.done $0x0  }
0x1b: {  	[sflag:s14] =	ssyncadd.s32 $0xFFFFEC00  }
0x1c: {  	[tilespmem:s15], [sflag:$0x5] =	stream.linear.gather [hbm4b:s8+s3], $0x1400, $0x38;
	[tilespmem:$0x1E840] =	vst v63  }
0x1d: {  	_ =	swait.ge [sflag:s14], $0x1400  }
0x1e: {  	[sflag:s14] =	ssyncset.done $0x0  }
0x1f: {  	s26 =	simm.s32 $0x0;
	[sflag:s14] =	ssyncadd.s32 $0xFFFFEC00  }
0x20: {  	[tilespmem:s17], [sflag:$0x1] =	stream.indirect.gather [hbm4b:s4+s16], $0x80, s26, s16, $0xb8;
	[tilespmem:$0x1E840] =	vst v63  }
0x21: {  	s29 =	simm.s32 $0x80  }
0x22: {  	[tilespmem:s18], [sflag:$0x2] =	stream.indirect.gather [hbm4b:s4+s16], $0x80, s29, s16, $0xb8;
	[tilespmem:$0x1E840] =	vst v63  }
0x23: {  	_ =	swait.ge [sflag:s19], $0x4000  }
0x24: {  	[sflag:s19] =	ssyncset.done $0x0  }
0x25: {  	s30 =	simm.s32 $0x1400;
	[sflag:s19] =	ssyncadd.s32 $0xFFFFC000  }
0x26: {  	[spmem:s1] =	stream.indirect.scatter.add.f32 [tilespmem:s17], [sflag:$0x3], $0x80, s30, s16, $0xb8;
	[tilespmem:$0x1E840] =	vst v63  }
0x27: {  	_ =	swait.ge [sflag:s20], $0x4000  }
0x28: {  	[sflag:s20] =	ssyncset.done $0x0  }
0x29: {  	s31 =	simm.s32 $0x1480;
	[sflag:s20] =	ssyncadd.s32 $0xFFFFC000  }
0x2a: {  	[spmem:s1] =	stream.indirect.scatter.add.f32 [tilespmem:s18], [sflag:$0x4], $0x80, s31, s16, $0xb8;
	[tilespmem:$0x1E840] =	vst v63  }
0x2b: {  	_ =	swait.ge [sflag:s21], $0x4000  }
0x2c: {  	[sflag:s21] =	ssyncset.done $0x0  }
0x2d: {  	[sflag:s21] =	ssyncadd.s32 $0xFFFFC000  }
0x2e: {  	_ =	swait.ge [sflag:s22], $0x4000  }
0x2f: {  	s28 =	simm.s32 $0x800;
	s26 =	simm.s32 $0x400;
	[sflag:s22] =	ssyncset.done $0x0  }
.LBB2_2:
0x30: {  	s29 =	sshra.s32 s26, $0x2  }
0x31: {  	[sflag:s22] =	ssyncadd.s32 $0xFFFFC000;
	s26 =	smov.u32 s28;
	s30 =	sadd.s32 $0x400, s28  }
0x32: {  	[tilespmem:s17], [sflag:$0x1] =	stream.indirect.gather [hbm4b:s4+s16], $0x80, s29, s16, $0xb8;
	[tilespmem:$0x1E840] =	vst v63  }
0x33: {  	p0 =	sne.s32 s28, $0x4C00;
	s28 =	sadd.s32 $0x80, s29  }
0x34: {  	[tilespmem:s18], [sflag:$0x2] =	stream.indirect.gather [hbm4b:s4+s16], $0x80, s28, s16, $0xb8;
	[tilespmem:$0x1E840] =	vst v63  }
0x35: {  	_ =	swait.ge [sflag:s19], $0x4000  }
0x36: {  	[sflag:s19] =	ssyncset.done $0x0  }
0x37: {  	s28 =	sadd.s32 $0x1400, s29;
	[sflag:s19] =	ssyncadd.s32 $0xFFFFC000  }
0x38: {  	[spmem:s1] =	stream.indirect.scatter.add.f32 [tilespmem:s17], [sflag:$0x3], $0x80, s28, s16, $0xb8;
	[tilespmem:$0x1E840] =	vst v63  }
0x39: {  	_ =	swait.ge [sflag:s20], $0x4000  }
0x3a: {  	[sflag:s20] =	ssyncset.done $0x0  }
0x3b: {  	s28 =	sadd.s32 $0x1480, s29;
	[sflag:s20] =	ssyncadd.s32 $0xFFFFC000  }
0x3c: {  	[spmem:s1] =	stream.indirect.scatter.add.f32 [tilespmem:s18], [sflag:$0x4], $0x80, s28, s16, $0xb8;
	[tilespmem:$0x1E840] =	vst v63  }
.Ltmp0:
0x3d: {  	_ =	swait.ge [sflag:s21], $0x4000;
	(pc) =	sbr.rel @p0 .LBB2_2-.Ltmp0, $4  }
0x3e: {  	[sflag:s21] =	ssyncset.done $0x0  }
0x3f: {  	[sflag:s21] =	ssyncadd.s32 $0xFFFFC000  }
0x40: {  	_ =	swait.ge [sflag:s22], $0x4000  }
0x41: {  	s28 =	smov.u32 s30;
	[sflag:s22] =	ssyncset.done $0x0  }
0x42: {  	s26 =	sshra.s32 s26, $0x2;
	[sflag:s22] =	ssyncadd.s32 $0xFFFFC000  }
0x43: {  	[tilespmem:s17], [sflag:$0x1] =	stream.indirect.gather [hbm4b:s4+s16], $0x80, s26, s16, $0xb8;
	[tilespmem:$0x1E840] =	vst v63  }
0x44: {  	s28 =	sadd.s32 $0x80, s26  }
0x45: {  	[tilespmem:s18], [sflag:$0x2] =	stream.indirect.gather [hbm4b:s4+s16], $0x80, s28, s16, $0xb8;
	[tilespmem:$0x1E840] =	vst v63  }
0x46: {  	_ =	swait.ge [sflag:s19], $0x4000  }
0x47: {  	[sflag:s19] =	ssyncset.done $0x0  }
0x48: {  	s28 =	sadd.s32 $0x1400, s26;
	[sflag:s19] =	ssyncadd.s32 $0xFFFFC000  }
0x49: {  	[spmem:s1] =	stream.indirect.scatter.add.f32 [tilespmem:s17], [sflag:$0x3], $0x80, s28, s16, $0xb8;
	[tilespmem:$0x1E840] =	vst v63  }
0x4a: {  	_ =	swait.ge [sflag:s20], $0x4000  }
0x4b: {  	[sflag:s20] =	ssyncset.done $0x0  }
0x4c: {  	s26 =	sadd.s32 $0x1480, s26;
	[sflag:s20] =	ssyncadd.s32 $0xFFFFC000  }
0x4d: {  	[spmem:s1] =	stream.indirect.scatter.add.f32 [tilespmem:s18], [sflag:$0x4], $0x80, s26, s16, $0xb8;
	[tilespmem:$0x1E840] =	vst v63  }
0x4e: {  	_ =	swait.ge [sflag:s21], $0x4000  }
0x4f: {  	[sflag:s21] =	ssyncset.done $0x0  }
0x50: {  	[sflag:s21] =	ssyncadd.s32 $0xFFFFC000  }
0x51: {  	_ =	swait.ge [sflag:s22], $0x4000  }
0x52: {  	[sflag:s22] =	ssyncset.done $0x0  }
0x53: {  	s30 =	simm.s32 $0x0;
	[sflag:s22] =	ssyncadd.s32 $0xFFFFC000  }
0x54: {  	[tilespmem:s30], [sflag:$0x5] =	stream.linear.gather [hbm4b:s9+s30], $0x1400, $0x38;
	[tilespmem:$0x1E840] =	vst v63  }
0x55: {  	_ =	swait.ge [sflag:s14], $0x1400  }
0x56: {  	[sflag:s14] =	ssyncset.done $0x0  }
0x57: {  	[sflag:s14] =	ssyncadd.s32 $0xFFFFEC00  }
0x58: {  	[tilespmem:s15], [sflag:$0x5] =	stream.linear.gather [hbm4b:s10+s30], $0x1400, $0x38;
	[tilespmem:$0x1E840] =	vst v63  }
0x59: {  	_ =	swait.ge [sflag:s14], $0x1400  }
0x5a: {  	[sflag:s14] =	ssyncset.done $0x0  }
0x5b: {  	s31 =	simm.s32 $0x0;
	[sflag:s14] =	ssyncadd.s32 $0xFFFFEC00  }
0x5c: {  	[tilespmem:s17], [sflag:$0x1] =	stream.indirect.gather [hbm4b:s4+s16], $0x80, s31, s16, $0xb8;
	[tilespmem:$0x1E840] =	vst v63  }
0x5d: {  	s29 =	simm.s32 $0x80  }
0x5e: {  	[tilespmem:s18], [sflag:$0x2] =	stream.indirect.gather [hbm4b:s4+s16], $0x80, s29, s16, $0xb8;
	[tilespmem:$0x1E840] =	vst v63  }
0x5f: {  	_ =	swait.ge [sflag:s19], $0x4000  }
0x60: {  	[sflag:s19] =	ssyncset.done $0x0  }
0x61: {  	s30 =	simm.s32 $0x1400;
	[sflag:s19] =	ssyncadd.s32 $0xFFFFC000  }
0x62: {  	[spmem:s1] =	stream.indirect.scatter.add.f32 [tilespmem:s17], [sflag:$0x3], $0x80, s30, s16, $0xb8;
	[tilespmem:$0x1E840] =	vst v63  }
0x63: {  	_ =	swait.ge [sflag:s20], $0x4000  }
0x64: {  	[sflag:s20] =	ssyncset.done $0x0  }
0x65: {  	s31 =	simm.s32 $0x1480;
	[sflag:s20] =	ssyncadd.s32 $0xFFFFC000  }
0x66: {  	[spmem:s1] =	stream.indirect.scatter.add.f32 [tilespmem:s18], [sflag:$0x4], $0x80, s31, s16, $0xb8;
	[tilespmem:$0x1E840] =	vst v63  }
0x67: {  	_ =	swait.ge [sflag:s21], $0x4000  }
0x68: {  	[sflag:s21] =	ssyncset.done $0x0  }
0x69: {  	[sflag:s21] =	ssyncadd.s32 $0xFFFFC000  }
0x6a: {  	_ =	swait.ge [sflag:s22], $0x4000  }
0x6b: {  	s28 =	simm.s32 $0x800;
	s26 =	simm.s32 $0x400;
	[sflag:s22] =	ssyncset.done $0x0  }
.LBB2_4:
0x6c: {  	s29 =	sshra.s32 s26, $0x2  }
0x6d: {  	[sflag:s22] =	ssyncadd.s32 $0xFFFFC000;
	s26 =	smov.u32 s28;
	s30 =	sadd.s32 $0x400, s28  }
0x6e: {  	[tilespmem:s17], [sflag:$0x1] =	stream.indirect.gather [hbm4b:s4+s16], $0x80, s29, s16, $0xb8;
	[tilespmem:$0x1E840] =	vst v63  }
0x6f: {  	p0 =	sne.s32 s28, $0x4800;
	s28 =	sadd.s32 $0x80, s29  }
0x70: {  	[tilespmem:s18], [sflag:$0x2] =	stream.indirect.gather [hbm4b:s4+s16], $0x80, s28, s16, $0xb8;
	[tilespmem:$0x1E840] =	vst v63  }
0x71: {  	_ =	swait.ge [sflag:s19], $0x4000  }
0x72: {  	[sflag:s19] =	ssyncset.done $0x0  }
0x73: {  	s28 =	sadd.s32 $0x1400, s29;
	[sflag:s19] =	ssyncadd.s32 $0xFFFFC000  }
0x74: {  	[spmem:s1] =	stream.indirect.scatter.add.f32 [tilespmem:s17], [sflag:$0x3], $0x80, s28, s16, $0xb8;
	[tilespmem:$0x1E840] =	vst v63  }
0x75: {  	_ =	swait.ge [sflag:s20], $0x4000  }
0x76: {  	[sflag:s20] =	ssyncset.done $0x0  }
0x77: {  	s28 =	sadd.s32 $0x1480, s29;
	[sflag:s20] =	ssyncadd.s32 $0xFFFFC000  }
0x78: {  	[spmem:s1] =	stream.indirect.scatter.add.f32 [tilespmem:s18], [sflag:$0x4], $0x80, s28, s16, $0xb8;
	[tilespmem:$0x1E840] =	vst v63  }
.Ltmp1:
0x79: {  	_ =	swait.ge [sflag:s21], $0x4000;
	(pc) =	sbr.rel @p0 .LBB2_4-.Ltmp1, $4  }
0x7a: {  	[sflag:s21] =	ssyncset.done $0x0  }
0x7b: {  	[sflag:s21] =	ssyncadd.s32 $0xFFFFC000  }
0x7c: {  	_ =	swait.ge [sflag:s22], $0x4000  }
0x7d: {  	s28 =	smov.u32 s30;
	[sflag:s22] =	ssyncset.done $0x0  }
0x7e: {  	s26 =	sshra.s32 s26, $0x2;
	[sflag:s22] =	ssyncadd.s32 $0xFFFFC000  }
0x7f: {  	[tilespmem:s17], [sflag:$0x1] =	stream.indirect.gather [hbm4b:s4+s16], $0x80, s26, s16, $0xb8;
	[tilespmem:$0x1E840] =	vst v63  }
0x80: {  	s28 =	sadd.s32 $0x80, s26  }
0x81: {  	[tilespmem:s18], [sflag:$0x2] =	stream.indirect.gather [hbm4b:s4+s16], $0x80, s28, s16, $0xb8;
	[tilespmem:$0x1E840] =	vst v63  }
0x82: {  	_ =	swait.ge [sflag:s19], $0x4000  }
0x83: {  	[sflag:s19] =	ssyncset.done $0x0  }
0x84: {  	s31 =	sadd.s32 $0x1400, s26;
	[sflag:s19] =	ssyncadd.s32 $0xFFFFC000  }
0x85: {  	[spmem:s1] =	stream.indirect.scatter.add.f32 [tilespmem:s17], [sflag:$0x3], $0x80, s31, s16, $0xb8;
	[tilespmem:$0x1E840] =	vst v63  }
0x86: {  	_ =	swait.ge [sflag:s20], $0x4000  }
0x87: {  	[sflag:s20] =	ssyncset.done $0x0  }
0x88: {  	s26 =	sadd.s32 $0x1480, s26;
	[sflag:s20] =	ssyncadd.s32 $0xFFFFC000  }
0x89: {  	[spmem:s1] =	stream.indirect.scatter.add.f32 [tilespmem:s18], [sflag:$0x4], $0x80, s26, s16, $0xb8;
	[tilespmem:$0x1E840] =	vst v63  }
0x8a: {  	_ =	swait.ge [sflag:s21], $0x4000  }
0x8b: {  	[sflag:s21] =	ssyncset.done $0x0  }
0x8c: {  	[sflag:s21] =	ssyncadd.s32 $0xFFFFC000  }
0x8d: {  	_ =	swait.ge [sflag:s22], $0x4000  }
0x8e: {  	[sflag:s22] =	ssyncset.done $0x0  }
0x8f: {  	[sflag:s22] =	ssyncadd.s32 $0xFFFFC000  }
0x90: {  	[tilespmem:s17], [sflag:$0x1] =	stream.indirect.gather [hbm4b:s4+s16], $0x80, s23, s16, $0xb8;
	[tilespmem:$0x1E840] =	vst v63  }
0x91: {  	_ =	swait.ge [sflag:s19], $0x4000  }
0x92: {  	[sflag:s19] =	ssyncset.done $0x0  }
0x93: {  	[sflag:s19] =	ssyncadd.s32 $0xFFFFC000  }
0x94: {  	[spmem:s1] =	stream.indirect.scatter.add.f32 [tilespmem:s17], [sflag:$0x3], $0x80, s24, s16, $0xb8;
	[tilespmem:$0x1E840] =	vst v63  }
0x95: {  	_ =	swait.ge [sflag:s21], $0x4000  }
0x96: {  	s25 =	sadd.s32 $0x1, s25;
	[sflag:s21] =	ssyncset.done $0x0  }
0x97: {  	p0 =	sne.s32 s25, s12;
	[sflag:s21] =	ssyncadd.s32 $0xFFFFC000  }
.Ltmp2:
0x98: {  	[bflag:$0x0] =	sbarrier.arrive $0xFFFF;
	(pc) =	sbr.rel @p0 .LBB2_1-.Ltmp2, $4  }
0x99: {  	[hbm:s11], [sflag:s6] =	dma.local [spmem:s13], $0x2800  }
0x9a: {  	_ =	swait.ge [sflag:s14], $0x2800  }
0x9b: {  	[sflag:s14] =	ssyncset.done $0x0  }
0x9c: {  	[sflag:s14] =	ssyncadd.s32 $0xFFFFD800  }
0x9d: {  	_ =	sfence.sel $0x180000  }
0x9e: {  	[bflag:$0x0] =	sbarrier.arrive $0xFFFF  }
0x9f: {  	p0 =	sne.s32 s2, $0x0;
	_ =	strace $0x9000004D  }
0xa0: {  	s0 =	sadd.s32 @!p0 $0x100000, s0;
	[bflag:$0x2] =	sbarrier.arrive $0xFFFF  }
0xa1: {  	[sflag:s0] =	ssyncadd.tile.s32 @!p0 $0x1;
	_ =	shalt  }
.Lfunc_end2:
_tile_overlayer_lowered:
.L_overlay_start_2:
0xa2: {  	(tag) =	ssettag $0x2  }
0xa3: {  	s0 =	rddreg [dreg:$0x0];
	s2 =	stileid.u32  }
0xa4: {  	s1 =	rddreg [dreg:$0x1];
	p0 =	sne.s32 s2, $0x0  }
0xa5: {  	s3 =	rddreg [dreg:$0x2];
	[bflag:$0x3] =	sbarrier.arrive $0xFFFF;
	s2 =	simm.s32 @!p0 $0x1C05  }
0xa6: {  	[timem:s3], [sflag:s2] =	dma.local @!p0 [hbm:s0], s1  }
0xa7: {  	s0 =	simm.s32 @!p0 $0x5  }
0xa8: {  	_ =	swait.ge @!p0 [sflag:s0], s1  }
0xa9: {  	s1 =	ssub.s32 @!p0 $0x0, s1;
	[sflag:s0] =	ssyncset.done @!p0 $0x0  }
0xaa: {  	[sflag:s0] =	ssyncadd.s32 @!p0 s1  }
0xab: {  	[bflag:$0x3] =	sbarrier.arrive $0xFFFF  }
0xac: {  	_ =	shalt  }

// kernel: kernel.8.cloned.1.call-start
scs
__scs_entry_jumppad:
0x0: {  	(pc) =	sbr.rel $0x88, $3  }
0x1: {  	(tag) =	ssettag $0x0;
	lr =	simm.s32 $0x1  }
0x2: {  	[smem:$0x3F9B] =	sst lr;
	_ =	strace $0xD0000000  }
0x3: {  	_ = 	snop  }
0x4: {  	_ = 	snop  }
0x5: {  	_ = 	snop  }
0x6: {  	_ = 	snop  }
0x7: {  	_ = 	snop  }
__scs_overlays_trampoline_lowered:
0x8: {  	[smem:$0x3FAA] =	sst s0  }
0x9: {  	[smem:$0x3FAB] =	sst s1  }
0xa: {  	[smem:$0x3FAC] =	sst s2  }
0xb: {  	[smem:$0x3FAD] =	sst s3  }
0xc: {  	[smem:$0x3FAE] =	sst s4  }
0xd: {  	[smem:$0x3FAF] =	sst s5  }
0xe: {  	[smem:$0x3FB0] =	sst s6  }
0xf: {  	[smem:$0x3FB1] =	sst s7  }
0x10: {  	[smem:$0x3FB2] =	sst s8  }
0x11: {  	[smem:$0x3FB3] =	sst s9;
	s0 =	simm.s32 @!p0 $0x0  }
0x12: {  	s1 =	sld [smem:$0x3F99];
	s0 =	simm.s32 @p0 $0x1  }
0x13: {  	[smem:$0x3FB4] =	sst s0;
	s0 =	simm.s32 @!p1 $0x0  }
0x14: {  	s2 =	sld [smem:$0x3F98];
	s0 =	simm.s32 @p1 $0x1  }
0x15: {  	[smem:$0x3FB5] =	sst s0;
	s0 =	simm.s32 @!p2 $0x0  }
0x16: {  	s3 =	sld [smem:$0x3FDB];
	s0 =	simm.s32 @p2 $0x1  }
0x17: {  	s4 =	simm.s32 $0x1BF5;
	[smem:$0x3FB7] =	sst s0  }
0x18: {  	s0 =	sld [smem:$0x3F9A];
	_ =	swait.ge [sflag:s4], $0x0  }
0x19: {  	s7 =	sld [smem:$0x3F9B]  }
0x1a: {  	s8 =	sadd.s32 $0xFFFFE003, lr  }
0x1b: {  	s9 =	sadd.s32 $0xFFFFFEF7, lr;
	s5 =	simm.s32 $0xFFFFFFFF;
	p2 =	slt.u32 s8, $0xFFFFF086  }
0x1c: {  	p1 =	slt.u32 s9, $0xF7A;
	s5 =	simm.s32 @!p2 $0x0  }
0x1d: {  	s5 =	simm.s32 @p1 $0x1;
	p0 =	seq.s32 s7, s2  }
0x1e: {  	s7 =	smul.u32 @!p0 $0xF7A, s2;
	p2 =	seq.s32 @!p0 s5, $0x0  }
0x1f: {  	s9 =	smul.u32 $0xF7A, s1;
	s8 =	simm.s32 @!p0 $0x1BF5;
	p2 =	por !p2, p0  }
0x20: {  	[sflag:s8] =	ssyncset.s32 @!p0 $0xFFFFF086;
	s6 =	sadd.s32 @!p0 s3, s7;
	s7 =	simm.s32 @!p0 $0x108  }
0x21: {  	s3 =	sadd.s32 s3, s9;
	s6 =	sadd.s32 @!p0 $0x88, s6;
	s7 =	simm.s32 @p2 $0x1082  }
0x22: {  	[simem:s7], [sflag:s8] =	dma.local @!p0 [hbm:s6], $0xF7A  }
0x23: {  	s9 =	sor.u32 $0xD0000000, s2;
	s6 =	simm.s32 $0x108;
	_ =	swait.ge @!p0 [sflag:s8], $0x0  }
0x24: {  	s3 =	sadd.s32 $0x88, s3;
	s6 =	simm.s32 @!p1 $0x1082;
	[sflag:s4] =	ssyncset.s32 $0xFFFFF086  }
0x25: {  	[simem:s6], [sflag:s4] =	dma.local [hbm:s3], $0xF7A  }
0x26: {  	[smem:$0x3F9B] =	sst s1;
	(tag) =	ssettag s2;
	_ =	strace s9  }
0x27: {  	s1 =	sld [smem:$0x3FAB]  }
0x28: {  	s2 =	sld [smem:$0x3FAC]  }
0x29: {  	s4 =	sld [smem:$0x3FAE]  }
0x2a: {  	p0 =	seq.s32 s5, $0x0;
	s5 =	sld [smem:$0x3FAF]  }
0x2b: {  	s6 =	sld [smem:$0x3FB0]  }
0x2c: {  	s7 =	sld [smem:$0x3FB1]  }
0x2d: {  	s3 =	simm.s32 $0x108;
	s8 =	sld [smem:$0x3FB2]  }
0x2e: {  	s3 =	simm.s32 @!p0 $0x1082;
	s9 =	sld [smem:$0x3FB3]  }
0x2f: {  	lr =	sadd.s32 s0, s3;
	s0 =	sld [smem:$0x3FAA]  }
0x30: {  	s3 =	sld [smem:$0x3FAD]  }
0x31: {  	[smem:$0x3FB6] =	sst s10  }
0x32: {  	s10 =	sld [smem:$0x3FB4];
	_ =	sdelay $0x3  }
0x33: {  	p0 =	seq.s32 s10, $0x1;
	s10 =	sld [smem:$0x3FB6];
	_ =	sdelay $0x3  }
0x34: {  	[smem:$0x3FB6] =	sst s10  }
0x35: {  	s10 =	sld [smem:$0x3FB5];
	_ =	sdelay $0x3  }
0x36: {  	p1 =	seq.s32 s10, $0x1;
	s10 =	sld [smem:$0x3FB6];
	_ =	sdelay $0x3  }
0x37: {  	[smem:$0x3FB6] =	sst s10  }
0x38: {  	s10 =	sld [smem:$0x3FB7]  }
0x39: {  	_ = 	snop;
	(pc) =	sbr.ind lr, $3  }
0x3a: {  	_ = 	snop  }
0x3b: {  	_ = 	snop  }
0x3c: {  	p2 =	seq.s32 s10, $0x1;
	s10 =	sld [smem:$0x3FB6]  }
0x3d: {  	_ =	shalt  }
0x3e: {  	_ =	shalt  }
0x3f: {  	_ =	shalt  }
0x40: {  	_ =	shalt  }
0x41: {  	_ =	shalt  }
0x42: {  	_ =	shalt  }
0x43: {  	_ =	shalt  }
0x44: {  	_ =	shalt  }
0x45: {  	_ =	shalt  }
0x46: {  	_ =	shalt  }
0x47: {  	_ =	shalt  }
0x48: {  	_ =	shalt  }
0x49: {  	_ =	shalt  }
0x4a: {  	_ =	shalt  }
0x4b: {  	_ =	shalt  }
0x4c: {  	_ =	shalt  }
0x4d: {  	_ =	shalt  }
0x4e: {  	_ =	shalt  }
0x4f: {  	_ =	shalt  }
0x50: {  	_ =	shalt  }
0x51: {  	_ =	shalt  }
0x52: {  	_ =	shalt  }
0x53: {  	_ =	shalt  }
0x54: {  	_ =	shalt  }
0x55: {  	_ =	shalt  }
0x56: {  	_ =	shalt  }
0x57: {  	_ =	shalt  }
0x58: {  	_ =	shalt  }
0x59: {  	_ =	shalt  }
0x5a: {  	_ =	shalt  }
0x5b: {  	_ =	shalt  }
0x5c: {  	_ =	shalt  }
0x5d: {  	_ =	shalt  }
0x5e: {  	_ =	shalt  }
0x5f: {  	_ =	shalt  }
0x60: {  	_ =	shalt  }
0x61: {  	_ =	shalt  }
0x62: {  	_ =	shalt  }
0x63: {  	_ =	shalt  }
0x64: {  	_ =	shalt  }
0x65: {  	_ =	shalt  }
0x66: {  	_ =	shalt  }
0x67: {  	_ =	shalt  }
0x68: {  	_ =	shalt  }
0x69: {  	_ =	shalt  }
0x6a: {  	_ =	shalt  }
0x6b: {  	_ =	shalt  }
0x6c: {  	_ =	shalt  }
0x6d: {  	_ =	shalt  }
0x6e: {  	_ =	shalt  }
0x6f: {  	_ =	shalt  }
0x70: {  	_ =	shalt  }
0x71: {  	_ =	shalt  }
0x72: {  	_ =	shalt  }
0x73: {  	_ =	shalt  }
0x74: {  	_ =	shalt  }
0x75: {  	_ =	shalt  }
0x76: {  	_ =	shalt  }
0x77: {  	_ =	shalt  }
0x78: {  	_ =	shalt  }
0x79: {  	_ =	shalt  }
0x7a: {  	_ =	shalt  }
0x7b: {  	_ =	shalt  }
0x7c: {  	_ =	shalt  }
0x7d: {  	_ =	shalt  }
0x7e: {  	_ =	shalt  }
0x7f: {  	_ =	shalt  }
0x80: {  	_ =	shalt  }
0x81: {  	_ =	shalt  }
0x82: {  	_ =	shalt  }
0x83: {  	_ =	shalt  }
0x84: {  	_ =	shalt  }
0x85: {  	_ =	shalt  }
0x86: {  	_ =	shalt  }
0x87: {  	_ =	shalt  }
.Lfunc_end0:
.L_simem_size_0:
called_computation_lowered:
.L_overlay_start_0:
0x88: {  	s2 =	sld [smem:$0x3FD9]  }
0x89: {  	s3 =	sld [smem:$0x3FFE];
	_ =	sdelay $0x1  }
0x8a: {  	s1 =	srdreg.scid  }
0x8b: {  	s0 =	sand.u32 $0x1, s1  }
0x8c: {  	s16 =	sshll.u32 s0, $0xA;
	s2 =	sadd.s32 s3, s2  }
0x8d: {  	s2 =	sadd.s32 s2, s16  }
0x8e: {  	[smem:$0x3FC2] =	sst s2  }
0x8f: {  	_ = 	snop  }
0x90: {  	(tm) =	ssettm $0x1  }
0x91: {  	s17 =	sld [smem:$0x3FFB];
	_ =	sdelay $0x3  }
0x92: {  	_ =	strace s17  }
0x93: {  	s2 =	sld [smem:$0x3FFC];
	_ =	sdelay $0x3  }
0x94: {  	_ =	strace s2  }
0x95: {  	s2 =	sld [smem:$0x3FFD];
	_ =	sdelay $0x3  }
0x96: {  	_ =	strace s2  }
0x97: {  	_ =	strace $0x8FFFFFFF  }
0x98: {  	s18 =	sld [smem:$0x3FDB];
	_ =	sdelay $0x1  }
0x99: {  	s19 =	simm.s32 $_scs_section_size  }
0x9a: {  	s4 =	simm.s32 $_size__tile_overlayer_lowered;
	s5 =	simm.s32 $_tile_overlayer_lowered  }
0x9b: {  	s22 =	simm.s32 $0x1BFF;
	s21 =	sshll.u32 s5, $0x1;
	s2 =	sadd.s32 s19, s18  }
0x9c: {  	s6 =	simm.s32 $0x0;
	s20 =	sshll.u32 s4, $0x1;
	s4 =	sadd.s32 s21, s2  }
0x9d: {  	[timem:s6], [sflag:s22] =	dma.local [hbm:s4], s20  }
0x9e: {  	_ =	swait.ge [sflag:s22], s20  }
0x9f: {  	s3 =	ssub.s32 $0x0, s20;
	[sflag:s22] =	ssyncset.done $0x0  }
0xa0: {  	[sflag:s22] =	ssyncadd.s32 s3;
	_ =	sdelay $0x1  }
0xa1: {  	s23 =	simm.s32 $0x1B8B  }
0xa2: {  	_ =	swait.ge [sflag:s23], $0x1  }
0xa3: {  	[sflag:s23] =	ssyncset.done $0x0  }
0xa4: {  	s25 =	simm.s32 $0x1B8E;
	s24 =	sld [smem:$0x3FFE];
	[sflag:s23] =	ssyncadd.s32 $0xFFFFFFFF  }
0xa5: {  	s26 =	simm.s32 $execute0_lowered;
	[smem:$0x3FD2] =	sst s25  }
0xa6: {  	s4 =	sshll.u32 s26, $0x1;
	_ =	strace $0x80000046;
	[dreg:$0x1] =	wrdreg $0xFFFFFFFF  }
0xa7: {  	s28 =	simm.s32 $_size_execute0_lowered;
	s2 =	sadd.s32 s2, s4;
	[dreg:$0x0] =	wrdreg $0x0  }
0xa8: {  	s4 =	sshll.u32 s28, $0x1;
	[dreg:$0x2] =	wrdreg s2  }
0xa9: {  	[dreg:$0x3] =	wrdreg s4  }
0xaa: {  	[dreg:$0x4] =	wrdreg $0xC0  }
0xab: {  	_ =	task [dreg:s6], $0x5FFFF  }
0xac: {  	[dreg:$0x1] =	wrdreg $0xFFFFFFFF  }
0xad: {  	[dreg:$0x0] =	wrdreg $0x60  }
0xae: {  	[dreg:$0x2] =	wrdreg s24  }
0xaf: {  	[dreg:$0x3] =	wrdreg $0x68000  }
0xb0: {  	[dreg:$0x4] =	wrdreg $0x9  }
0xb1: {  	_ =	task.clear_ibuf [dreg:s6], $0x5FFFF;
	_ =	strace $0x90000046  }
0xb2: {  	s29 =	simm.s32 $0x9;
	_ =	strace $0x80000048  }
0xb3: {  	_ =	swait.ge [sflag:s29], $0x1  }
0xb4: {  	[sflag:s29] =	ssyncadd.s32 $0xFFFFFFFF  }
0xb5: {  	_ =	strace $0x90000048  }
0xb6: {  	_ =	sfence  }
0xb7: {  	s30 =	sld [smem:$0x0];
	_ =	sdelay $0x2  }
0xb8: {  	s31 =	sshll.u32 s1, $0xD;
	s1 =	sshrl.u32 s1, $0x2  }
0xb9: {  	s3 =	sand.u32 $0x4000, s31;
	s1 =	sadd.s32 s1, s30  }
0xba: {  	s0 =	sor.u32 s3, s0;
	s1 =	sshll.u32 s1, $0x11  }
0xbb: {  	s0 =	sor.u32 s1, s0  }
0xbc: {  	s0 =	sadd.s32 $0x8F2B, s0  }
0xbd: {  	[sflag:s0] =	ssyncadd.remote.s32 $0x1  }
0xbe: {  	_ =	sfence.sel $0xFFFF  }
0xbf: {  	[dreg:$0x0] =	wrdreg $0xFFFFFFFF;
	(pc) =	sbr.abs _section_cstart, $3  }
0xc0: {  	[dreg:$0x1] =	wrdreg $0xFFFFFFFF  }
0xc1: {  	_ =	task.clear_ibuf [dreg:s6], $0x2FFFF;
	_ =	strace $0x9FFFFFFF  }
0xc2: {  	(tm) =	ssettm $0x7FFFFFFF  }
0xc3: {  	_ =	shalt  }
tec
execute0_lowered:
.L_overlay_start_1:
0x0: {  	(tag) =	ssettag $0x1  }
0x1: {  	s0 =	srdreg.scid;
	s6 =	rddreg [dreg:$0x0]  }
0x2: {  	s2 =	rddreg [dreg:$0x1];
	s3 =	simm.s32 $0x0;
	s13 =	simm.s32 $0x2800  }
0x3: {  	s14 =	simm.s32 $0x3;
	s15 =	simm.s32 $0x80;
	s16 =	simm.s32 $0x1  }
0x4: {  	s17 =	simm.s32 $0x2;
	s5 =	sand.u32 $0x1, s0;
	s0 =	stileid.u32  }
0x5: {  	s18 =	simm.s32 $0x2700;
	s21 =	simm.s32 $0x0;
	s7 =	smul.u32 $0x2800, s0  }
0x6: {  	[smem:$0x7FF] =	sst s3;
	s1 =	sshll.u32 s5, $0x4;
	s8 =	smul.u32 $0x28000, s5  }
0x7: {  	s9 =	smul.u32 $0x50000, s0;
	s29 =	ssub.s32 $0x2, s5;
	s19 =	sshll.u32 s0, $0x6  }
0x8: {  	s1 =	sor.u32 s0, s1;
	s31 =	sshrl.u32 s29, $0x1;
	s19 =	sor.u32 $0x1C03, s19  }
0x9: {  	s4 =	smul.u32 $0x500, s1;
	s1 =	rddreg [dreg:$0x2];
	_ =	strace $0x80000047  }
0xa: {  	s7 =	sadd.s32 s7, s8;
	s30 =	sshrl.u32 s9, $0x2;
	s12 =	ssub.s32 s29, s31  }
0xb: {  	s11 =	sadd.s32 s7, s6;
	s5 =	sadd.s32 s30, s2;
	s12 =	smax.u32 s12, $0x1  }
0xc: {  	s10 =	sadd.s32 s4, s6;
	s4 =	sadd.s32 $0xC000, s6;
	s6 =	sadd.s32 $0x4000, s5  }
0xd: {  	s7 =	sadd.s32 $0x8000, s5;
	s8 =	sadd.s32 $0xC000, s5;
	s9 =	sadd.s32 $0x10000, s5  }
0xe: {  	s11 =	sadd.s32 $0xC800, s11;
	s20 =	sshrl.u32 s5, $0x3;
	s10 =	sadd.s32 $0x2000, s10  }
.LBB2_1:
0xf: {  	[tilespmem:s13], [sflag:$0x3] =	stream.linear.gather [hbm4b:s4+s3], $0x4000, $0x38;
	[tilespmem:$0x1A840] =	vst v63  }
0x10: {  	_ =	swait.ge [sflag:s14], $0x4000  }
0x11: {  	[sflag:s14] =	ssyncset.done $0x0  }
0x12: {  	[sflag:s14] =	ssyncadd.s32 $0xFFFFC000  }
0x13: {  	[spmem:s5] =	stream.linear.scatter [tilespmem:s13], [sflag:$0x3], $0x4000, $0x38;
	[tilespmem:$0x1A840] =	vst v63  }
0x14: {  	_ =	swait.ge [sflag:s14], $0x4000  }
0x15: {  	[sflag:s14] =	ssyncset.done $0x0  }
0x16: {  	[sflag:s14] =	ssyncadd.s32 $0xFFFFC000  }
0x17: {  	[spmem:s6] =	stream.linear.scatter [tilespmem:s13], [sflag:$0x3], $0x4000, $0x38;
	[tilespmem:$0x1A840] =	vst v63  }
0x18: {  	_ =	swait.ge [sflag:s14], $0x4000  }
0x19: {  	[sflag:s14] =	ssyncset.done $0x0  }
0x1a: {  	[sflag:s14] =	ssyncadd.s32 $0xFFFFC000  }
0x1b: {  	[spmem:s7] =	stream.linear.scatter [tilespmem:s13], [sflag:$0x3], $0x4000, $0x38;
	[tilespmem:$0x1A840] =	vst v63  }
0x1c: {  	_ =	swait.ge [sflag:s14], $0x4000  }
0x1d: {  	[sflag:s14] =	ssyncset.done $0x0  }
0x1e: {  	[sflag:s14] =	ssyncadd.s32 $0xFFFFC000  }
0x1f: {  	[spmem:s8] =	stream.linear.scatter [tilespmem:s13], [sflag:$0x3], $0x4000, $0x38;
	[tilespmem:$0x1A840] =	vst v63  }
0x20: {  	_ =	swait.ge [sflag:s14], $0x4000  }
0x21: {  	[sflag:s14] =	ssyncset.done $0x0  }
0x22: {  	[sflag:s14] =	ssyncadd.s32 $0xFFFFC000  }
0x23: {  	[spmem:s9] =	stream.linear.scatter [tilespmem:s13], [sflag:$0x3], $0x4000, $0x38;
	[tilespmem:$0x1A840] =	vst v63  }
0x24: {  	_ =	swait.ge [sflag:s14], $0x4000  }
0x25: {  	[sflag:s14] =	ssyncset.done $0x0  }
0x26: {  	[sflag:s14] =	ssyncadd.s32 $0xFFFFC000  }
0x27: {  	[tilespmem:s3], [sflag:$0x3] =	stream.linear.gather [hbm4b:s10+s3], $0x2800, $0x38;
	[tilespmem:$0x1A840] =	vst v63  }
0x28: {  	_ =	swait.ge [sflag:s14], $0x2800  }
0x29: {  	[sflag:s14] =	ssyncset.done $0x0  }
0x2a: {  	[sflag:s14] =	ssyncadd.s32 $0xFFFFD800  }
0x2b: {  	s22 =	simm.s32 $0x0;
	[bflag:$0x0] =	sbarrier.arrive $0xFFFF  }
0x2c: {  	[spmem:s2] =	stream.indirect.scatter.add.f32 [tilespmem:s13], [sflag:$0x1], $0x80, s22, s15, $0xb8;
	[tilespmem:$0x1A840] =	vst v63  }
0x2d: {  	s31 =	simm.s32 $0x80  }
0x2e: {  	[spmem:s2] =	stream.indirect.scatter.add.f32 [tilespmem:s13], [sflag:$0x2], $0x80, s31, s15, $0xb8;
	[tilespmem:$0x1A840] =	vst v63  }
0x2f: {  	_ =	swait.ge [sflag:s16], $0x4000  }
0x30: {  	[sflag:s16] =	ssyncset.done $0x0  }
0x31: {  	[sflag:s16] =	ssyncadd.s32 $0xFFFFC000  }
0x32: {  	_ =	swait.ge [sflag:s17], $0x4000  }
0x33: {  	s23 =	simm.s32 $0x800;
	s22 =	simm.s32 $0x400;
	[sflag:s17] =	ssyncset.done $0x0  }
.LBB2_2:
0x34: {  	s24 =	sshra.s32 s22, $0x2  }
0x35: {  	[sflag:s17] =	ssyncadd.s32 $0xFFFFC000;
	s22 =	smov.u32 s23;
	s25 =	sadd.s32 $0x400, s23  }
0x36: {  	[spmem:s2] =	stream.indirect.scatter.add.f32 [tilespmem:s13], [sflag:$0x1], $0x80, s24, s15, $0xb8;
	[tilespmem:$0x1A840] =	vst v63  }
0x37: {  	p0 =	sne.s32 s23, $0x9800;
	s23 =	sadd.s32 $0x80, s24  }
0x38: {  	[spmem:s2] =	stream.indirect.scatter.add.f32 [tilespmem:s13], [sflag:$0x2], $0x80, s23, s15, $0xb8;
	[tilespmem:$0x1A840] =	vst v63  }
.Ltmp0:
0x39: {  	_ =	swait.ge [sflag:s16], $0x4000;
	(pc) =	sbr.rel @p0 .LBB2_2-.Ltmp0, $4  }
0x3a: {  	[sflag:s16] =	ssyncset.done $0x0  }
0x3b: {  	[sflag:s16] =	ssyncadd.s32 $0xFFFFC000  }
0x3c: {  	_ =	swait.ge [sflag:s17], $0x4000  }
0x3d: {  	s23 =	smov.u32 s25;
	[sflag:s17] =	ssyncset.done $0x0  }
0x3e: {  	s22 =	sshra.s32 s22, $0x2;
	[sflag:s17] =	ssyncadd.s32 $0xFFFFC000  }
0x3f: {  	[spmem:s2] =	stream.indirect.scatter.add.f32 [tilespmem:s13], [sflag:$0x1], $0x80, s22, s15, $0xb8;
	[tilespmem:$0x1A840] =	vst v63  }
0x40: {  	s22 =	sadd.s32 $0x80, s22  }
0x41: {  	[spmem:s2] =	stream.indirect.scatter.add.f32 [tilespmem:s13], [sflag:$0x2], $0x80, s22, s15, $0xb8;
	[tilespmem:$0x1A840] =	vst v63  }
0x42: {  	_ =	swait.ge [sflag:s16], $0x4000  }
0x43: {  	[sflag:s16] =	ssyncset.done $0x0  }
0x44: {  	[sflag:s16] =	ssyncadd.s32 $0xFFFFC000  }
0x45: {  	_ =	swait.ge [sflag:s17], $0x4000  }
0x46: {  	[sflag:s17] =	ssyncset.done $0x0  }
0x47: {  	[sflag:s17] =	ssyncadd.s32 $0xFFFFC000  }
0x48: {  	[spmem:s2] =	stream.indirect.scatter.add.f32 [tilespmem:s13], [sflag:$0x1], $0x80, s18, s15, $0xb8;
	[tilespmem:$0x1A840] =	vst v63  }
0x49: {  	_ =	swait.ge [sflag:s16], $0x4000  }
0x4a: {  	s21 =	sadd.s32 $0x1, s21;
	[sflag:s16] =	ssyncset.done $0x0  }
0x4b: {  	p0 =	sne.s32 s21, s12;
	[sflag:s16] =	ssyncadd.s32 $0xFFFFC000  }
.Ltmp1:
0x4c: {  	[bflag:$0x0] =	sbarrier.arrive $0xFFFF;
	(pc) =	sbr.rel @p0 .LBB2_1-.Ltmp1, $4  }
0x4d: {  	[hbm:s11], [sflag:s19] =	dma.local [spmem:s20], $0x2800  }
0x4e: {  	_ =	swait.ge [sflag:s14], $0x2800  }
0x4f: {  	[sflag:s14] =	ssyncset.done $0x0  }
0x50: {  	[sflag:s14] =	ssyncadd.s32 $0xFFFFD800  }
0x51: {  	_ =	sfence.sel $0x180000  }
0x52: {  	[bflag:$0x0] =	sbarrier.arrive $0xFFFF  }
0x53: {  	p0 =	sne.s32 s0, $0x0;
	_ =	strace $0x90000047  }
0x54: {  	s0 =	sadd.s32 @!p0 $0x100000, s1;
	[bflag:$0x2] =	sbarrier.arrive $0xFFFF  }
0x55: {  	[sflag:s0] =	ssyncadd.tile.s32 @!p0 $0x1;
	_ =	shalt  }
.Lfunc_end2:
_tile_overlayer_lowered:
.L_overlay_start_2:
0x56: {  	(tag) =	ssettag $0x2  }
0x57: {  	s0 =	rddreg [dreg:$0x0];
	s2 =	stileid.u32  }
0x58: {  	s1 =	rddreg [dreg:$0x1];
	p0 =	sne.s32 s2, $0x0  }
0x59: {  	s3 =	rddreg [dreg:$0x2];
	[bflag:$0x3] =	sbarrier.arrive $0xFFFF;
	s2 =	simm.s32 @!p0 $0x1C03  }
0x5a: {  	[timem:s3], [sflag:s2] =	dma.local @!p0 [hbm:s0], s1  }
0x5b: {  	s0 =	simm.s32 @!p0 $0x3  }
0x5c: {  	_ =	swait.ge @!p0 [sflag:s0], s1  }
0x5d: {  	s1 =	ssub.s32 @!p0 $0x0, s1;
	[sflag:s0] =	ssyncset.done @!p0 $0x0  }
0x5e: {  	[sflag:s0] =	ssyncadd.s32 @!p0 s1  }
0x5f: {  	[bflag:$0x3] =	sbarrier.arrive $0xFFFF  }
0x60: {  	_ =	shalt  }

</sc_bundles>
